<compile_context>
chip_gen: v7x
topology: tpu7x:2x2x1
jax: 0.10.2.dev20260603
libtpu: 0.0.44.dev20260713+nightly
codegen_flags: <defaults>
</compile_context>

<pallas_src>
import functools
import jax
import jax.numpy as jnp
from jax import lax
from jax.experimental import pallas as pl
from jax.experimental.pallas import tpu as pltpu
from jax.experimental.pallas import tpu_sc as plsc

N_NODES = 10000
N_EDGES = 320000
D_IN = 128
D_HID = 128
D_OUT = 64

NP = 10240
NW = 32
CHUNK = 128
CPT = 80
EPT = CPT * CHUNK
EP = NW * EPT
HCPT = CPT // 2
RPT = NP // 16
ROWB = 512
GRID = NP // ROWB


def _mesh():
    return plsc.VectorSubcoreMesh(core_axis_name="c", subcore_axis_name="s")


def _zero_vmem(buf, nrows, ncols):
    zeros = jnp.zeros((16,), jnp.float32)

    def zrow(i, _):
        def zcol(j, _):
            buf[i, pl.ds(j * 16, 16)] = zeros
            return 0
        return lax.fori_loop(0, ncols // 16, zcol, 0)

    lax.fori_loop(0, nrows, zrow, 0)


def _hist_body(dst_hbm, out_hbm, acc, dst_v, buf):
    c = lax.axis_index("c")
    s = lax.axis_index("s")
    wid = c * 16 + s
    base = s * RPT
    _zero_vmem(buf, CHUNK, 16)

    def zacc(k, _):
        pltpu.sync_copy(buf, acc.at[pl.ds(base + k * CHUNK, CHUNK)])
        return 0
    lax.fori_loop(0, RPT // CHUNK, zacc, 0)

    ones = jnp.ones((16,), jnp.float32)

    def orow(i, _):
        buf[i, pl.ds(0, 16)] = ones
        return 0
    lax.fori_loop(0, CHUNK, orow, 0)

    pltpu.sync_copy(dst_hbm.at[wid], dst_v)
    plsc.subcore_barrier()

    def step(j, _):
        pltpu.sync_copy(buf, acc.at[dst_v.at[j]], add=True)
        return 0
    lax.fori_loop(0, CPT, step, 0)
    plsc.subcore_barrier()

    def wout(k, _):
        pltpu.sync_copy(acc.at[pl.ds(base + k * CHUNK, CHUNK)],
                        out_hbm.at[c, pl.ds(base + k * CHUNK, CHUNK)])
        return 0
    lax.fori_loop(0, RPT // CHUNK, wout, 0)


@functools.partial(
    pl.kernel,
    out_type=jax.ShapeDtypeStruct((2, NP, 16), jnp.float32),
    mesh=_mesh(),
    scratch_types=[
        pltpu.VMEM_SHARED((NP, 16), jnp.float32),
        pltpu.VMEM((CPT, CHUNK), jnp.int32),
        pltpu.VMEM((CHUNK, 16), jnp.float32),
    ],
)
def _hist(dst_hbm, out_hbm, acc, dst_v, buf):
    _hist_body(dst_hbm, out_hbm, acc, dst_v, buf)


def _agg_body(g_hbm, src_hbm, dst_hbm, out_hbm, acc,
              src_v, dst_v, rows0, rows1, gs0, gs1, ss0, ss1):
    c = lax.axis_index("c")
    s = lax.axis_index("s")
    wid = c * 16 + s
    base = s * RPT
    _zero_vmem(rows0, CHUNK, D_HID)

    def zacc(k, _):
        pltpu.sync_copy(rows0, acc.at[pl.ds(base + k * CHUNK, CHUNK)])
        return 0
    lax.fori_loop(0, RPT // CHUNK, zacc, 0)

    plsc.subcore_barrier()

    def half(h, _):
        pltpu.sync_copy(src_hbm.at[wid, pl.ds(h * HCPT, HCPT)], src_v)
        pltpu.sync_copy(dst_hbm.at[wid, pl.ds(h * HCPT, HCPT)], dst_v)
        pltpu.async_copy(g_hbm.at[src_v.at[0]], rows0, gs0)
        pltpu.async_copy(g_hbm.at[src_v.at[1]], rows1, gs1)

        def step(i, _):
            j0 = 2 * i
            pltpu.make_async_copy(g_hbm.at[src_v.at[j0]], rows0, gs0).wait()
            pltpu.sync_copy(rows0, acc.at[dst_v.at[j0]], add=True)

            @pl.when(i < HCPT // 2 - 1)
            def _():
                pltpu.async_copy(g_hbm.at[src_v.at[j0 + 2]], rows0, gs0)

            pltpu.make_async_copy(g_hbm.at[src_v.at[j0 + 1]], rows1, gs1).wait()
            pltpu.sync_copy(rows1, acc.at[dst_v.at[j0 + 1]], add=True)

            @pl.when(i < HCPT // 2 - 1)
            def _():
                pltpu.async_copy(g_hbm.at[src_v.at[j0 + 3]], rows1, gs1)
            return 0
        lax.fori_loop(0, HCPT // 2, step, 0)
        return 0
    lax.fori_loop(0, 2, half, 0)
    plsc.subcore_barrier()

    def wout(k, _):
        pltpu.sync_copy(acc.at[pl.ds(base + k * CHUNK, CHUNK)],
                        out_hbm.at[c, pl.ds(base + k * CHUNK, CHUNK)])
        return 0
    lax.fori_loop(0, RPT // CHUNK, wout, 0)


@functools.partial(
    pl.kernel,
    out_type=jax.ShapeDtypeStruct((2, NP, D_HID), jnp.float32),
    mesh=_mesh(),
    scratch_types=[
        pltpu.VMEM_SHARED((NP, D_HID), jnp.float32),
        pltpu.VMEM((HCPT, CHUNK), jnp.int32),
        pltpu.VMEM((HCPT, CHUNK), jnp.int32),
        pltpu.VMEM((CHUNK, D_HID), jnp.float32),
        pltpu.VMEM((CHUNK, D_HID), jnp.float32),
        pltpu.SemaphoreType.DMA,
        pltpu.SemaphoreType.DMA,
        pltpu.SemaphoreType.DMA,
        pltpu.SemaphoreType.DMA,
    ],
)
def _agg(g_hbm, src_hbm, dst_hbm, out_hbm, acc,
         src_v, dst_v, rows0, rows1, gs0, gs1, ss0, ss1):
    _agg_body(g_hbm, src_hbm, dst_hbm, out_hbm, acc,
              src_v, dst_v, rows0, rows1, gs0, gs1, ss0, ss1)


def _dis_of(h_ref):
    deg = h_ref[0, :, 0:1] + h_ref[1, :, 0:1] + 1.0
    return lax.rsqrt(deg)


def _k1_body(x_ref, w_ref, h_ref, g_ref):
    dis = _dis_of(h_ref)
    p = jnp.dot(x_ref[...], w_ref[...], preferred_element_type=jnp.float32)
    g_ref[...] = dis * p


def _k23_body(s_ref, g_ref, h_ref, w_ref, b_ref, gout_ref, apply_w):
    dis = _dis_of(h_ref)
    agg = s_ref[0] + s_ref[1]
    h = jnp.maximum(dis * agg + dis * g_ref[...] + b_ref[...], 0.0)
    if apply_w:
        pnew = jnp.dot(h, w_ref[...], preferred_element_type=jnp.float32)
    else:
        pnew = h
    gout_ref[...] = dis * pnew


def _k4_body(s_ref, g_ref, h_ref, wmu_ref, bmu_ref, wlv_ref, blv_ref,
             mu_ref, lv_ref):
    dis = _dis_of(h_ref)
    agg = s_ref[0] + s_ref[1]
    a3 = dis * agg + dis * g_ref[...]
    mu_ref[...] = jnp.dot(a3, wmu_ref[...], preferred_element_type=jnp.float32) + bmu_ref[...]
    lv_ref[...] = jnp.dot(a3, wlv_ref[...], preferred_element_type=jnp.float32) + blv_ref[...]


def _row_spec(width):
    return pl.BlockSpec((ROWB, width), lambda i: (i, 0))


def _part_spec(width):
    return pl.BlockSpec((2, ROWB, width), lambda i: (0, i, 0))


def _full_spec(r, cmax):
    return pl.BlockSpec((r, cmax), lambda i: (0, 0))


@jax.jit
def kernel(x, edge_index, W1, b1, W2, b2, W_mu, b_mu, W_logvar, b_logvar):
    src = edge_index[0]
    dst = edge_index[1]
    pad = (N_NODES
           + jnp.arange(EP - N_EDGES, dtype=jnp.int32) % (NP - N_NODES))
    src3 = jnp.concatenate([src, pad]).reshape(NW, CPT, CHUNK)
    dst3 = jnp.concatenate([dst, pad]).reshape(NW, CPT, CHUNK)
    xp = jnp.pad(x, ((0, NP - N_NODES), (0, 0)))
    b1r = b1.reshape(1, -1)
    b2r = b2.reshape(1, -1)
    bmur = b_mu.reshape(1, -1)
    blvr = b_logvar.reshape(1, -1)

    hist = _hist(dst3)

    g1 = pl.pallas_call(
        _k1_body,
        grid=(GRID,),
        in_specs=[_row_spec(D_IN), _full_spec(D_IN, D_HID), _part_spec(16)],
        out_specs=_row_spec(D_HID),
        out_shape=jax.ShapeDtypeStruct((NP, D_HID), jnp.float32),
    )(xp, W1, hist)

    s1 = _agg(g1, src3, dst3)

    g2 = pl.pallas_call(
        functools.partial(_k23_body, apply_w=True),
        grid=(GRID,),
        in_specs=[_part_spec(D_HID), _row_spec(D_HID), _part_spec(16),
                  _full_spec(D_HID, D_HID), _full_spec(1, D_HID)],
        out_specs=_row_spec(D_HID),
        out_shape=jax.ShapeDtypeStruct((NP, D_HID), jnp.float32),
    )(s1, g1, hist, W2, b1r)

    s2 = _agg(g2, src3, dst3)

    g3 = pl.pallas_call(
        functools.partial(_k23_body, apply_w=False),
        grid=(GRID,),
        in_specs=[_part_spec(D_HID), _row_spec(D_HID), _part_spec(16),
                  _full_spec(D_HID, D_HID), _full_spec(1, D_HID)],
        out_specs=_row_spec(D_HID),
        out_shape=jax.ShapeDtypeStruct((NP, D_HID), jnp.float32),
    )(s2, g2, hist, W2, b2r)

    s3 = _agg(g3, src3, dst3)

    mu, lv = pl.pallas_call(
        _k4_body,
        grid=(GRID,),
        in_specs=[_part_spec(D_HID), _row_spec(D_HID), _part_spec(16),
                  _full_spec(D_HID, D_OUT), _full_spec(1, D_OUT),
                  _full_spec(D_HID, D_OUT), _full_spec(1, D_OUT)],
        out_specs=[_row_spec(D_OUT), _row_spec(D_OUT)],
        out_shape=[jax.ShapeDtypeStruct((NP, D_OUT), jnp.float32)] * 2,
    )(s3, g3, hist, W_mu, bmur, W_logvar, blvr)

    return (mu[:N_NODES], lv[:N_NODES])

# --- scband reference (transcript-rebuilt; emitter-appended) ---
"""Pipeline reference for scband-variational-gcnencoder-52209622450441 (READ-ONLY COPY).

The authoritative reference and input builder live on the scoring server;
editing this copy changes nothing except your own understanding.
"""

import jax, jax.numpy as jnp
import numpy as np

N_NODES = 10000
N_EDGES = 320000
D_IN = 128
D_HID = 128
D_OUT = 64


def setup_inputs(seed: int = 0) -> dict:
    key = jax.random.key(seed)
    ks = jax.random.split(key, 12)
    x = jax.random.normal(ks[0], (N_NODES, D_IN), dtype=jnp.float32)
    edge_index = jax.random.randint(ks[1], (2, N_EDGES), 0, N_NODES, dtype=jnp.int32)

    def glorot(k, fan_in, fan_out):
        s = jnp.sqrt(2.0 / (fan_in + fan_out))
        return jax.random.normal(k, (fan_in, fan_out), dtype=jnp.float32) * s

    return {
        "x": x,
        "edge_index": edge_index,
        "W1": glorot(ks[2], D_IN, D_HID),
        "b1": jnp.zeros((D_HID,), dtype=jnp.float32),
        "W2": glorot(ks[3], D_HID, D_HID),
        "b2": jnp.zeros((D_HID,), dtype=jnp.float32),
        "W_mu": glorot(ks[4], D_HID, D_OUT),
        "b_mu": jnp.zeros((D_OUT,), dtype=jnp.float32),
        "W_logvar": glorot(ks[5], D_HID, D_OUT),
        "b_logvar": jnp.zeros((D_OUT,), dtype=jnp.float32),
    }


def reference(x, edge_index, W1, b1, W2, b2, W_mu, b_mu, W_logvar, b_logvar):
    N = x.shape[0]
    src = edge_index[0]
    dst = edge_index[1]
    # GCNConv default: add self loops, symmetric normalization
    loop = jnp.arange(N, dtype=src.dtype)
    src_sl = jnp.concatenate([src, loop])
    dst_sl = jnp.concatenate([dst, loop])
    deg = jax.ops.segment_sum(jnp.ones_like(dst_sl, dtype=x.dtype), dst_sl, num_segments=N)
    deg_inv_sqrt = jnp.where(deg > 0, jax.lax.rsqrt(jnp.maximum(deg, 1e-12)), 0.0)
    norm = deg_inv_sqrt[src_sl] * deg_inv_sqrt[dst_sl]

    def gcn_conv(h, W, b):
        h = h @ W
        msg = h[src_sl] * norm[:, None]
        out = jax.ops.segment_sum(msg, dst_sl, num_segments=N)
        return out + b

    h = jax.nn.relu(gcn_conv(x, W1, b1))
    h = jax.nn.relu(gcn_conv(h, W2, b2))
    mu = gcn_conv(h, W_mu, b_mu)
    logvar = gcn_conv(h, W_logvar, b_logvar)
    return (mu, logvar)

if __name__ == "__main__":
    import jax
    _d = setup_inputs()
    print(jax.jit(kernel)(*tuple(_d.values())))

</pallas_src>

<mosaic_0001>
#map = affine_map<(d0, d1) -> (0, 0)>
#map1 = affine_map<(d0, d1) -> (0, 0, 0)>
module attributes {stable_mosaic.version = 14 : i64} {
  func.func @_agg(%arg0: i32, %arg1: i32, %arg2: memref<10240x128xf32, #tpu.memory_space<hbm>>, %arg3: memref<32x80x128xi32, #tpu.memory_space<hbm>>, %arg4: memref<32x80x128xi32, #tpu.memory_space<hbm>>, %arg5: memref<2x10240x128xf32, #tpu.memory_space<hbm>>, %arg6: memref<10240x128xf32, #tpu.memory_space<vmem_shared>>, %arg7: memref<40x128xi32, #tpu.memory_space<vmem>>, %arg8: memref<40x128xi32, #tpu.memory_space<vmem>>, %arg9: memref<128x128xf32, #tpu.memory_space<vmem>>, %arg10: memref<128x128xf32, #tpu.memory_space<vmem>>, %arg11: memref<!tpu.dma_semaphore, #tpu.memory_space<semaphore_mem>>, %arg12: memref<!tpu.dma_semaphore, #tpu.memory_space<semaphore_mem>>, %arg13: memref<!tpu.dma_semaphore, #tpu.memory_space<semaphore_mem>>, %arg14: memref<!tpu.dma_semaphore, #tpu.memory_space<semaphore_mem>>) attributes {dimension_semantics = [#tpu.dimension_semantics<core_parallel>, #tpu.dimension_semantics<subcore_parallel>], iteration_bounds = array<i64: 2, 16>, scalar_prefetch = 0 : i64, scratch_operands = 9 : i64, tpu.core_type = #tpu.core_type<sc_vector_subcore>, window_params = [{transform_indices = #map}, {transform_indices = #map1}, {transform_indices = #map1}, {transform_indices = #map1}]} {
    %mul3A = arith.constant 16 : i32
    %mul3A_0 = arith.muli %arg0, %mul3A : i32
    %add3A = arith.addi %mul3A_0, %arg1 : i32
    %mul3A_1 = arith.constant 640 : i32
    %mul3A_2 = arith.muli %arg1, %mul3A_1 : i32
    %broadcast_in_dim3A = arith.constant 0.000000e+00 : f32
    %broadcast_in_dim3A_3 = vector.broadcast %broadcast_in_dim3A : f32 to vector<16xf32>
    %scan3A = arith.constant 0 : i32
    %scan3A_4 = arith.constant 0 : i32
    %scan3A_5 = arith.constant 128 : i32
    %scan3A_6 = arith.addi %scan3A_4, %scan3A_5 : i32
    %scan3A_7 = arith.constant 1 : i32
    %scan3A_8 = scf.for %scan3A_32 = %scan3A_4 to %scan3A_6 step %scan3A_7 iter_args(%scan3A_33 = %scan3A) -> (i32)  : i32 {
      %scan3A_34 = arith.constant 0 : i32
      %scan3A_35 = arith.constant 0 : i32
      %scan3A_36 = arith.constant 8 : i32
      %scan3A_37 = arith.addi %scan3A_35, %scan3A_36 : i32
      %scan3A_38 = arith.constant 1 : i32
      %scan3A_39 = scf.for %scan3A_41 = %scan3A_35 to %scan3A_37 step %scan3A_38 iter_args(%scan3A_42 = %scan3A_34) -> (i32)  : i32 {
        %mul3A_43 = arith.constant 16 : i32
        %mul3A_44 = arith.muli %scan3A_41, %mul3A_43 : i32
        %swap3A = arith.index_cast %scan3A_32 : i32 to index
        %swap3A_45 = arith.index_cast %mul3A_44 : i32 to index
        %swap3A_46 = tpu.vector_load %arg9[%swap3A, %swap3A_45] {strides = array<i32>} : memref<128x128xf32, #tpu.memory_space<vmem>>, vector<1x16xf32>,
        %swap3A_47 = vector.shape_cast %swap3A_46 : vector<1x16xf32> to vector<16xf32>
        %swap3A_48 = vector.shape_cast %broadcast_in_dim3A_3 : vector<16xf32> to vector<1x16xf32>
        tpu.vector_store %arg9[%swap3A, %swap3A_45], %swap3A_48 {strides = array<i32>} : memref<128x128xf32, #tpu.memory_space<vmem>>, vector<1x16xf32>,
        %scan3A_49 = arith.constant 0 : i32
        scf.yield %scan3A_49 : i32
      }
      %scan3A_40 = arith.constant 8 : i32
      scf.yield %scan3A_39 : i32
    }
    %scan3A_9 = arith.constant 128 : i32
    %scan3A_10 = arith.constant 0 : i32
    %scan3A_11 = arith.constant 0 : i32
    %scan3A_12 = arith.constant 5 : i32
    %scan3A_13 = arith.addi %scan3A_11, %scan3A_12 : i32
    %scan3A_14 = arith.constant 1 : i32
    %scan3A_15 = scf.for %scan3A_32 = %scan3A_11 to %scan3A_13 step %scan3A_14 iter_args(%scan3A_33 = %scan3A_10) -> (i32)  : i32 {
      %mul3A_34 = arith.constant 128 : i32
      %mul3A_35 = arith.muli %scan3A_32, %mul3A_34 : i32
      %add3A_36 = arith.addi %mul3A_2, %mul3A_35 : i32
      "tpu.region"() ({
        %run_scoped3A = tpu.sem_alloc : memref<!tpu.dma_semaphore, #tpu.memory_space<semaphore_mem>>
        %dma_start3A = arith.constant 0 : i32
        %dma_start3A_38 = tpu.memref_slice %arg6[%add3A_36, %dma_start3A] : memref<10240x128xf32, #tpu.memory_space<vmem_shared>> -> memref<128x128xf32, #tpu.memory_space<vmem_shared>>
        %dma_start3A_39 = arith.constant 0 : i32
        %dma_start3A_40 = tpu.memref_slice %arg6[%add3A_36, %dma_start3A_39] : memref<10240x128xf32, #tpu.memory_space<vmem_shared>> -> memref<128x128xf32, #tpu.memory_space<vmem_shared>>
        tpu.enqueue_dma source(%arg9 : memref<128x128xf32, #tpu.memory_space<vmem>>) target(%dma_start3A_40 : memref<128x128xf32, #tpu.memory_space<vmem_shared>>) target_semaphore(%run_scoped3A : memref<!tpu.dma_semaphore, #tpu.memory_space<semaphore_mem>>)
        %dma_wait3A = arith.constant 0 : i32
        %dma_wait3A_41 = tpu.memref_slice %arg6[%add3A_36, %dma_wait3A] : memref<10240x128xf32, #tpu.memory_space<vmem_shared>> -> memref<128x128xf32, #tpu.memory_space<vmem_shared>>
        %dma_wait3A_42 = arith.constant 0 : i32
        %dma_wait3A_43 = tpu.memref_slice %arg6[%add3A_36, %dma_wait3A_42] : memref<10240x128xf32, #tpu.memory_space<vmem_shared>> -> memref<128x128xf32, #tpu.memory_space<vmem_shared>>
        tpu.wait_dma2 semaphore(%run_scoped3A : memref<!tpu.dma_semaphore, #tpu.memory_space<semaphore_mem>>) src(%arg9 : memref<128x128xf32, #tpu.memory_space<vmem>>) dst(%dma_wait3A_43 : memref<128x128xf32, #tpu.memory_space<vmem_shared>>)
        tpu.yield
      }) : () -> ()
      %scan3A_37 = arith.constant 0 : i32
      scf.yield %scan3A_37 : i32
    }
    %scan3A_16 = arith.constant 5 : i32
    %barrier3A = arith.constant 0 : index
    tpu.barrier barrier_id(%barrier3A)
    %scan3A_17 = arith.constant 0 : i32
    %scan3A_18 = arith.constant 0 : i32
    %scan3A_19 = arith.constant 2 : i32
    %scan3A_20 = arith.addi %scan3A_18, %scan3A_19 : i32
    %scan3A_21 = arith.constant 1 : i32
    %scan3A_22 = scf.for %scan3A_32 = %scan3A_18 to %scan3A_20 step %scan3A_21 iter_args(%scan3A_33 = %scan3A_17) -> (i32)  : i32 {
      %mul3A_34 = arith.constant 40 : i32
      %mul3A_35 = arith.muli %scan3A_32, %mul3A_34 : i32
      "tpu.region"() ({
        %run_scoped3A = tpu.sem_alloc : memref<!tpu.dma_semaphore, #tpu.memory_space<semaphore_mem>>
        %dma_start3A_59 = arith.constant 0 : i32
        %dma_start3A_60 = tpu.memref_slice %arg3[%add3A, %mul3A_35, %dma_start3A_59] : memref<32x80x128xi32, #tpu.memory_space<hbm>> -> memref<1x40x128xi32, #tpu.memory_space<hbm>>
        %dma_start3A_61 = tpu.memref_squeeze %dma_start3A_60 : memref<1x40x128xi32, #tpu.memory_space<hbm>> -> memref<40x128xi32, #tpu.memory_space<hbm>>
        %dma_start3A_62 = arith.constant 0 : i32
        %dma_start3A_63 = tpu.memref_slice %arg3[%add3A, %mul3A_35, %dma_start3A_62] : memref<32x80x128xi32, #tpu.memory_space<hbm>> -> memref<1x40x128xi32, #tpu.memory_space<hbm>>
        %dma_start3A_64 = tpu.memref_squeeze %dma_start3A_63 : memref<1x40x128xi32, #tpu.memory_space<hbm>> -> memref<40x128xi32, #tpu.memory_space<hbm>>
        tpu.enqueue_dma source(%dma_start3A_64 : memref<40x128xi32, #tpu.memory_space<hbm>>) target(%arg7 : memref<40x128xi32, #tpu.memory_space<vmem>>) target_semaphore(%run_scoped3A : memref<!tpu.dma_semaphore, #tpu.memory_space<semaphore_mem>>)
        %dma_wait3A = arith.constant 0 : i32
        %dma_wait3A_65 = tpu.memref_slice %arg3[%add3A, %mul3A_35, %dma_wait3A] : memref<32x80x128xi32, #tpu.memory_space<hbm>> -> memref<1x40x128xi32, #tpu.memory_space<hbm>>
        %dma_wait3A_66 = tpu.memref_squeeze %dma_wait3A_65 : memref<1x40x128xi32, #tpu.memory_space<hbm>> -> memref<40x128xi32, #tpu.memory_space<hbm>>
        %dma_wait3A_67 = arith.constant 0 : i32
        %dma_wait3A_68 = tpu.memref_slice %arg3[%add3A, %mul3A_35, %dma_wait3A_67] : memref<32x80x128xi32, #tpu.memory_space<hbm>> -> memref<1x40x128xi32, #tpu.memory_space<hbm>>
        %dma_wait3A_69 = tpu.memref_squeeze %dma_wait3A_68 : memref<1x40x128xi32, #tpu.memory_space<hbm>> -> memref<40x128xi32, #tpu.memory_space<hbm>>
        tpu.wait_dma2 semaphore(%run_scoped3A : memref<!tpu.dma_semaphore, #tpu.memory_space<semaphore_mem>>) src(%dma_wait3A_69 : memref<40x128xi32, #tpu.memory_space<hbm>>) dst(%arg7 : memref<40x128xi32, #tpu.memory_space<vmem>>)
        tpu.yield
      }) : () -> ()
      %mul3A_36 = arith.constant 40 : i32
      %mul3A_37 = arith.muli %scan3A_32, %mul3A_36 : i32
      "tpu.region"() ({
        %run_scoped3A = tpu.sem_alloc : memref<!tpu.dma_semaphore, #tpu.memory_space<semaphore_mem>>
        %dma_start3A_59 = arith.constant 0 : i32
        %dma_start3A_60 = tpu.memref_slice %arg4[%add3A, %mul3A_37, %dma_start3A_59] : memref<32x80x128xi32, #tpu.memory_space<hbm>> -> memref<1x40x128xi32, #tpu.memory_space<hbm>>
        %dma_start3A_61 = tpu.memref_squeeze %dma_start3A_60 : memref<1x40x128xi32, #tpu.memory_space<hbm>> -> memref<40x128xi32, #tpu.memory_space<hbm>>
        %dma_start3A_62 = arith.constant 0 : i32
        %dma_start3A_63 = tpu.memref_slice %arg4[%add3A, %mul3A_37, %dma_start3A_62] : memref<32x80x128xi32, #tpu.memory_space<hbm>> -> memref<1x40x128xi32, #tpu.memory_space<hbm>>
        %dma_start3A_64 = tpu.memref_squeeze %dma_start3A_63 : memref<1x40x128xi32, #tpu.memory_space<hbm>> -> memref<40x128xi32, #tpu.memory_space<hbm>>
        tpu.enqueue_dma source(%dma_start3A_64 : memref<40x128xi32, #tpu.memory_space<hbm>>) target(%arg8 : memref<40x128xi32, #tpu.memory_space<vmem>>) target_semaphore(%run_scoped3A : memref<!tpu.dma_semaphore, #tpu.memory_space<semaphore_mem>>)
        %dma_wait3A = arith.constant 0 : i32
        %dma_wait3A_65 = tpu.memref_slice %arg4[%add3A, %mul3A_37, %dma_wait3A] : memref<32x80x128xi32, #tpu.memory_space<hbm>> -> memref<1x40x128xi32, #tpu.memory_space<hbm>>
        %dma_wait3A_66 = tpu.memref_squeeze %dma_wait3A_65 : memref<1x40x128xi32, #tpu.memory_space<hbm>> -> memref<40x128xi32, #tpu.memory_space<hbm>>
        %dma_wait3A_67 = arith.constant 0 : i32
        %dma_wait3A_68 = tpu.memref_slice %arg4[%add3A, %mul3A_37, %dma_wait3A_67] : memref<32x80x128xi32, #tpu.memory_space<hbm>> -> memref<1x40x128xi32, #tpu.memory_space<hbm>>
        %dma_wait3A_69 = tpu.memref_squeeze %dma_wait3A_68 : memref<1x40x128xi32, #tpu.memory_space<hbm>> -> memref<40x128xi32, #tpu.memory_space<hbm>>
        tpu.wait_dma2 semaphore(%run_scoped3A : memref<!tpu.dma_semaphore, #tpu.memory_space<semaphore_mem>>) src(%dma_wait3A_69 : memref<40x128xi32, #tpu.memory_space<hbm>>) dst(%arg8 : memref<40x128xi32, #tpu.memory_space<vmem>>)
        tpu.yield
      }) : () -> ()
      %dma_start3A = arith.constant 0 : i32
      %dma_start3A_38 = arith.constant 0 : i32
      %dma_start3A_39 = tpu.memref_slice %arg7[%dma_start3A, %dma_start3A_38] : memref<40x128xi32, #tpu.memory_space<vmem>> -> memref<1x128xi32, #tpu.memory_space<vmem>>
      %dma_start3A_40 = tpu.memref_squeeze %dma_start3A_39 : memref<1x128xi32, #tpu.memory_space<vmem>> -> memref<128xi32, #tpu.memory_space<vmem>>
      %dma_start3A_41 = arith.constant 0 : i32
      %dma_start3A_42 = arith.constant 0 : i32
      %dma_start3A_43 = tpu.memref_slice %arg2[%dma_start3A_41, %dma_start3A_42] : memref<10240x128xf32, #tpu.memory_space<hbm>> -> memref<10240x128xf32, #tpu.memory_space<hbm>>
      tpu.enqueue_indirect_dma source(%dma_start3A_43 : memref<10240x128xf32, #tpu.memory_space<hbm>>) target(%arg9 : memref<128x128xf32, #tpu.memory_space<vmem>>) offsets(%dma_start3A_40 : memref<128xi32, #tpu.memory_space<vmem>>) semaphore(%arg11 : memref<!tpu.dma_semaphore, #tpu.memory_space<semaphore_mem>>)
      %dma_start3A_44 = arith.constant 1 : i32
      %dma_start3A_45 = arith.constant 0 : i32
      %dma_start3A_46 = tpu.memref_slice %arg7[%dma_start3A_44, %dma_start3A_45] : memref<40x128xi32, #tpu.memory_space<vmem>> -> memref<1x128xi32, #tpu.memory_space<vmem>>
      %dma_start3A_47 = tpu.memref_squeeze %dma_start3A_46 : memref<1x128xi32, #tpu.memory_space<vmem>> -> memref<128xi32, #tpu.memory_space<vmem>>
      %dma_start3A_48 = arith.constant 0 : i32
      %dma_start3A_49 = arith.constant 0 : i32
      %dma_start3A_50 = tpu.memref_slice %arg2[%dma_start3A_48, %dma_start3A_49] : memref<10240x128xf32, #tpu.memory_space<hbm>> -> memref<10240x128xf32, #tpu.memory_space<hbm>>
      tpu.enqueue_indirect_dma source(%dma_start3A_50 : memref<10240x128xf32, #tpu.memory_space<hbm>>) target(%arg10 : memref<128x128xf32, #tpu.memory_space<vmem>>) offsets(%dma_start3A_47 : memref<128xi32, #tpu.memory_space<vmem>>) semaphore(%arg12 : memref<!tpu.dma_semaphore, #tpu.memory_space<semaphore_mem>>)
      %scan3A_51 = arith.constant 0 : i32
      %scan3A_52 = arith.constant 0 : i32
      %scan3A_53 = arith.constant 20 : i32
      %scan3A_54 = arith.addi %scan3A_52, %scan3A_53 : i32
      %scan3A_55 = arith.constant 1 : i32
      %scan3A_56 = scf.for %scan3A_59 = %scan3A_52 to %scan3A_54 step %scan3A_55 iter_args(%scan3A_60 = %scan3A_51) -> (i32)  : i32 {
        %mul3A_61 = arith.constant 2 : i32
        %mul3A_62 = arith.muli %mul3A_61, %scan3A_59 : i32
        %dma_wait3A = arith.constant 0 : i32
        %dma_wait3A_63 = tpu.memref_slice %arg7[%mul3A_62, %dma_wait3A] : memref<40x128xi32, #tpu.memory_space<vmem>> -> memref<1x128xi32, #tpu.memory_space<vmem>>
        %dma_wait3A_64 = tpu.memref_squeeze %dma_wait3A_63 : memref<1x128xi32, #tpu.memory_space<vmem>> -> memref<128xi32, #tpu.memory_space<vmem>>
        %dma_wait3A_65 = arith.constant 0 : i32
        %dma_wait3A_66 = arith.constant 0 : i32
        %dma_wait3A_67 = tpu.memref_slice %arg2[%dma_wait3A_65, %dma_wait3A_66] : memref<10240x128xf32, #tpu.memory_space<hbm>> -> memref<10240x128xf32, #tpu.memory_space<hbm>>
        tpu.wait_indirect_dma semaphore(%arg11 : memref<!tpu.dma_semaphore, #tpu.memory_space<semaphore_mem>>) src(%dma_wait3A_67 : memref<10240x128xf32, #tpu.memory_space<hbm>>) dst(%arg9 : memref<128x128xf32, #tpu.memory_space<vmem>>)
        "tpu.region"() ({
          %run_scoped3A = tpu.sem_alloc : memref<!tpu.dma_semaphore, #tpu.memory_space<semaphore_mem>>
          %dma_start3A_86 = arith.constant 0 : i32
          %dma_start3A_87 = tpu.memref_slice %arg8[%mul3A_62, %dma_start3A_86] : memref<40x128xi32, #tpu.memory_space<vmem>> -> memref<1x128xi32, #tpu.memory_space<vmem>>
          %dma_start3A_88 = tpu.memref_squeeze %dma_start3A_87 : memref<1x128xi32, #tpu.memory_space<vmem>> -> memref<128xi32, #tpu.memory_space<vmem>>
          %dma_start3A_89 = arith.constant 0 : i32
          %dma_start3A_90 = arith.constant 0 : i32
          %dma_start3A_91 = tpu.memref_slice %arg6[%dma_start3A_89, %dma_start3A_90] : memref<10240x128xf32, #tpu.memory_space<vmem_shared>> -> memref<10240x128xf32, #tpu.memory_space<vmem_shared>>
          tpu.enqueue_indirect_dma source(%arg9 : memref<128x128xf32, #tpu.memory_space<vmem>>) target(%dma_start3A_91 : memref<10240x128xf32, #tpu.memory_space<vmem_shared>>) offsets(%dma_start3A_88 : memref<128xi32, #tpu.memory_space<vmem>>) semaphore(%run_scoped3A : memref<!tpu.dma_semaphore, #tpu.memory_space<semaphore_mem>>) {add = true}
          %dma_wait3A_92 = arith.constant 0 : i32
          %dma_wait3A_93 = tpu.memref_slice %arg8[%mul3A_62, %dma_wait3A_92] : memref<40x128xi32, #tpu.memory_space<vmem>> -> memref<1x128xi32, #tpu.memory_space<vmem>>
          %dma_wait3A_94 = tpu.memref_squeeze %dma_wait3A_93 : memref<1x128xi32, #tpu.memory_space<vmem>> -> memref<128xi32, #tpu.memory_space<vmem>>
          %dma_wait3A_95 = arith.constant 0 : i32
          %dma_wait3A_96 = arith.constant 0 : i32
          %dma_wait3A_97 = tpu.memref_slice %arg6[%dma_wait3A_95, %dma_wait3A_96] : memref<10240x128xf32, #tpu.memory_space<vmem_shared>> -> memref<10240x128xf32, #tpu.memory_space<vmem_shared>>
          tpu.wait_indirect_dma semaphore(%run_scoped3A : memref<!tpu.dma_semaphore, #tpu.memory_space<semaphore_mem>>) src(%arg9 : memref<128x128xf32, #tpu.memory_space<vmem>>) dst(%dma_wait3A_97 : memref<10240x128xf32, #tpu.memory_space<vmem_shared>>)
          tpu.yield
        }) : () -> ()
        %lt3A = arith.constant 19 : i32
        %lt3A_68 = arith.cmpi slt, %scan3A_59, %lt3A : i32
        %convert_element_type3A = arith.extui %lt3A_68 : i1 to i32
        %cond3A = arith.constant 0 : i32
        %cond3A_69 = arith.cmpi ne, %convert_element_type3A, %cond3A : i32
        scf.if %cond3A_69 {
          %add3A_86 = arith.constant 2 : i32
          %add3A_87 = arith.addi %mul3A_62, %add3A_86 : i32
          %dma_start3A_88 = arith.constant 0 : i32
          %dma_start3A_89 = tpu.memref_slice %arg7[%add3A_87, %dma_start3A_88] : memref<40x128xi32, #tpu.memory_space<vmem>> -> memref<1x128xi32, #tpu.memory_space<vmem>>
          %dma_start3A_90 = tpu.memref_squeeze %dma_start3A_89 : memref<1x128xi32, #tpu.memory_space<vmem>> -> memref<128xi32, #tpu.memory_space<vmem>>
          %dma_start3A_91 = arith.constant 0 : i32
          %dma_start3A_92 = arith.constant 0 : i32
          %dma_start3A_93 = tpu.memref_slice %arg2[%dma_start3A_91, %dma_start3A_92] : memref<10240x128xf32, #tpu.memory_space<hbm>> -> memref<10240x128xf32, #tpu.memory_space<hbm>>
          tpu.enqueue_indirect_dma source(%dma_start3A_93 : memref<10240x128xf32, #tpu.memory_space<hbm>>) target(%arg9 : memref<128x128xf32, #tpu.memory_space<vmem>>) offsets(%dma_start3A_90 : memref<128xi32, #tpu.memory_space<vmem>>) semaphore(%arg11 : memref<!tpu.dma_semaphore, #tpu.memory_space<semaphore_mem>>)
        } else {
        }
        %add3A_70 = arith.constant 1 : i32
        %add3A_71 = arith.addi %mul3A_62, %add3A_70 : i32
        %dma_wait3A_72 = arith.constant 0 : i32
        %dma_wait3A_73 = tpu.memref_slice %arg7[%add3A_71, %dma_wait3A_72] : memref<40x128xi32, #tpu.memory_space<vmem>> -> memref<1x128xi32, #tpu.memory_space<vmem>>
        %dma_wait3A_74 = tpu.memref_squeeze %dma_wait3A_73 : memref<1x128xi32, #tpu.memory_space<vmem>> -> memref<128xi32, #tpu.memory_space<vmem>>
        %dma_wait3A_75 = arith.constant 0 : i32
        %dma_wait3A_76 = arith.constant 0 : i32
        %dma_wait3A_77 = tpu.memref_slice %arg2[%dma_wait3A_75, %dma_wait3A_76] : memref<10240x128xf32, #tpu.memory_space<hbm>> -> memref<10240x128xf32, #tpu.memory_space<hbm>>
        tpu.wait_indirect_dma semaphore(%arg12 : memref<!tpu.dma_semaphore, #tpu.memory_space<semaphore_mem>>) src(%dma_wait3A_77 : memref<10240x128xf32, #tpu.memory_space<hbm>>) dst(%arg10 : memref<128x128xf32, #tpu.memory_space<vmem>>)
        %add3A_78 = arith.constant 1 : i32
        %add3A_79 = arith.addi %mul3A_62, %add3A_78 : i32
        "tpu.region"() ({
          %run_scoped3A = tpu.sem_alloc : memref<!tpu.dma_semaphore, #tpu.memory_space<semaphore_mem>>
          %dma_start3A_86 = arith.constant 0 : i32
          %dma_start3A_87 = tpu.memref_slice %arg8[%add3A_79, %dma_start3A_86] : memref<40x128xi32, #tpu.memory_space<vmem>> -> memref<1x128xi32, #tpu.memory_space<vmem>>
          %dma_start3A_88 = tpu.memref_squeeze %dma_start3A_87 : memref<1x128xi32, #tpu.memory_space<vmem>> -> memref<128xi32, #tpu.memory_space<vmem>>
          %dma_start3A_89 = arith.constant 0 : i32
          %dma_start3A_90 = arith.constant 0 : i32
          %dma_start3A_91 = tpu.memref_slice %arg6[%dma_start3A_89, %dma_start3A_90] : memref<10240x128xf32, #tpu.memory_space<vmem_shared>> -> memref<10240x128xf32, #tpu.memory_space<vmem_shared>>
          tpu.enqueue_indirect_dma source(%arg10 : memref<128x128xf32, #tpu.memory_space<vmem>>) target(%dma_start3A_91 : memref<10240x128xf32, #tpu.memory_space<vmem_shared>>) offsets(%dma_start3A_88 : memref<128xi32, #tpu.memory_space<vmem>>) semaphore(%run_scoped3A : memref<!tpu.dma_semaphore, #tpu.memory_space<semaphore_mem>>) {add = true}
          %dma_wait3A_92 = arith.constant 0 : i32
          %dma_wait3A_93 = tpu.memref_slice %arg8[%add3A_79, %dma_wait3A_92] : memref<40x128xi32, #tpu.memory_space<vmem>> -> memref<1x128xi32, #tpu.memory_space<vmem>>
          %dma_wait3A_94 = tpu.memref_squeeze %dma_wait3A_93 : memref<1x128xi32, #tpu.memory_space<vmem>> -> memref<128xi32, #tpu.memory_space<vmem>>
          %dma_wait3A_95 = arith.constant 0 : i32
          %dma_wait3A_96 = arith.constant 0 : i32
          %dma_wait3A_97 = tpu.memref_slice %arg6[%dma_wait3A_95, %dma_wait3A_96] : memref<10240x128xf32, #tpu.memory_space<vmem_shared>> -> memref<10240x128xf32, #tpu.memory_space<vmem_shared>>
          tpu.wait_indirect_dma semaphore(%run_scoped3A : memref<!tpu.dma_semaphore, #tpu.memory_space<semaphore_mem>>) src(%arg10 : memref<128x128xf32, #tpu.memory_space<vmem>>) dst(%dma_wait3A_97 : memref<10240x128xf32, #tpu.memory_space<vmem_shared>>)
          tpu.yield
        }) : () -> ()
        %lt3A_80 = arith.constant 19 : i32
        %lt3A_81 = arith.cmpi slt, %scan3A_59, %lt3A_80 : i32
        %convert_element_type3A_82 = arith.extui %lt3A_81 : i1 to i32
        %cond3A_83 = arith.constant 0 : i32
        %cond3A_84 = arith.cmpi ne, %convert_element_type3A_82, %cond3A_83 : i32
        scf.if %cond3A_84 {
          %add3A_86 = arith.constant 3 : i32
          %add3A_87 = arith.addi %mul3A_62, %add3A_86 : i32
          %dma_start3A_88 = arith.constant 0 : i32
          %dma_start3A_89 = tpu.memref_slice %arg7[%add3A_87, %dma_start3A_88] : memref<40x128xi32, #tpu.memory_space<vmem>> -> memref<1x128xi32, #tpu.memory_space<vmem>>
          %dma_start3A_90 = tpu.memref_squeeze %dma_start3A_89 : memref<1x128xi32, #tpu.memory_space<vmem>> -> memref<128xi32, #tpu.memory_space<vmem>>
          %dma_start3A_91 = arith.constant 0 : i32
          %dma_start3A_92 = arith.constant 0 : i32
          %dma_start3A_93 = tpu.memref_slice %arg2[%dma_start3A_91, %dma_start3A_92] : memref<10240x128xf32, #tpu.memory_space<hbm>> -> memref<10240x128xf32, #tpu.memory_space<hbm>>
          tpu.enqueue_indirect_dma source(%dma_start3A_93 : memref<10240x128xf32, #tpu.memory_space<hbm>>) target(%arg10 : memref<128x128xf32, #tpu.memory_space<vmem>>) offsets(%dma_start3A_90 : memref<128xi32, #tpu.memory_space<vmem>>) semaphore(%arg12 : memref<!tpu.dma_semaphore, #tpu.memory_space<semaphore_mem>>)
        } else {
        }
        %scan3A_85 = arith.constant 0 : i32
        scf.yield %scan3A_85 : i32
      }
      %scan3A_57 = arith.constant 20 : i32
      %scan3A_58 = arith.constant 0 : i32
      scf.yield %scan3A_58 : i32
    }
    %scan3A_23 = arith.constant 2 : i32
    %barrier3A_24 = arith.constant 0 : index
    tpu.barrier barrier_id(%barrier3A_24)
    %scan3A_25 = arith.constant 0 : i32
    %scan3A_26 = arith.constant 0 : i32
    %scan3A_27 = arith.constant 5 : i32
    %scan3A_28 = arith.addi %scan3A_26, %scan3A_27 : i32
    %scan3A_29 = arith.constant 1 : i32
    %scan3A_30 = scf.for %scan3A_32 = %scan3A_26 to %scan3A_28 step %scan3A_29 iter_args(%scan3A_33 = %scan3A_25) -> (i32)  : i32 {
      %mul3A_34 = arith.constant 128 : i32
      %mul3A_35 = arith.muli %scan3A_32, %mul3A_34 : i32
      %add3A_36 = arith.addi %mul3A_2, %mul3A_35 : i32
      %mul3A_37 = arith.constant 128 : i32
      %mul3A_38 = arith.muli %scan3A_32, %mul3A_37 : i32
      %add3A_39 = arith.addi %mul3A_2, %mul3A_38 : i32
      "tpu.region"() ({
        %run_scoped3A = tpu.sem_alloc : memref<!tpu.dma_semaphore, #tpu.memory_space<semaphore_mem>>
        %dma_start3A = arith.constant 0 : i32
        %dma_start3A_41 = tpu.memref_slice %arg5[%arg0, %add3A_39, %dma_start3A] : memref<2x10240x128xf32, #tpu.memory_space<hbm>> -> memref<1x128x128xf32, #tpu.memory_space<hbm>>
        %dma_start3A_42 = tpu.memref_squeeze %dma_start3A_41 : memref<1x128x128xf32, #tpu.memory_space<hbm>> -> memref<128x128xf32, #tpu.memory_space<hbm>>
        %dma_start3A_43 = arith.constant 0 : i32
        %dma_start3A_44 = tpu.memref_slice %arg6[%add3A_36, %dma_start3A_43] : memref<10240x128xf32, #tpu.memory_space<vmem_shared>> -> memref<128x128xf32, #tpu.memory_space<vmem_shared>>
        tpu.enqueue_dma source(%dma_start3A_44 : memref<128x128xf32, #tpu.memory_space<vmem_shared>>) target(%dma_start3A_42 : memref<128x128xf32, #tpu.memory_space<hbm>>) target_semaphore(%run_scoped3A : memref<!tpu.dma_semaphore, #tpu.memory_space<semaphore_mem>>)
        %dma_wait3A = arith.constant 0 : i32
        %dma_wait3A_45 = tpu.memref_slice %arg5[%arg0, %add3A_39, %dma_wait3A] : memref<2x10240x128xf32, #tpu.memory_space<hbm>> -> memref<1x128x128xf32, #tpu.memory_space<hbm>>
        %dma_wait3A_46 = tpu.memref_squeeze %dma_wait3A_45 : memref<1x128x128xf32, #tpu.memory_space<hbm>> -> memref<128x128xf32, #tpu.memory_space<hbm>>
        %dma_wait3A_47 = arith.constant 0 : i32
        %dma_wait3A_48 = tpu.memref_slice %arg6[%add3A_36, %dma_wait3A_47] : memref<10240x128xf32, #tpu.memory_space<vmem_shared>> -> memref<128x128xf32, #tpu.memory_space<vmem_shared>>
        tpu.wait_dma2 semaphore(%run_scoped3A : memref<!tpu.dma_semaphore, #tpu.memory_space<semaphore_mem>>) src(%dma_wait3A_48 : memref<128x128xf32, #tpu.memory_space<vmem_shared>>) dst(%dma_wait3A_46 : memref<128x128xf32, #tpu.memory_space<hbm>>)
        tpu.yield
      }) : () -> ()
      %scan3A_40 = arith.constant 0 : i32
      scf.yield %scan3A_40 : i32
    }
    %scan3A_31 = arith.constant 5 : i32
    return
  }
}

#map = affine_map<(d0, d1) -> (0, 0)>
#map1 = affine_map<(d0, d1) -> (0, 0, 0)>
module attributes {stable_mosaic.version = 14 : i64} {
  func.func @_agg(%arg0: i32, %arg1: i32, %arg2: memref<10240x128xf32, #tpu.memory_space<hbm>>, %arg3: memref<32x80x128xi32, #tpu.memory_space<hbm>>, %arg4: memref<32x80x128xi32, #tpu.memory_space<hbm>>, %arg5: memref<2x10240x128xf32, #tpu.memory_space<hbm>>, %arg6: memref<10240x128xf32, #tpu.memory_space<vmem_shared>>, %arg7: memref<40x128xi32, #tpu.memory_space<vmem>>, %arg8: memref<40x128xi32, #tpu.memory_space<vmem>>, %arg9: memref<128x128xf32, #tpu.memory_space<vmem>>, %arg10: memref<128x128xf32, #tpu.memory_space<vmem>>, %arg11: memref<!tpu.dma_semaphore, #tpu.memory_space<semaphore_mem>>, %arg12: memref<!tpu.dma_semaphore, #tpu.memory_space<semaphore_mem>>, %arg13: memref<!tpu.dma_semaphore, #tpu.memory_space<semaphore_mem>>, %arg14: memref<!tpu.dma_semaphore, #tpu.memory_space<semaphore_mem>>) attributes {dimension_semantics = [#tpu.dimension_semantics<core_parallel>, #tpu.dimension_semantics<subcore_parallel>], iteration_bounds = array<i64: 2, 16>, scalar_prefetch = 0 : i64, scratch_operands = 9 : i64, tpu.core_type = #tpu.core_type<sc_vector_subcore>, window_params = [{transform_indices = #map}, {transform_indices = #map1}, {transform_indices = #map1}, {transform_indices = #map1}]} {
    %mul3A = arith.constant 16 : i32
    %mul3A_0 = arith.muli %arg0, %mul3A : i32
    %add3A = arith.addi %mul3A_0, %arg1 : i32
    %mul3A_1 = arith.constant 640 : i32
    %mul3A_2 = arith.muli %arg1, %mul3A_1 : i32
    %broadcast_in_dim3A = arith.constant 0.000000e+00 : f32
    %broadcast_in_dim3A_3 = vector.broadcast %broadcast_in_dim3A : f32 to vector<16xf32>
    %scan3A = arith.constant 0 : i32
    %scan3A_4 = arith.constant 0 : i32
    %scan3A_5 = arith.constant 128 : i32
    %scan3A_6 = arith.addi %scan3A_4, %scan3A_5 : i32
    %scan3A_7 = arith.constant 1 : i32
    %scan3A_8 = scf.for %scan3A_32 = %scan3A_4 to %scan3A_6 step %scan3A_7 iter_args(%scan3A_33 = %scan3A) -> (i32)  : i32 {
      %scan3A_34 = arith.constant 0 : i32
      %scan3A_35 = arith.constant 0 : i32
      %scan3A_36 = arith.constant 8 : i32
      %scan3A_37 = arith.addi %scan3A_35, %scan3A_36 : i32
      %scan3A_38 = arith.constant 1 : i32
      %scan3A_39 = scf.for %scan3A_41 = %scan3A_35 to %scan3A_37 step %scan3A_38 iter_args(%scan3A_42 = %scan3A_34) -> (i32)  : i32 {
        %mul3A_43 = arith.constant 16 : i32
        %mul3A_44 = arith.muli %scan3A_41, %mul3A_43 : i32
        %swap3A = arith.index_cast %scan3A_32 : i32 to index
        %swap3A_45 = arith.index_cast %mul3A_44 : i32 to index
        %swap3A_46 = tpu.vector_load %arg9[%swap3A, %swap3A_45] {strides = array<i32>} : memref<128x128xf32, #tpu.memory_space<vmem>>, vector<1x16xf32>,
        %swap3A_47 = vector.shape_cast %swap3A_46 : vector<1x16xf32> to vector<16xf32>
        %swap3A_48 = vector.shape_cast %broadcast_in_dim3A_3 : vector<16xf32> to vector<1x16xf32>
        tpu.vector_store %arg9[%swap3A, %swap3A_45], %swap3A_48 {strides = array<i32>} : memref<128x128xf32, #tpu.memory_space<vmem>>, vector<1x16xf32>,
        %scan3A_49 = arith.constant 0 : i32
        scf.yield %scan3A_49 : i32
      }
      %scan3A_40 = arith.constant 8 : i32
      scf.yield %scan3A_39 : i32
    }
    %scan3A_9 = arith.constant 128 : i32
    %scan3A_10 = arith.constant 0 : i32
    %scan3A_11 = arith.constant 0 : i32
    %scan3A_12 = arith.constant 5 : i32
    %scan3A_13 = arith.addi %scan3A_11, %scan3A_12 : i32
    %scan3A_14 = arith.constant 1 : i32
    %scan3A_15 = scf.for %scan3A_32 = %scan3A_11 to %scan3A_13 step %scan3A_14 iter_args(%scan3A_33 = %scan3A_10) -> (i32)  : i32 {
      %mul3A_34 = arith.constant 128 : i32
      %mul3A_35 = arith.muli %scan3A_32, %mul3A_34 : i32
      %add3A_36 = arith.addi %mul3A_2, %mul3A_35 : i32
      "tpu.region"() ({
        %run_scoped3A = tpu.sem_alloc : memref<!tpu.dma_semaphore, #tpu.memory_space<semaphore_mem>>
        %dma_start3A = arith.constant 0 : i32
        %dma_start3A_38 = tpu.memref_slice %arg6[%add3A_36, %dma_start3A] : memref<10240x128xf32, #tpu.memory_space<vmem_shared>> -> memref<128x128xf32, #tpu.memory_space<vmem_shared>>
        %dma_start3A_39 = arith.constant 0 : i32
        %dma_start3A_40 = tpu.memref_slice %arg6[%add3A_36, %dma_start3A_39] : memref<10240x128xf32, #tpu.memory_space<vmem_shared>> -> memref<128x128xf32, #tpu.memory_space<vmem_shared>>
        tpu.enqueue_dma source(%arg9 : memref<128x128xf32, #tpu.memory_space<vmem>>) target(%dma_start3A_40 : memref<128x128xf32, #tpu.memory_space<vmem_shared>>) target_semaphore(%run_scoped3A : memref<!tpu.dma_semaphore, #tpu.memory_space<semaphore_mem>>)
        %dma_wait3A = arith.constant 0 : i32
        %dma_wait3A_41 = tpu.memref_slice %arg6[%add3A_36, %dma_wait3A] : memref<10240x128xf32, #tpu.memory_space<vmem_shared>> -> memref<128x128xf32, #tpu.memory_space<vmem_shared>>
        %dma_wait3A_42 = arith.constant 0 : i32
        %dma_wait3A_43 = tpu.memref_slice %arg6[%add3A_36, %dma_wait3A_42] : memref<10240x128xf32, #tpu.memory_space<vmem_shared>> -> memref<128x128xf32, #tpu.memory_space<vmem_shared>>
        tpu.wait_dma2 semaphore(%run_scoped3A : memref<!tpu.dma_semaphore, #tpu.memory_space<semaphore_mem>>) src(%arg9 : memref<128x128xf32, #tpu.memory_space<vmem>>) dst(%dma_wait3A_43 : memref<128x128xf32, #tpu.memory_space<vmem_shared>>)
        tpu.yield
      }) : () -> ()
      %scan3A_37 = arith.constant 0 : i32
      scf.yield %scan3A_37 : i32
    }
    %scan3A_16 = arith.constant 5 : i32
    %barrier3A = arith.constant 0 : index
    tpu.barrier barrier_id(%barrier3A)
    %scan3A_17 = arith.constant 0 : i32
    %scan3A_18 = arith.constant 0 : i32
    %scan3A_19 = arith.constant 2 : i32
    %scan3A_20 = arith.addi %scan3A_18, %scan3A_19 : i32
    %scan3A_21 = arith.constant 1 : i32
    %scan3A_22 = scf.for %scan3A_32 = %scan3A_18 to %scan3A_20 step %scan3A_21 iter_args(%scan3A_33 = %scan3A_17) -> (i32)  : i32 {
      %mul3A_34 = arith.constant 40 : i32
      %mul3A_35 = arith.muli %scan3A_32, %mul3A_34 : i32
      "tpu.region"() ({
        %run_scoped3A = tpu.sem_alloc : memref<!tpu.dma_semaphore, #tpu.memory_space<semaphore_mem>>
        %dma_start3A_59 = arith.constant 0 : i32
        %dma_start3A_60 = tpu.memref_slice %arg3[%add3A, %mul3A_35, %dma_start3A_59] : memref<32x80x128xi32, #tpu.memory_space<hbm>> -> memref<1x40x128xi32, #tpu.memory_space<hbm>>
        %dma_start3A_61 = tpu.memref_squeeze %dma_start3A_60 : memref<1x40x128xi32, #tpu.memory_space<hbm>> -> memref<40x128xi32, #tpu.memory_space<hbm>>
        %dma_start3A_62 = arith.constant 0 : i32
        %dma_start3A_63 = tpu.memref_slice %arg3[%add3A, %mul3A_35, %dma_start3A_62] : memref<32x80x128xi32, #tpu.memory_space<hbm>> -> memref<1x40x128xi32, #tpu.memory_space<hbm>>
        %dma_start3A_64 = tpu.memref_squeeze %dma_start3A_63 : memref<1x40x128xi32, #tpu.memory_space<hbm>> -> memref<40x128xi32, #tpu.memory_space<hbm>>
        tpu.enqueue_dma source(%dma_start3A_64 : memref<40x128xi32, #tpu.memory_space<hbm>>) target(%arg7 : memref<40x128xi32, #tpu.memory_space<vmem>>) target_semaphore(%run_scoped3A : memref<!tpu.dma_semaphore, #tpu.memory_space<semaphore_mem>>)
        %dma_wait3A = arith.constant 0 : i32
        %dma_wait3A_65 = tpu.memref_slice %arg3[%add3A, %mul3A_35, %dma_wait3A] : memref<32x80x128xi32, #tpu.memory_space<hbm>> -> memref<1x40x128xi32, #tpu.memory_space<hbm>>
        %dma_wait3A_66 = tpu.memref_squeeze %dma_wait3A_65 : memref<1x40x128xi32, #tpu.memory_space<hbm>> -> memref<40x128xi32, #tpu.memory_space<hbm>>
        %dma_wait3A_67 = arith.constant 0 : i32
        %dma_wait3A_68 = tpu.memref_slice %arg3[%add3A, %mul3A_35, %dma_wait3A_67] : memref<32x80x128xi32, #tpu.memory_space<hbm>> -> memref<1x40x128xi32, #tpu.memory_space<hbm>>
        %dma_wait3A_69 = tpu.memref_squeeze %dma_wait3A_68 : memref<1x40x128xi32, #tpu.memory_space<hbm>> -> memref<40x128xi32, #tpu.memory_space<hbm>>
        tpu.wait_dma2 semaphore(%run_scoped3A : memref<!tpu.dma_semaphore, #tpu.memory_space<semaphore_mem>>) src(%dma_wait3A_69 : memref<40x128xi32, #tpu.memory_space<hbm>>) dst(%arg7 : memref<40x128xi32, #tpu.memory_space<vmem>>)
        tpu.yield
      }) : () -> ()
      %mul3A_36 = arith.constant 40 : i32
      %mul3A_37 = arith.muli %scan3A_32, %mul3A_36 : i32
      "tpu.region"() ({
        %run_scoped3A = tpu.sem_alloc : memref<!tpu.dma_semaphore, #tpu.memory_space<semaphore_mem>>
        %dma_start3A_59 = arith.constant 0 : i32
        %dma_start3A_60 = tpu.memref_slice %arg4[%add3A, %mul3A_37, %dma_start3A_59] : memref<32x80x128xi32, #tpu.memory_space<hbm>> -> memref<1x40x128xi32, #tpu.memory_space<hbm>>
        %dma_start3A_61 = tpu.memref_squeeze %dma_start3A_60 : memref<1x40x128xi32, #tpu.memory_space<hbm>> -> memref<40x128xi32, #tpu.memory_space<hbm>>
        %dma_start3A_62 = arith.constant 0 : i32
        %dma_start3A_63 = tpu.memref_slice %arg4[%add3A, %mul3A_37, %dma_start3A_62] : memref<32x80x128xi32, #tpu.memory_space<hbm>> -> memref<1x40x128xi32, #tpu.memory_space<hbm>>
        %dma_start3A_64 = tpu.memref_squeeze %dma_start3A_63 : memref<1x40x128xi32, #tpu.memory_space<hbm>> -> memref<40x128xi32, #tpu.memory_space<hbm>>
        tpu.enqueue_dma source(%dma_start3A_64 : memref<40x128xi32, #tpu.memory_space<hbm>>) target(%arg8 : memref<40x128xi32, #tpu.memory_space<vmem>>) target_semaphore(%run_scoped3A : memref<!tpu.dma_semaphore, #tpu.memory_space<semaphore_mem>>)
        %dma_wait3A = arith.constant 0 : i32
        %dma_wait3A_65 = tpu.memref_slice %arg4[%add3A, %mul3A_37, %dma_wait3A] : memref<32x80x128xi32, #tpu.memory_space<hbm>> -> memref<1x40x128xi32, #tpu.memory_space<hbm>>
        %dma_wait3A_66 = tpu.memref_squeeze %dma_wait3A_65 : memref<1x40x128xi32, #tpu.memory_space<hbm>> -> memref<40x128xi32, #tpu.memory_space<hbm>>
        %dma_wait3A_67 = arith.constant 0 : i32
        %dma_wait3A_68 = tpu.memref_slice %arg4[%add3A, %mul3A_37, %dma_wait3A_67] : memref<32x80x128xi32, #tpu.memory_space<hbm>> -> memref<1x40x128xi32, #tpu.memory_space<hbm>>
        %dma_wait3A_69 = tpu.memref_squeeze %dma_wait3A_68 : memref<1x40x128xi32, #tpu.memory_space<hbm>> -> memref<40x128xi32, #tpu.memory_space<hbm>>
        tpu.wait_dma2 semaphore(%run_scoped3A : memref<!tpu.dma_semaphore, #tpu.memory_space<semaphore_mem>>) src(%dma_wait3A_69 : memref<40x128xi32, #tpu.memory_space<hbm>>) dst(%arg8 : memref<40x128xi32, #tpu.memory_space<vmem>>)
        tpu.yield
      }) : () -> ()
      %dma_start3A = arith.constant 0 : i32
      %dma_start3A_38 = arith.constant 0 : i32
      %dma_start3A_39 = tpu.memref_slice %arg7[%dma_start3A, %dma_start3A_38] : memref<40x128xi32, #tpu.memory_space<vmem>> -> memref<1x128xi32, #tpu.memory_space<vmem>>
      %dma_start3A_40 = tpu.memref_squeeze %dma_start3A_39 : memref<1x128xi32, #tpu.memory_space<vmem>> -> memref<128xi32, #tpu.memory_space<vmem>>
      %dma_start3A_41 = arith.constant 0 : i32
      %dma_start3A_42 = arith.constant 0 : i32
      %dma_start3A_43 = tpu.memref_slice %arg2[%dma_start3A_41, %dma_start3A_42] : memref<10240x128xf32, #tpu.memory_space<hbm>> -> memref<10240x128xf32, #tpu.memory_space<hbm>>
      tpu.enqueue_indirect_dma source(%dma_start3A_43 : memref<10240x128xf32, #tpu.memory_space<hbm>>) target(%arg9 : memref<128x128xf32, #tpu.memory_space<vmem>>) offsets(%dma_start3A_40 : memref<128xi32, #tpu.memory_space<vmem>>) semaphore(%arg11 : memref<!tpu.dma_semaphore, #tpu.memory_space<semaphore_mem>>)
      %dma_start3A_44 = arith.constant 1 : i32
      %dma_start3A_45 = arith.constant 0 : i32
      %dma_start3A_46 = tpu.memref_slice %arg7[%dma_start3A_44, %dma_start3A_45] : memref<40x128xi32, #tpu.memory_space<vmem>> -> memref<1x128xi32, #tpu.memory_space<vmem>>
      %dma_start3A_47 = tpu.memref_squeeze %dma_start3A_46 : memref<1x128xi32, #tpu.memory_space<vmem>> -> memref<128xi32, #tpu.memory_space<vmem>>
      %dma_start3A_48 = arith.constant 0 : i32
      %dma_start3A_49 = arith.constant 0 : i32
      %dma_start3A_50 = tpu.memref_slice %arg2[%dma_start3A_48, %dma_start3A_49] : memref<10240x128xf32, #tpu.memory_space<hbm>> -> memref<10240x128xf32, #tpu.memory_space<hbm>>
      tpu.enqueue_indirect_dma source(%dma_start3A_50 : memref<10240x128xf32, #tpu.memory_space<hbm>>) target(%arg10 : memref<128x128xf32, #tpu.memory_space<vmem>>) offsets(%dma_start3A_47 : memref<128xi32, #tpu.memory_space<vmem>>) semaphore(%arg12 : memref<!tpu.dma_semaphore, #tpu.memory_space<semaphore_mem>>)
      %scan3A_51 = arith.constant 0 : i32
      %scan3A_52 = arith.constant 0 : i32
      %scan3A_53 = arith.constant 20 : i32
      %scan3A_54 = arith.addi %scan3A_52, %scan3A_53 : i32
      %scan3A_55 = arith.constant 1 : i32
      %scan3A_56 = scf.for %scan3A_59 = %scan3A_52 to %scan3A_54 step %scan3A_55 iter_args(%scan3A_60 = %scan3A_51) -> (i32)  : i32 {
        %mul3A_61 = arith.constant 2 : i32
        %mul3A_62 = arith.muli %mul3A_61, %scan3A_59 : i32
        %dma_wait3A = arith.constant 0 : i32
        %dma_wait3A_63 = tpu.memref_slice %arg7[%mul3A_62, %dma_wait3A] : memref<40x128xi32, #tpu.memory_space<vmem>> -> memref<1x128xi32, #tpu.memory_space<vmem>>
        %dma_wait3A_64 = tpu.memref_squeeze %dma_wait3A_63 : memref<1x128xi32, #tpu.memory_space<vmem>> -> memref<128xi32, #tpu.memory_space<vmem>>
        %dma_wait3A_65 = arith.constant 0 : i32
        %dma_wait3A_66 = arith.constant 0 : i32
        %dma_wait3A_67 = tpu.memref_slice %arg2[%dma_wait3A_65, %dma_wait3A_66] : memref<10240x128xf32, #tpu.memory_space<hbm>> -> memref<10240x128xf32, #tpu.memory_space<hbm>>
        tpu.wait_indirect_dma semaphore(%arg11 : memref<!tpu.dma_semaphore, #tpu.memory_space<semaphore_mem>>) src(%dma_wait3A_67 : memref<10240x128xf32, #tpu.memory_space<hbm>>) dst(%arg9 : memref<128x128xf32, #tpu.memory_space<vmem>>)
        "tpu.region"() ({
          %run_scoped3A = tpu.sem_alloc : memref<!tpu.dma_semaphore, #tpu.memory_space<semaphore_mem>>
          %dma_start3A_86 = arith.constant 0 : i32
          %dma_start3A_87 = tpu.memref_slice %arg8[%mul3A_62, %dma_start3A_86] : memref<40x128xi32, #tpu.memory_space<vmem>> -> memref<1x128xi32, #tpu.memory_space<vmem>>
          %dma_start3A_88 = tpu.memref_squeeze %dma_start3A_87 : memref<1x128xi32, #tpu.memory_space<vmem>> -> memref<128xi32, #tpu.memory_space<vmem>>
          %dma_start3A_89 = arith.constant 0 : i32
          %dma_start3A_90 = arith.constant 0 : i32
          %dma_start3A_91 = tpu.memref_slice %arg6[%dma_start3A_89, %dma_start3A_90] : memref<10240x128xf32, #tpu.memory_space<vmem_shared>> -> memref<10240x128xf32, #tpu.memory_space<vmem_shared>>
          tpu.enqueue_indirect_dma source(%arg9 : memref<128x128xf32, #tpu.memory_space<vmem>>) target(%dma_start3A_91 : memref<10240x128xf32, #tpu.memory_space<vmem_shared>>) offsets(%dma_start3A_88 : memref<128xi32, #tpu.memory_space<vmem>>) semaphore(%run_scoped3A : memref<!tpu.dma_semaphore, #tpu.memory_space<semaphore_mem>>) {add = true}
          %dma_wait3A_92 = arith.constant 0 : i32
          %dma_wait3A_93 = tpu.memref_slice %arg8[%mul3A_62, %dma_wait3A_92] : memref<40x128xi32, #tpu.memory_space<vmem>> -> memref<1x128xi32, #tpu.memory_space<vmem>>
          %dma_wait3A_94 = tpu.memref_squeeze %dma_wait3A_93 : memref<1x128xi32, #tpu.memory_space<vmem>> -> memref<128xi32, #tpu.memory_space<vmem>>
          %dma_wait3A_95 = arith.constant 0 : i32
          %dma_wait3A_96 = arith.constant 0 : i32
          %dma_wait3A_97 = tpu.memref_slice %arg6[%dma_wait3A_95, %dma_wait3A_96] : memref<10240x128xf32, #tpu.memory_space<vmem_shared>> -> memref<10240x128xf32, #tpu.memory_space<vmem_shared>>
          tpu.wait_indirect_dma semaphore(%run_scoped3A : memref<!tpu.dma_semaphore, #tpu.memory_space<semaphore_mem>>) src(%arg9 : memref<128x128xf32, #tpu.memory_space<vmem>>) dst(%dma_wait3A_97 : memref<10240x128xf32, #tpu.memory_space<vmem_shared>>)
          tpu.yield
        }) : () -> ()
        %lt3A = arith.constant 19 : i32
        %lt3A_68 = arith.cmpi slt, %scan3A_59, %lt3A : i32
        %convert_element_type3A = arith.extui %lt3A_68 : i1 to i32
        %cond3A = arith.constant 0 : i32
        %cond3A_69 = arith.cmpi ne, %convert_element_type3A, %cond3A : i32
        scf.if %cond3A_69 {
          %add3A_86 = arith.constant 2 : i32
          %add3A_87 = arith.addi %mul3A_62, %add3A_86 : i32
          %dma_start3A_88 = arith.constant 0 : i32
          %dma_start3A_89 = tpu.memref_slice %arg7[%add3A_87, %dma_start3A_88] : memref<40x128xi32, #tpu.memory_space<vmem>> -> memref<1x128xi32, #tpu.memory_space<vmem>>
          %dma_start3A_90 = tpu.memref_squeeze %dma_start3A_89 : memref<1x128xi32, #tpu.memory_space<vmem>> -> memref<128xi32, #tpu.memory_space<vmem>>
          %dma_start3A_91 = arith.constant 0 : i32
          %dma_start3A_92 = arith.constant 0 : i32
          %dma_start3A_93 = tpu.memref_slice %arg2[%dma_start3A_91, %dma_start3A_92] : memref<10240x128xf32, #tpu.memory_space<hbm>> -> memref<10240x128xf32, #tpu.memory_space<hbm>>
          tpu.enqueue_indirect_dma source(%dma_start3A_93 : memref<10240x128xf32, #tpu.memory_space<hbm>>) target(%arg9 : memref<128x128xf32, #tpu.memory_space<vmem>>) offsets(%dma_start3A_90 : memref<128xi32, #tpu.memory_space<vmem>>) semaphore(%arg11 : memref<!tpu.dma_semaphore, #tpu.memory_space<semaphore_mem>>)
        } else {
        }
        %add3A_70 = arith.constant 1 : i32
        %add3A_71 = arith.addi %mul3A_62, %add3A_70 : i32
        %dma_wait3A_72 = arith.constant 0 : i32
        %dma_wait3A_73 = tpu.memref_slice %arg7[%add3A_71, %dma_wait3A_72] : memref<40x128xi32, #tpu.memory_space<vmem>> -> memref<1x128xi32, #tpu.memory_space<vmem>>
        %dma_wait3A_74 = tpu.memref_squeeze %dma_wait3A_73 : memref<1x128xi32, #tpu.memory_space<vmem>> -> memref<128xi32, #tpu.memory_space<vmem>>
        %dma_wait3A_75 = arith.constant 0 : i32
        %dma_wait3A_76 = arith.constant 0 : i32
        %dma_wait3A_77 = tpu.memref_slice %arg2[%dma_wait3A_75, %dma_wait3A_76] : memref<10240x128xf32, #tpu.memory_space<hbm>> -> memref<10240x128xf32, #tpu.memory_space<hbm>>
        tpu.wait_indirect_dma semaphore(%arg12 : memref<!tpu.dma_semaphore, #tpu.memory_space<semaphore_mem>>) src(%dma_wait3A_77 : memref<10240x128xf32, #tpu.memory_space<hbm>>) dst(%arg10 : memref<128x128xf32, #tpu.memory_space<vmem>>)
        %add3A_78 = arith.constant 1 : i32
        %add3A_79 = arith.addi %mul3A_62, %add3A_78 : i32
        "tpu.region"() ({
          %run_scoped3A = tpu.sem_alloc : memref<!tpu.dma_semaphore, #tpu.memory_space<semaphore_mem>>
          %dma_start3A_86 = arith.constant 0 : i32
          %dma_start3A_87 = tpu.memref_slice %arg8[%add3A_79, %dma_start3A_86] : memref<40x128xi32, #tpu.memory_space<vmem>> -> memref<1x128xi32, #tpu.memory_space<vmem>>
          %dma_start3A_88 = tpu.memref_squeeze %dma_start3A_87 : memref<1x128xi32, #tpu.memory_space<vmem>> -> memref<128xi32, #tpu.memory_space<vmem>>
          %dma_start3A_89 = arith.constant 0 : i32
          %dma_start3A_90 = arith.constant 0 : i32
          %dma_start3A_91 = tpu.memref_slice %arg6[%dma_start3A_89, %dma_start3A_90] : memref<10240x128xf32, #tpu.memory_space<vmem_shared>> -> memref<10240x128xf32, #tpu.memory_space<vmem_shared>>
          tpu.enqueue_indirect_dma source(%arg10 : memref<128x128xf32, #tpu.memory_space<vmem>>) target(%dma_start3A_91 : memref<10240x128xf32, #tpu.memory_space<vmem_shared>>) offsets(%dma_start3A_88 : memref<128xi32, #tpu.memory_space<vmem>>) semaphore(%run_scoped3A : memref<!tpu.dma_semaphore, #tpu.memory_space<semaphore_mem>>) {add = true}
          %dma_wait3A_92 = arith.constant 0 : i32
          %dma_wait3A_93 = tpu.memref_slice %arg8[%add3A_79, %dma_wait3A_92] : memref<40x128xi32, #tpu.memory_space<vmem>> -> memref<1x128xi32, #tpu.memory_space<vmem>>
          %dma_wait3A_94 = tpu.memref_squeeze %dma_wait3A_93 : memref<1x128xi32, #tpu.memory_space<vmem>> -> memref<128xi32, #tpu.memory_space<vmem>>
          %dma_wait3A_95 = arith.constant 0 : i32
          %dma_wait3A_96 = arith.constant 0 : i32
          %dma_wait3A_97 = tpu.memref_slice %arg6[%dma_wait3A_95, %dma_wait3A_96] : memref<10240x128xf32, #tpu.memory_space<vmem_shared>> -> memref<10240x128xf32, #tpu.memory_space<vmem_shared>>
          tpu.wait_indirect_dma semaphore(%run_scoped3A : memref<!tpu.dma_semaphore, #tpu.memory_space<semaphore_mem>>) src(%arg10 : memref<128x128xf32, #tpu.memory_space<vmem>>) dst(%dma_wait3A_97 : memref<10240x128xf32, #tpu.memory_space<vmem_shared>>)
          tpu.yield
        }) : () -> ()
        %lt3A_80 = arith.constant 19 : i32
        %lt3A_81 = arith.cmpi slt, %scan3A_59, %lt3A_80 : i32
        %convert_element_type3A_82 = arith.extui %lt3A_81 : i1 to i32
        %cond3A_83 = arith.constant 0 : i32
        %cond3A_84 = arith.cmpi ne, %convert_element_type3A_82, %cond3A_83 : i32
        scf.if %cond3A_84 {
          %add3A_86 = arith.constant 3 : i32
          %add3A_87 = arith.addi %mul3A_62, %add3A_86 : i32
          %dma_start3A_88 = arith.constant 0 : i32
          %dma_start3A_89 = tpu.memref_slice %arg7[%add3A_87, %dma_start3A_88] : memref<40x128xi32, #tpu.memory_space<vmem>> -> memref<1x128xi32, #tpu.memory_space<vmem>>
          %dma_start3A_90 = tpu.memref_squeeze %dma_start3A_89 : memref<1x128xi32, #tpu.memory_space<vmem>> -> memref<128xi32, #tpu.memory_space<vmem>>
          %dma_start3A_91 = arith.constant 0 : i32
          %dma_start3A_92 = arith.constant 0 : i32
          %dma_start3A_93 = tpu.memref_slice %arg2[%dma_start3A_91, %dma_start3A_92] : memref<10240x128xf32, #tpu.memory_space<hbm>> -> memref<10240x128xf32, #tpu.memory_space<hbm>>
          tpu.enqueue_indirect_dma source(%dma_start3A_93 : memref<10240x128xf32, #tpu.memory_space<hbm>>) target(%arg10 : memref<128x128xf32, #tpu.memory_space<vmem>>) offsets(%dma_start3A_90 : memref<128xi32, #tpu.memory_space<vmem>>) semaphore(%arg12 : memref<!tpu.dma_semaphore, #tpu.memory_space<semaphore_mem>>)
        } else {
        }
        %scan3A_85 = arith.constant 0 : i32
        scf.yield %scan3A_85 : i32
      }
      %scan3A_57 = arith.constant 20 : i32
      %scan3A_58 = arith.constant 0 : i32
      scf.yield %scan3A_58 : i32
    }
    %scan3A_23 = arith.constant 2 : i32
    %barrier3A_24 = arith.constant 0 : index
    tpu.barrier barrier_id(%barrier3A_24)
    %scan3A_25 = arith.constant 0 : i32
    %scan3A_26 = arith.constant 0 : i32
    %scan3A_27 = arith.constant 5 : i32
    %scan3A_28 = arith.addi %scan3A_26, %scan3A_27 : i32
    %scan3A_29 = arith.constant 1 : i32
    %scan3A_30 = scf.for %scan3A_32 = %scan3A_26 to %scan3A_28 step %scan3A_29 iter_args(%scan3A_33 = %scan3A_25) -> (i32)  : i32 {
      %mul3A_34 = arith.constant 128 : i32
      %mul3A_35 = arith.muli %scan3A_32, %mul3A_34 : i32
      %add3A_36 = arith.addi %mul3A_2, %mul3A_35 : i32
      %mul3A_37 = arith.constant 128 : i32
      %mul3A_38 = arith.muli %scan3A_32, %mul3A_37 : i32
      %add3A_39 = arith.addi %mul3A_2, %mul3A_38 : i32
      "tpu.region"() ({
        %run_scoped3A = tpu.sem_alloc : memref<!tpu.dma_semaphore, #tpu.memory_space<semaphore_mem>>
        %dma_start3A = arith.constant 0 : i32
        %dma_start3A_41 = tpu.memref_slice %arg5[%arg0, %add3A_39, %dma_start3A] : memref<2x10240x128xf32, #tpu.memory_space<hbm>> -> memref<1x128x128xf32, #tpu.memory_space<hbm>>
        %dma_start3A_42 = tpu.memref_squeeze %dma_start3A_41 : memref<1x128x128xf32, #tpu.memory_space<hbm>> -> memref<128x128xf32, #tpu.memory_space<hbm>>
        %dma_start3A_43 = arith.constant 0 : i32
        %dma_start3A_44 = tpu.memref_slice %arg6[%add3A_36, %dma_start3A_43] : memref<10240x128xf32, #tpu.memory_space<vmem_shared>> -> memref<128x128xf32, #tpu.memory_space<vmem_shared>>
        tpu.enqueue_dma source(%dma_start3A_44 : memref<128x128xf32, #tpu.memory_space<vmem_shared>>) target(%dma_start3A_42 : memref<128x128xf32, #tpu.memory_space<hbm>>) target_semaphore(%run_scoped3A : memref<!tpu.dma_semaphore, #tpu.memory_space<semaphore_mem>>)
        %dma_wait3A = arith.constant 0 : i32
        %dma_wait3A_45 = tpu.memref_slice %arg5[%arg0, %add3A_39, %dma_wait3A] : memref<2x10240x128xf32, #tpu.memory_space<hbm>> -> memref<1x128x128xf32, #tpu.memory_space<hbm>>
        %dma_wait3A_46 = tpu.memref_squeeze %dma_wait3A_45 : memref<1x128x128xf32, #tpu.memory_space<hbm>> -> memref<128x128xf32, #tpu.memory_space<hbm>>
        %dma_wait3A_47 = arith.constant 0 : i32
        %dma_wait3A_48 = tpu.memref_slice %arg6[%add3A_36, %dma_wait3A_47] : memref<10240x128xf32, #tpu.memory_space<vmem_shared>> -> memref<128x128xf32, #tpu.memory_space<vmem_shared>>
        tpu.wait_dma2 semaphore(%run_scoped3A : memref<!tpu.dma_semaphore, #tpu.memory_space<semaphore_mem>>) src(%dma_wait3A_48 : memref<128x128xf32, #tpu.memory_space<vmem_shared>>) dst(%dma_wait3A_46 : memref<128x128xf32, #tpu.memory_space<hbm>>)
        tpu.yield
      }) : () -> ()
      %scan3A_40 = arith.constant 0 : i32
      scf.yield %scan3A_40 : i32
    }
    %scan3A_31 = arith.constant 5 : i32
    return
  }
}

#map = affine_map<(d0, d1) -> (0, 0, 0)>
module attributes {stable_mosaic.version = 14 : i64} {
  func.func @_hist(%arg0: i32, %arg1: i32, %arg2: memref<32x80x128xi32, #tpu.memory_space<hbm>>, %arg3: memref<2x10240x16xf32, #tpu.memory_space<hbm>>, %arg4: memref<10240x16xf32, #tpu.memory_space<vmem_shared>>, %arg5: memref<80x128xi32, #tpu.memory_space<vmem>>, %arg6: memref<128x16xf32, #tpu.memory_space<vmem>>) attributes {dimension_semantics = [#tpu.dimension_semantics<core_parallel>, #tpu.dimension_semantics<subcore_parallel>], iteration_bounds = array<i64: 2, 16>, scalar_prefetch = 0 : i64, scratch_operands = 3 : i64, tpu.core_type = #tpu.core_type<sc_vector_subcore>, window_params = [{transform_indices = #map}, {transform_indices = #map}]} {
    %mul3A = arith.constant 16 : i32
    %mul3A_0 = arith.muli %arg0, %mul3A : i32
    %add3A = arith.addi %mul3A_0, %arg1 : i32
    %mul3A_1 = arith.constant 640 : i32
    %mul3A_2 = arith.muli %arg1, %mul3A_1 : i32
    %broadcast_in_dim3A = arith.constant 0.000000e+00 : f32
    %broadcast_in_dim3A_3 = vector.broadcast %broadcast_in_dim3A : f32 to vector<16xf32>
    %scan3A = arith.constant 0 : i32
    %scan3A_4 = arith.constant 0 : i32
    %scan3A_5 = arith.constant 128 : i32
    %scan3A_6 = arith.addi %scan3A_4, %scan3A_5 : i32
    %scan3A_7 = arith.constant 1 : i32
    %scan3A_8 = scf.for %scan3A_41 = %scan3A_4 to %scan3A_6 step %scan3A_7 iter_args(%scan3A_42 = %scan3A) -> (i32)  : i32 {
      %scan3A_43 = arith.constant 0 : i32
      %scan3A_44 = arith.constant 0 : i32
      %mul3A_45 = arith.constant 16 : i32
      %mul3A_46 = arith.muli %scan3A_44, %mul3A_45 : i32
      %swap3A = arith.index_cast %scan3A_41 : i32 to index
      %swap3A_47 = arith.index_cast %mul3A_46 : i32 to index
      %swap3A_48 = tpu.vector_load %arg6[%swap3A, %swap3A_47] {strides = array<i32>} : memref<128x16xf32, #tpu.memory_space<vmem>>, vector<1x16xf32>,
      %swap3A_49 = vector.shape_cast %swap3A_48 : vector<1x16xf32> to vector<16xf32>
      %swap3A_50 = vector.shape_cast %broadcast_in_dim3A_3 : vector<16xf32> to vector<1x16xf32>
      tpu.vector_store %arg6[%swap3A, %swap3A_47], %swap3A_50 {strides = array<i32>} : memref<128x16xf32, #tpu.memory_space<vmem>>, vector<1x16xf32>,
      %scan3A_51 = arith.constant 0 : i32
      %scan3A_52 = arith.constant 1 : i32
      scf.yield %scan3A_51 : i32
    }
    %scan3A_9 = arith.constant 128 : i32
    %scan3A_10 = arith.constant 0 : i32
    %scan3A_11 = arith.constant 0 : i32
    %scan3A_12 = arith.constant 5 : i32
    %scan3A_13 = arith.addi %scan3A_11, %scan3A_12 : i32
    %scan3A_14 = arith.constant 1 : i32
    %scan3A_15 = scf.for %scan3A_41 = %scan3A_11 to %scan3A_13 step %scan3A_14 iter_args(%scan3A_42 = %scan3A_10) -> (i32)  : i32 {
      %mul3A_43 = arith.constant 128 : i32
      %mul3A_44 = arith.muli %scan3A_41, %mul3A_43 : i32
      %add3A_45 = arith.addi %mul3A_2, %mul3A_44 : i32
      "tpu.region"() ({
        %run_scoped3A = tpu.sem_alloc : memref<!tpu.dma_semaphore, #tpu.memory_space<semaphore_mem>>
        %dma_start3A = arith.constant 0 : i32
        %dma_start3A_47 = tpu.memref_slice %arg4[%add3A_45, %dma_start3A] : memref<10240x16xf32, #tpu.memory_space<vmem_shared>> -> memref<128x16xf32, #tpu.memory_space<vmem_shared>>
        %dma_start3A_48 = arith.constant 0 : i32
        %dma_start3A_49 = tpu.memref_slice %arg4[%add3A_45, %dma_start3A_48] : memref<10240x16xf32, #tpu.memory_space<vmem_shared>> -> memref<128x16xf32, #tpu.memory_space<vmem_shared>>
        tpu.enqueue_dma source(%arg6 : memref<128x16xf32, #tpu.memory_space<vmem>>) target(%dma_start3A_49 : memref<128x16xf32, #tpu.memory_space<vmem_shared>>) target_semaphore(%run_scoped3A : memref<!tpu.dma_semaphore, #tpu.memory_space<semaphore_mem>>)
        %dma_wait3A = arith.constant 0 : i32
        %dma_wait3A_50 = tpu.memref_slice %arg4[%add3A_45, %dma_wait3A] : memref<10240x16xf32, #tpu.memory_space<vmem_shared>> -> memref<128x16xf32, #tpu.memory_space<vmem_shared>>
        %dma_wait3A_51 = arith.constant 0 : i32
        %dma_wait3A_52 = tpu.memref_slice %arg4[%add3A_45, %dma_wait3A_51] : memref<10240x16xf32, #tpu.memory_space<vmem_shared>> -> memref<128x16xf32, #tpu.memory_space<vmem_shared>>
        tpu.wait_dma2 semaphore(%run_scoped3A : memref<!tpu.dma_semaphore, #tpu.memory_space<semaphore_mem>>) src(%arg6 : memref<128x16xf32, #tpu.memory_space<vmem>>) dst(%dma_wait3A_52 : memref<128x16xf32, #tpu.memory_space<vmem_shared>>)
        tpu.yield
      }) : () -> ()
      %scan3A_46 = arith.constant 0 : i32
      scf.yield %scan3A_46 : i32
    }
    %scan3A_16 = arith.constant 5 : i32
    %broadcast_in_dim3A_17 = arith.constant 1.000000e+00 : f32
    %broadcast_in_dim3A_18 = vector.broadcast %broadcast_in_dim3A_17 : f32 to vector<16xf32>
    %scan3A_19 = arith.constant 0 : i32
    %scan3A_20 = arith.constant 0 : i32
    %scan3A_21 = arith.constant 128 : i32
    %scan3A_22 = arith.addi %scan3A_20, %scan3A_21 : i32
    %scan3A_23 = arith.constant 1 : i32
    %scan3A_24 = scf.for %scan3A_41 = %scan3A_20 to %scan3A_22 step %scan3A_23 iter_args(%scan3A_42 = %scan3A_19) -> (i32)  : i32 {
      %swap3A = arith.index_cast %scan3A_41 : i32 to index
      %swap3A_43 = arith.constant 0 : index
      %swap3A_44 = tpu.vector_load %arg6[%swap3A, %swap3A_43] {strides = array<i32>} : memref<128x16xf32, #tpu.memory_space<vmem>>, vector<1x16xf32>,
      %swap3A_45 = vector.shape_cast %swap3A_44 : vector<1x16xf32> to vector<16xf32>
      %swap3A_46 = vector.shape_cast %broadcast_in_dim3A_18 : vector<16xf32> to vector<1x16xf32>
      tpu.vector_store %arg6[%swap3A, %swap3A_43], %swap3A_46 {strides = array<i32>} : memref<128x16xf32, #tpu.memory_space<vmem>>, vector<1x16xf32>,
      %scan3A_47 = arith.constant 0 : i32
      scf.yield %scan3A_47 : i32
    }
    %scan3A_25 = arith.constant 128 : i32
    "tpu.region"() ({
      %run_scoped3A = tpu.sem_alloc : memref<!tpu.dma_semaphore, #tpu.memory_space<semaphore_mem>>
      %dma_start3A = arith.constant 0 : i32
      %dma_start3A_41 = arith.constant 0 : i32
      %dma_start3A_42 = tpu.memref_slice %arg2[%add3A, %dma_start3A, %dma_start3A_41] : memref<32x80x128xi32, #tpu.memory_space<hbm>> -> memref<1x80x128xi32, #tpu.memory_space<hbm>>
      %dma_start3A_43 = tpu.memref_squeeze %dma_start3A_42 : memref<1x80x128xi32, #tpu.memory_space<hbm>> -> memref<80x128xi32, #tpu.memory_space<hbm>>
      %dma_start3A_44 = arith.constant 0 : i32
      %dma_start3A_45 = arith.constant 0 : i32
      %dma_start3A_46 = tpu.memref_slice %arg2[%add3A, %dma_start3A_44, %dma_start3A_45] : memref<32x80x128xi32, #tpu.memory_space<hbm>> -> memref<1x80x128xi32, #tpu.memory_space<hbm>>
      %dma_start3A_47 = tpu.memref_squeeze %dma_start3A_46 : memref<1x80x128xi32, #tpu.memory_space<hbm>> -> memref<80x128xi32, #tpu.memory_space<hbm>>
      tpu.enqueue_dma source(%dma_start3A_47 : memref<80x128xi32, #tpu.memory_space<hbm>>) target(%arg5 : memref<80x128xi32, #tpu.memory_space<vmem>>) target_semaphore(%run_scoped3A : memref<!tpu.dma_semaphore, #tpu.memory_space<semaphore_mem>>)
      %dma_wait3A = arith.constant 0 : i32
      %dma_wait3A_48 = arith.constant 0 : i32
      %dma_wait3A_49 = tpu.memref_slice %arg2[%add3A, %dma_wait3A, %dma_wait3A_48] : memref<32x80x128xi32, #tpu.memory_space<hbm>> -> memref<1x80x128xi32, #tpu.memory_space<hbm>>
      %dma_wait3A_50 = tpu.memref_squeeze %dma_wait3A_49 : memref<1x80x128xi32, #tpu.memory_space<hbm>> -> memref<80x128xi32, #tpu.memory_space<hbm>>
      %dma_wait3A_51 = arith.constant 0 : i32
      %dma_wait3A_52 = arith.constant 0 : i32
      %dma_wait3A_53 = tpu.memref_slice %arg2[%add3A, %dma_wait3A_51, %dma_wait3A_52] : memref<32x80x128xi32, #tpu.memory_space<hbm>> -> memref<1x80x128xi32, #tpu.memory_space<hbm>>
      %dma_wait3A_54 = tpu.memref_squeeze %dma_wait3A_53 : memref<1x80x128xi32, #tpu.memory_space<hbm>> -> memref<80x128xi32, #tpu.memory_space<hbm>>
      tpu.wait_dma2 semaphore(%run_scoped3A : memref<!tpu.dma_semaphore, #tpu.memory_space<semaphore_mem>>) src(%dma_wait3A_54 : memref<80x128xi32, #tpu.memory_space<hbm>>) dst(%arg5 : memref<80x128xi32, #tpu.memory_space<vmem>>)
      tpu.yield
    }) : () -> ()
    %barrier3A = arith.constant 0 : index
    tpu.barrier barrier_id(%barrier3A)
    %scan3A_26 = arith.constant 0 : i32
    %scan3A_27 = arith.constant 0 : i32
    %scan3A_28 = arith.constant 80 : i32
    %scan3A_29 = arith.addi %scan3A_27, %scan3A_28 : i32
    %scan3A_30 = arith.constant 1 : i32
    %scan3A_31 = scf.for %scan3A_41 = %scan3A_27 to %scan3A_29 step %scan3A_30 iter_args(%scan3A_42 = %scan3A_26) -> (i32)  : i32 {
      "tpu.region"() ({
        %run_scoped3A = tpu.sem_alloc : memref<!tpu.dma_semaphore, #tpu.memory_space<semaphore_mem>>
        %dma_start3A = arith.constant 0 : i32
        %dma_start3A_44 = tpu.memref_slice %arg5[%scan3A_41, %dma_start3A] : memref<80x128xi32, #tpu.memory_space<vmem>> -> memref<1x128xi32, #tpu.memory_space<vmem>>
        %dma_start3A_45 = tpu.memref_squeeze %dma_start3A_44 : memref<1x128xi32, #tpu.memory_space<vmem>> -> memref<128xi32, #tpu.memory_space<vmem>>
        %dma_start3A_46 = arith.constant 0 : i32
        %dma_start3A_47 = arith.constant 0 : i32
        %dma_start3A_48 = tpu.memref_slice %arg4[%dma_start3A_46, %dma_start3A_47] : memref<10240x16xf32, #tpu.memory_space<vmem_shared>> -> memref<10240x16xf32, #tpu.memory_space<vmem_shared>>
        tpu.enqueue_indirect_dma source(%arg6 : memref<128x16xf32, #tpu.memory_space<vmem>>) target(%dma_start3A_48 : memref<10240x16xf32, #tpu.memory_space<vmem_shared>>) offsets(%dma_start3A_45 : memref<128xi32, #tpu.memory_space<vmem>>) semaphore(%run_scoped3A : memref<!tpu.dma_semaphore, #tpu.memory_space<semaphore_mem>>) {add = true}
        %dma_wait3A = arith.constant 0 : i32
        %dma_wait3A_49 = tpu.memref_slice %arg5[%scan3A_41, %dma_wait3A] : memref<80x128xi32, #tpu.memory_space<vmem>> -> memref<1x128xi32, #tpu.memory_space<vmem>>
        %dma_wait3A_50 = tpu.memref_squeeze %dma_wait3A_49 : memref<1x128xi32, #tpu.memory_space<vmem>> -> memref<128xi32, #tpu.memory_space<vmem>>
        %dma_wait3A_51 = arith.constant 0 : i32
        %dma_wait3A_52 = arith.constant 0 : i32
        %dma_wait3A_53 = tpu.memref_slice %arg4[%dma_wait3A_51, %dma_wait3A_52] : memref<10240x16xf32, #tpu.memory_space<vmem_shared>> -> memref<10240x16xf32, #tpu.memory_space<vmem_shared>>
        tpu.wait_indirect_dma semaphore(%run_scoped3A : memref<!tpu.dma_semaphore, #tpu.memory_space<semaphore_mem>>) src(%arg6 : memref<128x16xf32, #tpu.memory_space<vmem>>) dst(%dma_wait3A_53 : memref<10240x16xf32, #tpu.memory_space<vmem_shared>>)
        tpu.yield
      }) : () -> ()
      %scan3A_43 = arith.constant 0 : i32
      scf.yield %scan3A_43 : i32
    }
    %scan3A_32 = arith.constant 80 : i32
    %barrier3A_33 = arith.constant 0 : index
    tpu.barrier barrier_id(%barrier3A_33)
    %scan3A_34 = arith.constant 0 : i32
    %scan3A_35 = arith.constant 0 : i32
    %scan3A_36 = arith.constant 5 : i32
    %scan3A_37 = arith.addi %scan3A_35, %scan3A_36 : i32
    %scan3A_38 = arith.constant 1 : i32
    %scan3A_39 = scf.for %scan3A_41 = %scan3A_35 to %scan3A_37 step %scan3A_38 iter_args(%scan3A_42 = %scan3A_34) -> (i32)  : i32 {
      %mul3A_43 = arith.constant 128 : i32
      %mul3A_44 = arith.muli %scan3A_41, %mul3A_43 : i32
      %add3A_45 = arith.addi %mul3A_2, %mul3A_44 : i32
      %mul3A_46 = arith.constant 128 : i32
      %mul3A_47 = arith.muli %scan3A_41, %mul3A_46 : i32
      %add3A_48 = arith.addi %mul3A_2, %mul3A_47 : i32
      "tpu.region"() ({
        %run_scoped3A = tpu.sem_alloc : memref<!tpu.dma_semaphore, #tpu.memory_space<semaphore_mem>>
        %dma_start3A = arith.constant 0 : i32
        %dma_start3A_50 = tpu.memref_slice %arg3[%arg0, %add3A_48, %dma_start3A] : memref<2x10240x16xf32, #tpu.memory_space<hbm>> -> memref<1x128x16xf32, #tpu.memory_space<hbm>>
        %dma_start3A_51 = tpu.memref_squeeze %dma_start3A_50 : memref<1x128x16xf32, #tpu.memory_space<hbm>> -> memref<128x16xf32, #tpu.memory_space<hbm>>
        %dma_start3A_52 = arith.constant 0 : i32
        %dma_start3A_53 = tpu.memref_slice %arg4[%add3A_45, %dma_start3A_52] : memref<10240x16xf32, #tpu.memory_space<vmem_shared>> -> memref<128x16xf32, #tpu.memory_space<vmem_shared>>
        tpu.enqueue_dma source(%dma_start3A_53 : memref<128x16xf32, #tpu.memory_space<vmem_shared>>) target(%dma_start3A_51 : memref<128x16xf32, #tpu.memory_space<hbm>>) target_semaphore(%run_scoped3A : memref<!tpu.dma_semaphore, #tpu.memory_space<semaphore_mem>>)
        %dma_wait3A = arith.constant 0 : i32
        %dma_wait3A_54 = tpu.memref_slice %arg3[%arg0, %add3A_48, %dma_wait3A] : memref<2x10240x16xf32, #tpu.memory_space<hbm>> -> memref<1x128x16xf32, #tpu.memory_space<hbm>>
        %dma_wait3A_55 = tpu.memref_squeeze %dma_wait3A_54 : memref<1x128x16xf32, #tpu.memory_space<hbm>> -> memref<128x16xf32, #tpu.memory_space<hbm>>
        %dma_wait3A_56 = arith.constant 0 : i32
        %dma_wait3A_57 = tpu.memref_slice %arg4[%add3A_45, %dma_wait3A_56] : memref<10240x16xf32, #tpu.memory_space<vmem_shared>> -> memref<128x16xf32, #tpu.memory_space<vmem_shared>>
        tpu.wait_dma2 semaphore(%run_scoped3A : memref<!tpu.dma_semaphore, #tpu.memory_space<semaphore_mem>>) src(%dma_wait3A_57 : memref<128x16xf32, #tpu.memory_space<vmem_shared>>) dst(%dma_wait3A_55 : memref<128x16xf32, #tpu.memory_space<hbm>>)
        tpu.yield
      }) : () -> ()
      %scan3A_49 = arith.constant 0 : i32
      scf.yield %scan3A_49 : i32
    }
    %scan3A_40 = arith.constant 5 : i32
    return
  }
}

#map = affine_map<(d0, d1) -> (0, 0)>
#map1 = affine_map<(d0, d1) -> (0, 0, 0)>
module attributes {stable_mosaic.version = 14 : i64} {
  func.func @_agg(%arg0: i32, %arg1: i32, %arg2: memref<10240x128xf32, #tpu.memory_space<hbm>>, %arg3: memref<32x80x128xi32, #tpu.memory_space<hbm>>, %arg4: memref<32x80x128xi32, #tpu.memory_space<hbm>>, %arg5: memref<2x10240x128xf32, #tpu.memory_space<hbm>>, %arg6: memref<10240x128xf32, #tpu.memory_space<vmem_shared>>, %arg7: memref<40x128xi32, #tpu.memory_space<vmem>>, %arg8: memref<40x128xi32, #tpu.memory_space<vmem>>, %arg9: memref<128x128xf32, #tpu.memory_space<vmem>>, %arg10: memref<128x128xf32, #tpu.memory_space<vmem>>, %arg11: memref<!tpu.dma_semaphore, #tpu.memory_space<semaphore_mem>>, %arg12: memref<!tpu.dma_semaphore, #tpu.memory_space<semaphore_mem>>, %arg13: memref<!tpu.dma_semaphore, #tpu.memory_space<semaphore_mem>>, %arg14: memref<!tpu.dma_semaphore, #tpu.memory_space<semaphore_mem>>) attributes {dimension_semantics = [#tpu.dimension_semantics<core_parallel>, #tpu.dimension_semantics<subcore_parallel>], iteration_bounds = array<i64: 2, 16>, scalar_prefetch = 0 : i64, scratch_operands = 9 : i64, tpu.core_type = #tpu.core_type<sc_vector_subcore>, window_params = [{transform_indices = #map}, {transform_indices = #map1}, {transform_indices = #map1}, {transform_indices = #map1}]} {
    %mul3A = arith.constant 16 : i32
    %mul3A_0 = arith.muli %arg0, %mul3A : i32
    %add3A = arith.addi %mul3A_0, %arg1 : i32
    %mul3A_1 = arith.constant 640 : i32
    %mul3A_2 = arith.muli %arg1, %mul3A_1 : i32
    %broadcast_in_dim3A = arith.constant 0.000000e+00 : f32
    %broadcast_in_dim3A_3 = vector.broadcast %broadcast_in_dim3A : f32 to vector<16xf32>
    %scan3A = arith.constant 0 : i32
    %scan3A_4 = arith.constant 0 : i32
    %scan3A_5 = arith.constant 128 : i32
    %scan3A_6 = arith.addi %scan3A_4, %scan3A_5 : i32
    %scan3A_7 = arith.constant 1 : i32
    %scan3A_8 = scf.for %scan3A_32 = %scan3A_4 to %scan3A_6 step %scan3A_7 iter_args(%scan3A_33 = %scan3A) -> (i32)  : i32 {
      %scan3A_34 = arith.constant 0 : i32
      %scan3A_35 = arith.constant 0 : i32
      %scan3A_36 = arith.constant 8 : i32
      %scan3A_37 = arith.addi %scan3A_35, %scan3A_36 : i32
      %scan3A_38 = arith.constant 1 : i32
      %scan3A_39 = scf.for %scan3A_41 = %scan3A_35 to %scan3A_37 step %scan3A_38 iter_args(%scan3A_42 = %scan3A_34) -> (i32)  : i32 {
        %mul3A_43 = arith.constant 16 : i32
        %mul3A_44 = arith.muli %scan3A_41, %mul3A_43 : i32
        %swap3A = arith.index_cast %scan3A_32 : i32 to index
        %swap3A_45 = arith.index_cast %mul3A_44 : i32 to index
        %swap3A_46 = tpu.vector_load %arg9[%swap3A, %swap3A_45] {strides = array<i32>} : memref<128x128xf32, #tpu.memory_space<vmem>>, vector<1x16xf32>,
        %swap3A_47 = vector.shape_cast %swap3A_46 : vector<1x16xf32> to vector<16xf32>
        %swap3A_48 = vector.shape_cast %broadcast_in_dim3A_3 : vector<16xf32> to vector<1x16xf32>
        tpu.vector_store %arg9[%swap3A, %swap3A_45], %swap3A_48 {strides = array<i32>} : memref<128x128xf32, #tpu.memory_space<vmem>>, vector<1x16xf32>,
        %scan3A_49 = arith.constant 0 : i32
        scf.yield %scan3A_49 : i32
      }
      %scan3A_40 = arith.constant 8 : i32
      scf.yield %scan3A_39 : i32
    }
    %scan3A_9 = arith.constant 128 : i32
    %scan3A_10 = arith.constant 0 : i32
    %scan3A_11 = arith.constant 0 : i32
    %scan3A_12 = arith.constant 5 : i32
    %scan3A_13 = arith.addi %scan3A_11, %scan3A_12 : i32
    %scan3A_14 = arith.constant 1 : i32
    %scan3A_15 = scf.for %scan3A_32 = %scan3A_11 to %scan3A_13 step %scan3A_14 iter_args(%scan3A_33 = %scan3A_10) -> (i32)  : i32 {
      %mul3A_34 = arith.constant 128 : i32
      %mul3A_35 = arith.muli %scan3A_32, %mul3A_34 : i32
      %add3A_36 = arith.addi %mul3A_2, %mul3A_35 : i32
      "tpu.region"() ({
        %run_scoped3A = tpu.sem_alloc : memref<!tpu.dma_semaphore, #tpu.memory_space<semaphore_mem>>
        %dma_start3A = arith.constant 0 : i32
        %dma_start3A_38 = tpu.memref_slice %arg6[%add3A_36, %dma_start3A] : memref<10240x128xf32, #tpu.memory_space<vmem_shared>> -> memref<128x128xf32, #tpu.memory_space<vmem_shared>>
        %dma_start3A_39 = arith.constant 0 : i32
        %dma_start3A_40 = tpu.memref_slice %arg6[%add3A_36, %dma_start3A_39] : memref<10240x128xf32, #tpu.memory_space<vmem_shared>> -> memref<128x128xf32, #tpu.memory_space<vmem_shared>>
        tpu.enqueue_dma source(%arg9 : memref<128x128xf32, #tpu.memory_space<vmem>>) target(%dma_start3A_40 : memref<128x128xf32, #tpu.memory_space<vmem_shared>>) target_semaphore(%run_scoped3A : memref<!tpu.dma_semaphore, #tpu.memory_space<semaphore_mem>>)
        %dma_wait3A = arith.constant 0 : i32
        %dma_wait3A_41 = tpu.memref_slice %arg6[%add3A_36, %dma_wait3A] : memref<10240x128xf32, #tpu.memory_space<vmem_shared>> -> memref<128x128xf32, #tpu.memory_space<vmem_shared>>
        %dma_wait3A_42 = arith.constant 0 : i32
        %dma_wait3A_43 = tpu.memref_slice %arg6[%add3A_36, %dma_wait3A_42] : memref<10240x128xf32, #tpu.memory_space<vmem_shared>> -> memref<128x128xf32, #tpu.memory_space<vmem_shared>>
        tpu.wait_dma2 semaphore(%run_scoped3A : memref<!tpu.dma_semaphore, #tpu.memory_space<semaphore_mem>>) src(%arg9 : memref<128x128xf32, #tpu.memory_space<vmem>>) dst(%dma_wait3A_43 : memref<128x128xf32, #tpu.memory_space<vmem_shared>>)
        tpu.yield
      }) : () -> ()
      %scan3A_37 = arith.constant 0 : i32
      scf.yield %scan3A_37 : i32
    }
    %scan3A_16 = arith.constant 5 : i32
    %barrier3A = arith.constant 0 : index
    tpu.barrier barrier_id(%barrier3A)
    %scan3A_17 = arith.constant 0 : i32
    %scan3A_18 = arith.constant 0 : i32
    %scan3A_19 = arith.constant 2 : i32
    %scan3A_20 = arith.addi %scan3A_18, %scan3A_19 : i32
    %scan3A_21 = arith.constant 1 : i32
    %scan3A_22 = scf.for %scan3A_32 = %scan3A_18 to %scan3A_20 step %scan3A_21 iter_args(%scan3A_33 = %scan3A_17) -> (i32)  : i32 {
      %mul3A_34 = arith.constant 40 : i32
      %mul3A_35 = arith.muli %scan3A_32, %mul3A_34 : i32
      "tpu.region"() ({
        %run_scoped3A = tpu.sem_alloc : memref<!tpu.dma_semaphore, #tpu.memory_space<semaphore_mem>>
        %dma_start3A_59 = arith.constant 0 : i32
        %dma_start3A_60 = tpu.memref_slice %arg3[%add3A, %mul3A_35, %dma_start3A_59] : memref<32x80x128xi32, #tpu.memory_space<hbm>> -> memref<1x40x128xi32, #tpu.memory_space<hbm>>
        %dma_start3A_61 = tpu.memref_squeeze %dma_start3A_60 : memref<1x40x128xi32, #tpu.memory_space<hbm>> -> memref<40x128xi32, #tpu.memory_space<hbm>>
        %dma_start3A_62 = arith.constant 0 : i32
        %dma_start3A_63 = tpu.memref_slice %arg3[%add3A, %mul3A_35, %dma_start3A_62] : memref<32x80x128xi32, #tpu.memory_space<hbm>> -> memref<1x40x128xi32, #tpu.memory_space<hbm>>
        %dma_start3A_64 = tpu.memref_squeeze %dma_start3A_63 : memref<1x40x128xi32, #tpu.memory_space<hbm>> -> memref<40x128xi32, #tpu.memory_space<hbm>>
        tpu.enqueue_dma source(%dma_start3A_64 : memref<40x128xi32, #tpu.memory_space<hbm>>) target(%arg7 : memref<40x128xi32, #tpu.memory_space<vmem>>) target_semaphore(%run_scoped3A : memref<!tpu.dma_semaphore, #tpu.memory_space<semaphore_mem>>)
        %dma_wait3A = arith.constant 0 : i32
        %dma_wait3A_65 = tpu.memref_slice %arg3[%add3A, %mul3A_35, %dma_wait3A] : memref<32x80x128xi32, #tpu.memory_space<hbm>> -> memref<1x40x128xi32, #tpu.memory_space<hbm>>
        %dma_wait3A_66 = tpu.memref_squeeze %dma_wait3A_65 : memref<1x40x128xi32, #tpu.memory_space<hbm>> -> memref<40x128xi32, #tpu.memory_space<hbm>>
        %dma_wait3A_67 = arith.constant 0 : i32
        %dma_wait3A_68 = tpu.memref_slice %arg3[%add3A, %mul3A_35, %dma_wait3A_67] : memref<32x80x128xi32, #tpu.memory_space<hbm>> -> memref<1x40x128xi32, #tpu.memory_space<hbm>>
        %dma_wait3A_69 = tpu.memref_squeeze %dma_wait3A_68 : memref<1x40x128xi32, #tpu.memory_space<hbm>> -> memref<40x128xi32, #tpu.memory_space<hbm>>
        tpu.wait_dma2 semaphore(%run_scoped3A : memref<!tpu.dma_semaphore, #tpu.memory_space<semaphore_mem>>) src(%dma_wait3A_69 : memref<40x128xi32, #tpu.memory_space<hbm>>) dst(%arg7 : memref<40x128xi32, #tpu.memory_space<vmem>>)
        tpu.yield
      }) : () -> ()
      %mul3A_36 = arith.constant 40 : i32
      %mul3A_37 = arith.muli %scan3A_32, %mul3A_36 : i32
      "tpu.region"() ({
        %run_scoped3A = tpu.sem_alloc : memref<!tpu.dma_semaphore, #tpu.memory_space<semaphore_mem>>
        %dma_start3A_59 = arith.constant 0 : i32
        %dma_start3A_60 = tpu.memref_slice %arg4[%add3A, %mul3A_37, %dma_start3A_59] : memref<32x80x128xi32, #tpu.memory_space<hbm>> -> memref<1x40x128xi32, #tpu.memory_space<hbm>>
        %dma_start3A_61 = tpu.memref_squeeze %dma_start3A_60 : memref<1x40x128xi32, #tpu.memory_space<hbm>> -> memref<40x128xi32, #tpu.memory_space<hbm>>
        %dma_start3A_62 = arith.constant 0 : i32
        %dma_start3A_63 = tpu.memref_slice %arg4[%add3A, %mul3A_37, %dma_start3A_62] : memref<32x80x128xi32, #tpu.memory_space<hbm>> -> memref<1x40x128xi32, #tpu.memory_space<hbm>>
        %dma_start3A_64 = tpu.memref_squeeze %dma_start3A_63 : memref<1x40x128xi32, #tpu.memory_space<hbm>> -> memref<40x128xi32, #tpu.memory_space<hbm>>
        tpu.enqueue_dma source(%dma_start3A_64 : memref<40x128xi32, #tpu.memory_space<hbm>>) target(%arg8 : memref<40x128xi32, #tpu.memory_space<vmem>>) target_semaphore(%run_scoped3A : memref<!tpu.dma_semaphore, #tpu.memory_space<semaphore_mem>>)
        %dma_wait3A = arith.constant 0 : i32
        %dma_wait3A_65 = tpu.memref_slice %arg4[%add3A, %mul3A_37, %dma_wait3A] : memref<32x80x128xi32, #tpu.memory_space<hbm>> -> memref<1x40x128xi32, #tpu.memory_space<hbm>>
        %dma_wait3A_66 = tpu.memref_squeeze %dma_wait3A_65 : memref<1x40x128xi32, #tpu.memory_space<hbm>> -> memref<40x128xi32, #tpu.memory_space<hbm>>
        %dma_wait3A_67 = arith.constant 0 : i32
        %dma_wait3A_68 = tpu.memref_slice %arg4[%add3A, %mul3A_37, %dma_wait3A_67] : memref<32x80x128xi32, #tpu.memory_space<hbm>> -> memref<1x40x128xi32, #tpu.memory_space<hbm>>
        %dma_wait3A_69 = tpu.memref_squeeze %dma_wait3A_68 : memref<1x40x128xi32, #tpu.memory_space<hbm>> -> memref<40x128xi32, #tpu.memory_space<hbm>>
        tpu.wait_dma2 semaphore(%run_scoped3A : memref<!tpu.dma_semaphore, #tpu.memory_space<semaphore_mem>>) src(%dma_wait3A_69 : memref<40x128xi32, #tpu.memory_space<hbm>>) dst(%arg8 : memref<40x128xi32, #tpu.memory_space<vmem>>)
        tpu.yield
      }) : () -> ()
      %dma_start3A = arith.constant 0 : i32
      %dma_start3A_38 = arith.constant 0 : i32
      %dma_start3A_39 = tpu.memref_slice %arg7[%dma_start3A, %dma_start3A_38] : memref<40x128xi32, #tpu.memory_space<vmem>> -> memref<1x128xi32, #tpu.memory_space<vmem>>
      %dma_start3A_40 = tpu.memref_squeeze %dma_start3A_39 : memref<1x128xi32, #tpu.memory_space<vmem>> -> memref<128xi32, #tpu.memory_space<vmem>>
      %dma_start3A_41 = arith.constant 0 : i32
      %dma_start3A_42 = arith.constant 0 : i32
      %dma_start3A_43 = tpu.memref_slice %arg2[%dma_start3A_41, %dma_start3A_42] : memref<10240x128xf32, #tpu.memory_space<hbm>> -> memref<10240x128xf32, #tpu.memory_space<hbm>>
      tpu.enqueue_indirect_dma source(%dma_start3A_43 : memref<10240x128xf32, #tpu.memory_space<hbm>>) target(%arg9 : memref<128x128xf32, #tpu.memory_space<vmem>>) offsets(%dma_start3A_40 : memref<128xi32, #tpu.memory_space<vmem>>) semaphore(%arg11 : memref<!tpu.dma_semaphore, #tpu.memory_space<semaphore_mem>>)
      %dma_start3A_44 = arith.constant 1 : i32
      %dma_start3A_45 = arith.constant 0 : i32
      %dma_start3A_46 = tpu.memref_slice %arg7[%dma_start3A_44, %dma_start3A_45] : memref<40x128xi32, #tpu.memory_space<vmem>> -> memref<1x128xi32, #tpu.memory_space<vmem>>
      %dma_start3A_47 = tpu.memref_squeeze %dma_start3A_46 : memref<1x128xi32, #tpu.memory_space<vmem>> -> memref<128xi32, #tpu.memory_space<vmem>>
      %dma_start3A_48 = arith.constant 0 : i32
      %dma_start3A_49 = arith.constant 0 : i32
      %dma_start3A_50 = tpu.memref_slice %arg2[%dma_start3A_48, %dma_start3A_49] : memref<10240x128xf32, #tpu.memory_space<hbm>> -> memref<10240x128xf32, #tpu.memory_space<hbm>>
      tpu.enqueue_indirect_dma source(%dma_start3A_50 : memref<10240x128xf32, #tpu.memory_space<hbm>>) target(%arg10 : memref<128x128xf32, #tpu.memory_space<vmem>>) offsets(%dma_start3A_47 : memref<128xi32, #tpu.memory_space<vmem>>) semaphore(%arg12 : memref<!tpu.dma_semaphore, #tpu.memory_space<semaphore_mem>>)
      %scan3A_51 = arith.constant 0 : i32
      %scan3A_52 = arith.constant 0 : i32
      %scan3A_53 = arith.constant 20 : i32
      %scan3A_54 = arith.addi %scan3A_52, %scan3A_53 : i32
      %scan3A_55 = arith.constant 1 : i32
      %scan3A_56 = scf.for %scan3A_59 = %scan3A_52 to %scan3A_54 step %scan3A_55 iter_args(%scan3A_60 = %scan3A_51) -> (i32)  : i32 {
        %mul3A_61 = arith.constant 2 : i32
        %mul3A_62 = arith.muli %mul3A_61, %scan3A_59 : i32
        %dma_wait3A = arith.constant 0 : i32
        %dma_wait3A_63 = tpu.memref_slice %arg7[%mul3A_62, %dma_wait3A] : memref<40x128xi32, #tpu.memory_space<vmem>> -> memref<1x128xi32, #tpu.memory_space<vmem>>
        %dma_wait3A_64 = tpu.memref_squeeze %dma_wait3A_63 : memref<1x128xi32, #tpu.memory_space<vmem>> -> memref<128xi32, #tpu.memory_space<vmem>>
        %dma_wait3A_65 = arith.constant 0 : i32
        %dma_wait3A_66 = arith.constant 0 : i32
        %dma_wait3A_67 = tpu.memref_slice %arg2[%dma_wait3A_65, %dma_wait3A_66] : memref<10240x128xf32, #tpu.memory_space<hbm>> -> memref<10240x128xf32, #tpu.memory_space<hbm>>
        tpu.wait_indirect_dma semaphore(%arg11 : memref<!tpu.dma_semaphore, #tpu.memory_space<semaphore_mem>>) src(%dma_wait3A_67 : memref<10240x128xf32, #tpu.memory_space<hbm>>) dst(%arg9 : memref<128x128xf32, #tpu.memory_space<vmem>>)
        "tpu.region"() ({
          %run_scoped3A = tpu.sem_alloc : memref<!tpu.dma_semaphore, #tpu.memory_space<semaphore_mem>>
          %dma_start3A_86 = arith.constant 0 : i32
          %dma_start3A_87 = tpu.memref_slice %arg8[%mul3A_62, %dma_start3A_86] : memref<40x128xi32, #tpu.memory_space<vmem>> -> memref<1x128xi32, #tpu.memory_space<vmem>>
          %dma_start3A_88 = tpu.memref_squeeze %dma_start3A_87 : memref<1x128xi32, #tpu.memory_space<vmem>> -> memref<128xi32, #tpu.memory_space<vmem>>
          %dma_start3A_89 = arith.constant 0 : i32
          %dma_start3A_90 = arith.constant 0 : i32
          %dma_start3A_91 = tpu.memref_slice %arg6[%dma_start3A_89, %dma_start3A_90] : memref<10240x128xf32, #tpu.memory_space<vmem_shared>> -> memref<10240x128xf32, #tpu.memory_space<vmem_shared>>
          tpu.enqueue_indirect_dma source(%arg9 : memref<128x128xf32, #tpu.memory_space<vmem>>) target(%dma_start3A_91 : memref<10240x128xf32, #tpu.memory_space<vmem_shared>>) offsets(%dma_start3A_88 : memref<128xi32, #tpu.memory_space<vmem>>) semaphore(%run_scoped3A : memref<!tpu.dma_semaphore, #tpu.memory_space<semaphore_mem>>) {add = true}
          %dma_wait3A_92 = arith.constant 0 : i32
          %dma_wait3A_93 = tpu.memref_slice %arg8[%mul3A_62, %dma_wait3A_92] : memref<40x128xi32, #tpu.memory_space<vmem>> -> memref<1x128xi32, #tpu.memory_space<vmem>>
          %dma_wait3A_94 = tpu.memref_squeeze %dma_wait3A_93 : memref<1x128xi32, #tpu.memory_space<vmem>> -> memref<128xi32, #tpu.memory_space<vmem>>
          %dma_wait3A_95 = arith.constant 0 : i32
          %dma_wait3A_96 = arith.constant 0 : i32
          %dma_wait3A_97 = tpu.memref_slice %arg6[%dma_wait3A_95, %dma_wait3A_96] : memref<10240x128xf32, #tpu.memory_space<vmem_shared>> -> memref<10240x128xf32, #tpu.memory_space<vmem_shared>>
          tpu.wait_indirect_dma semaphore(%run_scoped3A : memref<!tpu.dma_semaphore, #tpu.memory_space<semaphore_mem>>) src(%arg9 : memref<128x128xf32, #tpu.memory_space<vmem>>) dst(%dma_wait3A_97 : memref<10240x128xf32, #tpu.memory_space<vmem_shared>>)
          tpu.yield
        }) : () -> ()
        %lt3A = arith.constant 19 : i32
        %lt3A_68 = arith.cmpi slt, %scan3A_59, %lt3A : i32
        %convert_element_type3A = arith.extui %lt3A_68 : i1 to i32
        %cond3A = arith.constant 0 : i32
        %cond3A_69 = arith.cmpi ne, %convert_element_type3A, %cond3A : i32
        scf.if %cond3A_69 {
          %add3A_86 = arith.constant 2 : i32
          %add3A_87 = arith.addi %mul3A_62, %add3A_86 : i32
          %dma_start3A_88 = arith.constant 0 : i32
          %dma_start3A_89 = tpu.memref_slice %arg7[%add3A_87, %dma_start3A_88] : memref<40x128xi32, #tpu.memory_space<vmem>> -> memref<1x128xi32, #tpu.memory_space<vmem>>
          %dma_start3A_90 = tpu.memref_squeeze %dma_start3A_89 : memref<1x128xi32, #tpu.memory_space<vmem>> -> memref<128xi32, #tpu.memory_space<vmem>>
          %dma_start3A_91 = arith.constant 0 : i32
          %dma_start3A_92 = arith.constant 0 : i32
          %dma_start3A_93 = tpu.memref_slice %arg2[%dma_start3A_91, %dma_start3A_92] : memref<10240x128xf32, #tpu.memory_space<hbm>> -> memref<10240x128xf32, #tpu.memory_space<hbm>>
          tpu.enqueue_indirect_dma source(%dma_start3A_93 : memref<10240x128xf32, #tpu.memory_space<hbm>>) target(%arg9 : memref<128x128xf32, #tpu.memory_space<vmem>>) offsets(%dma_start3A_90 : memref<128xi32, #tpu.memory_space<vmem>>) semaphore(%arg11 : memref<!tpu.dma_semaphore, #tpu.memory_space<semaphore_mem>>)
        } else {
        }
        %add3A_70 = arith.constant 1 : i32
        %add3A_71 = arith.addi %mul3A_62, %add3A_70 : i32
        %dma_wait3A_72 = arith.constant 0 : i32
        %dma_wait3A_73 = tpu.memref_slice %arg7[%add3A_71, %dma_wait3A_72] : memref<40x128xi32, #tpu.memory_space<vmem>> -> memref<1x128xi32, #tpu.memory_space<vmem>>
        %dma_wait3A_74 = tpu.memref_squeeze %dma_wait3A_73 : memref<1x128xi32, #tpu.memory_space<vmem>> -> memref<128xi32, #tpu.memory_space<vmem>>
        %dma_wait3A_75 = arith.constant 0 : i32
        %dma_wait3A_76 = arith.constant 0 : i32
        %dma_wait3A_77 = tpu.memref_slice %arg2[%dma_wait3A_75, %dma_wait3A_76] : memref<10240x128xf32, #tpu.memory_space<hbm>> -> memref<10240x128xf32, #tpu.memory_space<hbm>>
        tpu.wait_indirect_dma semaphore(%arg12 : memref<!tpu.dma_semaphore, #tpu.memory_space<semaphore_mem>>) src(%dma_wait3A_77 : memref<10240x128xf32, #tpu.memory_space<hbm>>) dst(%arg10 : memref<128x128xf32, #tpu.memory_space<vmem>>)
        %add3A_78 = arith.constant 1 : i32
        %add3A_79 = arith.addi %mul3A_62, %add3A_78 : i32
        "tpu.region"() ({
          %run_scoped3A = tpu.sem_alloc : memref<!tpu.dma_semaphore, #tpu.memory_space<semaphore_mem>>
          %dma_start3A_86 = arith.constant 0 : i32
          %dma_start3A_87 = tpu.memref_slice %arg8[%add3A_79, %dma_start3A_86] : memref<40x128xi32, #tpu.memory_space<vmem>> -> memref<1x128xi32, #tpu.memory_space<vmem>>
          %dma_start3A_88 = tpu.memref_squeeze %dma_start3A_87 : memref<1x128xi32, #tpu.memory_space<vmem>> -> memref<128xi32, #tpu.memory_space<vmem>>
          %dma_start3A_89 = arith.constant 0 : i32
          %dma_start3A_90 = arith.constant 0 : i32
          %dma_start3A_91 = tpu.memref_slice %arg6[%dma_start3A_89, %dma_start3A_90] : memref<10240x128xf32, #tpu.memory_space<vmem_shared>> -> memref<10240x128xf32, #tpu.memory_space<vmem_shared>>
          tpu.enqueue_indirect_dma source(%arg10 : memref<128x128xf32, #tpu.memory_space<vmem>>) target(%dma_start3A_91 : memref<10240x128xf32, #tpu.memory_space<vmem_shared>>) offsets(%dma_start3A_88 : memref<128xi32, #tpu.memory_space<vmem>>) semaphore(%run_scoped3A : memref<!tpu.dma_semaphore, #tpu.memory_space<semaphore_mem>>) {add = true}
          %dma_wait3A_92 = arith.constant 0 : i32
          %dma_wait3A_93 = tpu.memref_slice %arg8[%add3A_79, %dma_wait3A_92] : memref<40x128xi32, #tpu.memory_space<vmem>> -> memref<1x128xi32, #tpu.memory_space<vmem>>
          %dma_wait3A_94 = tpu.memref_squeeze %dma_wait3A_93 : memref<1x128xi32, #tpu.memory_space<vmem>> -> memref<128xi32, #tpu.memory_space<vmem>>
          %dma_wait3A_95 = arith.constant 0 : i32
          %dma_wait3A_96 = arith.constant 0 : i32
          %dma_wait3A_97 = tpu.memref_slice %arg6[%dma_wait3A_95, %dma_wait3A_96] : memref<10240x128xf32, #tpu.memory_space<vmem_shared>> -> memref<10240x128xf32, #tpu.memory_space<vmem_shared>>
          tpu.wait_indirect_dma semaphore(%run_scoped3A : memref<!tpu.dma_semaphore, #tpu.memory_space<semaphore_mem>>) src(%arg10 : memref<128x128xf32, #tpu.memory_space<vmem>>) dst(%dma_wait3A_97 : memref<10240x128xf32, #tpu.memory_space<vmem_shared>>)
          tpu.yield
        }) : () -> ()
        %lt3A_80 = arith.constant 19 : i32
        %lt3A_81 = arith.cmpi slt, %scan3A_59, %lt3A_80 : i32
        %convert_element_type3A_82 = arith.extui %lt3A_81 : i1 to i32
        %cond3A_83 = arith.constant 0 : i32
        %cond3A_84 = arith.cmpi ne, %convert_element_type3A_82, %cond3A_83 : i32
        scf.if %cond3A_84 {
          %add3A_86 = arith.constant 3 : i32
          %add3A_87 = arith.addi %mul3A_62, %add3A_86 : i32
          %dma_start3A_88 = arith.constant 0 : i32
          %dma_start3A_89 = tpu.memref_slice %arg7[%add3A_87, %dma_start3A_88] : memref<40x128xi32, #tpu.memory_space<vmem>> -> memref<1x128xi32, #tpu.memory_space<vmem>>
          %dma_start3A_90 = tpu.memref_squeeze %dma_start3A_89 : memref<1x128xi32, #tpu.memory_space<vmem>> -> memref<128xi32, #tpu.memory_space<vmem>>
          %dma_start3A_91 = arith.constant 0 : i32
          %dma_start3A_92 = arith.constant 0 : i32
          %dma_start3A_93 = tpu.memref_slice %arg2[%dma_start3A_91, %dma_start3A_92] : memref<10240x128xf32, #tpu.memory_space<hbm>> -> memref<10240x128xf32, #tpu.memory_space<hbm>>
          tpu.enqueue_indirect_dma source(%dma_start3A_93 : memref<10240x128xf32, #tpu.memory_space<hbm>>) target(%arg10 : memref<128x128xf32, #tpu.memory_space<vmem>>) offsets(%dma_start3A_90 : memref<128xi32, #tpu.memory_space<vmem>>) semaphore(%arg12 : memref<!tpu.dma_semaphore, #tpu.memory_space<semaphore_mem>>)
        } else {
        }
        %scan3A_85 = arith.constant 0 : i32
        scf.yield %scan3A_85 : i32
      }
      %scan3A_57 = arith.constant 20 : i32
      %scan3A_58 = arith.constant 0 : i32
      scf.yield %scan3A_58 : i32
    }
    %scan3A_23 = arith.constant 2 : i32
    %barrier3A_24 = arith.constant 0 : index
    tpu.barrier barrier_id(%barrier3A_24)
    %scan3A_25 = arith.constant 0 : i32
    %scan3A_26 = arith.constant 0 : i32
    %scan3A_27 = arith.constant 5 : i32
    %scan3A_28 = arith.addi %scan3A_26, %scan3A_27 : i32
    %scan3A_29 = arith.constant 1 : i32
    %scan3A_30 = scf.for %scan3A_32 = %scan3A_26 to %scan3A_28 step %scan3A_29 iter_args(%scan3A_33 = %scan3A_25) -> (i32)  : i32 {
      %mul3A_34 = arith.constant 128 : i32
      %mul3A_35 = arith.muli %scan3A_32, %mul3A_34 : i32
      %add3A_36 = arith.addi %mul3A_2, %mul3A_35 : i32
      %mul3A_37 = arith.constant 128 : i32
      %mul3A_38 = arith.muli %scan3A_32, %mul3A_37 : i32
      %add3A_39 = arith.addi %mul3A_2, %mul3A_38 : i32
      "tpu.region"() ({
        %run_scoped3A = tpu.sem_alloc : memref<!tpu.dma_semaphore, #tpu.memory_space<semaphore_mem>>
        %dma_start3A = arith.constant 0 : i32
        %dma_start3A_41 = tpu.memref_slice %arg5[%arg0, %add3A_39, %dma_start3A] : memref<2x10240x128xf32, #tpu.memory_space<hbm>> -> memref<1x128x128xf32, #tpu.memory_space<hbm>>
        %dma_start3A_42 = tpu.memref_squeeze %dma_start3A_41 : memref<1x128x128xf32, #tpu.memory_space<hbm>> -> memref<128x128xf32, #tpu.memory_space<hbm>>
        %dma_start3A_43 = arith.constant 0 : i32
        %dma_start3A_44 = tpu.memref_slice %arg6[%add3A_36, %dma_start3A_43] : memref<10240x128xf32, #tpu.memory_space<vmem_shared>> -> memref<128x128xf32, #tpu.memory_space<vmem_shared>>
        tpu.enqueue_dma source(%dma_start3A_44 : memref<128x128xf32, #tpu.memory_space<vmem_shared>>) target(%dma_start3A_42 : memref<128x128xf32, #tpu.memory_space<hbm>>) target_semaphore(%run_scoped3A : memref<!tpu.dma_semaphore, #tpu.memory_space<semaphore_mem>>)
        %dma_wait3A = arith.constant 0 : i32
        %dma_wait3A_45 = tpu.memref_slice %arg5[%arg0, %add3A_39, %dma_wait3A] : memref<2x10240x128xf32, #tpu.memory_space<hbm>> -> memref<1x128x128xf32, #tpu.memory_space<hbm>>
        %dma_wait3A_46 = tpu.memref_squeeze %dma_wait3A_45 : memref<1x128x128xf32, #tpu.memory_space<hbm>> -> memref<128x128xf32, #tpu.memory_space<hbm>>
        %dma_wait3A_47 = arith.constant 0 : i32
        %dma_wait3A_48 = tpu.memref_slice %arg6[%add3A_36, %dma_wait3A_47] : memref<10240x128xf32, #tpu.memory_space<vmem_shared>> -> memref<128x128xf32, #tpu.memory_space<vmem_shared>>
        tpu.wait_dma2 semaphore(%run_scoped3A : memref<!tpu.dma_semaphore, #tpu.memory_space<semaphore_mem>>) src(%dma_wait3A_48 : memref<128x128xf32, #tpu.memory_space<vmem_shared>>) dst(%dma_wait3A_46 : memref<128x128xf32, #tpu.memory_space<hbm>>)
        tpu.yield
      }) : () -> ()
      %scan3A_40 = arith.constant 0 : i32
      scf.yield %scan3A_40 : i32
    }
    %scan3A_31 = arith.constant 5 : i32
    return
  }
}

module attributes {stable_mosaic.version = 14 : i64} {
  func.func @_k1_body(%arg0: i32, %arg1: memref<512x128xf32, #tpu.memory_space<vmem>>, %arg2: memref<128x128xf32, #tpu.memory_space<vmem>>, %arg3: memref<2x512x16xf32, #tpu.memory_space<vmem>>, %arg4: memref<512x128xf32, #tpu.memory_space<vmem>>) attributes {dimension_semantics = [#tpu.dimension_semantics<arbitrary>], iteration_bounds = array<i64: 20>, scalar_prefetch = 0 : i64, scratch_operands = 0 : i64, tpu.core_type = #tpu.core_type<tc>, window_params = [{transform_indices = @transform_0, window_bounds = array<i64: 512, 128>}, {pipeline_mode = #tpu.pipeline_mode<synchronous>, transform_indices = @transform_1, window_bounds = array<i64: 128, 128>}, {transform_indices = @transform_2, window_bounds = array<i64: 2, 512, 16>}, {transform_indices = @transform_3, window_bounds = array<i64: 512, 128>}]} {
    %get3A = arith.constant 0 : index
    %get3A_0 = arith.constant 0 : index
    %get3A_1 = arith.constant 0 : index
    %get3A_2 = vector.load %arg3[%get3A, %get3A_0, %get3A_1] : memref<2x512x16xf32, #tpu.memory_space<vmem>>, vector<1x512x1xf32>
    %get3A_3 = vector.shape_cast %get3A_2 : vector<1x512x1xf32> to vector<512x1xf32>
    %get3A_4 = arith.constant 1 : index
    %get3A_5 = arith.constant 0 : index
    %get3A_6 = arith.constant 0 : index
    %get3A_7 = vector.load %arg3[%get3A_4, %get3A_5, %get3A_6] : memref<2x512x16xf32, #tpu.memory_space<vmem>>, vector<1x512x1xf32>
    %get3A_8 = vector.shape_cast %get3A_7 : vector<1x512x1xf32> to vector<512x1xf32>
    %add3A = arith.addf %get3A_3, %get3A_8 : vector<512x1xf32>
    %add3A_9 = arith.constant 1.000000e+00 : f32
    %add3A_10 = vector.broadcast %add3A_9 : f32 to vector<512x1xf32>
    %add3A_11 = arith.addf %add3A, %add3A_10 : vector<512x1xf32>
    %rsqrt3A = math.rsqrt %add3A_11 : vector<512x1xf32>
    %get3A_12 = arith.constant 0 : index
    %get3A_13 = arith.constant 0 : index
    %get3A_14 = vector.load %arg1[%get3A_12, %get3A_13] : memref<512x128xf32, #tpu.memory_space<vmem>>, vector<512x128xf32>
    %get3A_15 = arith.constant 0 : index
    %get3A_16 = arith.constant 0 : index
    %get3A_17 = vector.load %arg2[%get3A_15, %get3A_16] : memref<128x128xf32, #tpu.memory_space<vmem>>, vector<128x128xf32>
    %dot_general3A = arith.constant dense<0.000000e+00> : vector<512x128xf32>
    %dot_general3A_18 = tpu.matmul %get3A_14, %get3A_17, %dot_general3A {dimension_numbers = #tpu.dot_dimension_numbers<[1], [0], [0], [1], [0, 0, 1, 1], [], []>, transpose_lhs_hint = false} : vector<512x128xf32>, vector<128x128xf32>, vector<512x128xf32> -> vector<512x128xf32>
    %mul3A = vector.broadcast %rsqrt3A : vector<512x1xf32> to vector<512x128xf32>
    %mul3A_19 = arith.mulf %mul3A, %dot_general3A_18 : vector<512x128xf32>
    %swap3A = arith.constant 0 : index
    %swap3A_20 = arith.constant 0 : index
    %swap3A_21 = vector.load %arg4[%swap3A, %swap3A_20] : memref<512x128xf32, #tpu.memory_space<vmem>>, vector<512x128xf32>
    tpu.vector_store %arg4[%swap3A, %swap3A_20], %mul3A_19 {strides = array<i32>} : memref<512x128xf32, #tpu.memory_space<vmem>>, vector<512x128xf32>,
    return
  }
  func.func @transform_0(%arg0: i32) -> (i32, i32) {
    %c0_i32 = arith.constant 0 : i32
    %c0_i32_0 = arith.constant 0 : i32
    return %arg0, %c0_i32 : i32, i32
  }
  func.func @transform_1(%arg0: i32) -> (i32, i32) {
    %c0_i32 = arith.constant 0 : i32
    %c0_i32_0 = arith.constant 0 : i32
    %c0_i32_1 = arith.constant 0 : i32
    return %c0_i32, %c0_i32_0 : i32, i32
  }
  func.func @transform_2(%arg0: i32) -> (i32, i32, i32) {
    %c0_i32 = arith.constant 0 : i32
    %c0_i32_0 = arith.constant 0 : i32
    %c0_i32_1 = arith.constant 0 : i32
    return %c0_i32, %arg0, %c0_i32_0 : i32, i32, i32
  }
  func.func @transform_3(%arg0: i32) -> (i32, i32) {
    %c0_i32 = arith.constant 0 : i32
    %c0_i32_0 = arith.constant 0 : i32
    return %arg0, %c0_i32 : i32, i32
  }
}

module attributes {stable_mosaic.version = 14 : i64} {
  func.func @_k23_body(%arg0: i32, %arg1: memref<2x512x128xf32, #tpu.memory_space<vmem>>, %arg2: memref<512x128xf32, #tpu.memory_space<vmem>>, %arg3: memref<2x512x16xf32, #tpu.memory_space<vmem>>, %arg4: memref<128x128xf32, #tpu.memory_space<vmem>>, %arg5: memref<1x128xf32, #tpu.memory_space<vmem>>, %arg6: memref<512x128xf32, #tpu.memory_space<vmem>>) attributes {dimension_semantics = [#tpu.dimension_semantics<arbitrary>], iteration_bounds = array<i64: 20>, scalar_prefetch = 0 : i64, scratch_operands = 0 : i64, tpu.core_type = #tpu.core_type<tc>, window_params = [{transform_indices = @transform_0, window_bounds = array<i64: 2, 512, 128>}, {transform_indices = @transform_1, window_bounds = array<i64: 512, 128>}, {transform_indices = @transform_2, window_bounds = array<i64: 2, 512, 16>}, {pipeline_mode = #tpu.pipeline_mode<synchronous>, transform_indices = @transform_3, window_bounds = array<i64: 128, 128>}, {pipeline_mode = #tpu.pipeline_mode<synchronous>, transform_indices = @transform_4, window_bounds = array<i64: 1, 128>}, {transform_indices = @transform_5, window_bounds = array<i64: 512, 128>}]} {
    %get3A = arith.constant 0 : index
    %get3A_0 = arith.constant 0 : index
    %get3A_1 = arith.constant 0 : index
    %get3A_2 = vector.load %arg3[%get3A, %get3A_0, %get3A_1] : memref<2x512x16xf32, #tpu.memory_space<vmem>>, vector<1x512x1xf32>
    %get3A_3 = vector.shape_cast %get3A_2 : vector<1x512x1xf32> to vector<512x1xf32>
    %get3A_4 = arith.constant 1 : index
    %get3A_5 = arith.constant 0 : index
    %get3A_6 = arith.constant 0 : index
    %get3A_7 = vector.load %arg3[%get3A_4, %get3A_5, %get3A_6] : memref<2x512x16xf32, #tpu.memory_space<vmem>>, vector<1x512x1xf32>
    %get3A_8 = vector.shape_cast %get3A_7 : vector<1x512x1xf32> to vector<512x1xf32>
    %add3A = arith.addf %get3A_3, %get3A_8 : vector<512x1xf32>
    %add3A_9 = arith.constant 1.000000e+00 : f32
    %add3A_10 = vector.broadcast %add3A_9 : f32 to vector<512x1xf32>
    %add3A_11 = arith.addf %add3A, %add3A_10 : vector<512x1xf32>
    %rsqrt3A = math.rsqrt %add3A_11 : vector<512x1xf32>
    %get3A_12 = arith.constant 0 : index
    %get3A_13 = arith.constant 0 : index
    %get3A_14 = arith.constant 0 : index
    %get3A_15 = vector.load %arg1[%get3A_12, %get3A_13, %get3A_14] : memref<2x512x128xf32, #tpu.memory_space<vmem>>, vector<1x512x128xf32>
    %get3A_16 = vector.shape_cast %get3A_15 : vector<1x512x128xf32> to vector<512x128xf32>
    %get3A_17 = arith.constant 1 : index
    %get3A_18 = arith.constant 0 : index
    %get3A_19 = arith.constant 0 : index
    %get3A_20 = vector.load %arg1[%get3A_17, %get3A_18, %get3A_19] : memref<2x512x128xf32, #tpu.memory_space<vmem>>, vector<1x512x128xf32>
    %get3A_21 = vector.shape_cast %get3A_20 : vector<1x512x128xf32> to vector<512x128xf32>
    %add3A_22 = arith.addf %get3A_16, %get3A_21 : vector<512x128xf32>
    %mul3A = vector.broadcast %rsqrt3A : vector<512x1xf32> to vector<512x128xf32>
    %mul3A_23 = arith.mulf %mul3A, %add3A_22 : vector<512x128xf32>
    %get3A_24 = arith.constant 0 : index
    %get3A_25 = arith.constant 0 : index
    %get3A_26 = vector.load %arg2[%get3A_24, %get3A_25] : memref<512x128xf32, #tpu.memory_space<vmem>>, vector<512x128xf32>
    %mul3A_27 = vector.broadcast %rsqrt3A : vector<512x1xf32> to vector<512x128xf32>
    %mul3A_28 = arith.mulf %mul3A_27, %get3A_26 : vector<512x128xf32>
    %add3A_29 = arith.addf %mul3A_23, %mul3A_28 : vector<512x128xf32>
    %get3A_30 = arith.constant 0 : index
    %get3A_31 = arith.constant 0 : index
    %get3A_32 = vector.load %arg5[%get3A_30, %get3A_31] : memref<1x128xf32, #tpu.memory_space<vmem>>, vector<1x128xf32>
    %add3A_33 = vector.broadcast %get3A_32 : vector<1x128xf32> to vector<512x128xf32>
    %add3A_34 = arith.addf %add3A_29, %add3A_33 : vector<512x128xf32>
    %max3A = arith.constant 0.000000e+00 : f32
    %max3A_35 = vector.broadcast %max3A : f32 to vector<512x128xf32>
    %max3A_36 = arith.maximumf %add3A_34, %max3A_35 : vector<512x128xf32>
    %get3A_37 = arith.constant 0 : index
    %get3A_38 = arith.constant 0 : index
    %get3A_39 = vector.load %arg4[%get3A_37, %get3A_38] : memref<128x128xf32, #tpu.memory_space<vmem>>, vector<128x128xf32>
    %dot_general3A = arith.constant dense<0.000000e+00> : vector<512x128xf32>
    %dot_general3A_40 = tpu.matmul %max3A_36, %get3A_39, %dot_general3A {dimension_numbers = #tpu.dot_dimension_numbers<[1], [0], [0], [1], [0, 0, 1, 1], [], []>, transpose_lhs_hint = false} : vector<512x128xf32>, vector<128x128xf32>, vector<512x128xf32> -> vector<512x128xf32>
    %mul3A_41 = vector.broadcast %rsqrt3A : vector<512x1xf32> to vector<512x128xf32>
    %mul3A_42 = arith.mulf %mul3A_41, %dot_general3A_40 : vector<512x128xf32>
    %swap3A = arith.constant 0 : index
    %swap3A_43 = arith.constant 0 : index
    %swap3A_44 = vector.load %arg6[%swap3A, %swap3A_43] : memref<512x128xf32, #tpu.memory_space<vmem>>, vector<512x128xf32>
    tpu.vector_store %arg6[%swap3A, %swap3A_43], %mul3A_42 {strides = array<i32>} : memref<512x128xf32, #tpu.memory_space<vmem>>, vector<512x128xf32>,
    return
  }
  func.func @transform_0(%arg0: i32) -> (i32, i32, i32) {
    %c0_i32 = arith.constant 0 : i32
    %c0_i32_0 = arith.constant 0 : i32
    %c0_i32_1 = arith.constant 0 : i32
    return %c0_i32, %arg0, %c0_i32_0 : i32, i32, i32
  }
  func.func @transform_1(%arg0: i32) -> (i32, i32) {
    %c0_i32 = arith.constant 0 : i32
    %c0_i32_0 = arith.constant 0 : i32
    return %arg0, %c0_i32 : i32, i32
  }
  func.func @transform_2(%arg0: i32) -> (i32, i32, i32) {
    %c0_i32 = arith.constant 0 : i32
    %c0_i32_0 = arith.constant 0 : i32
    %c0_i32_1 = arith.constant 0 : i32
    return %c0_i32, %arg0, %c0_i32_0 : i32, i32, i32
  }
  func.func @transform_3(%arg0: i32) -> (i32, i32) {
    %c0_i32 = arith.constant 0 : i32
    %c0_i32_0 = arith.constant 0 : i32
    %c0_i32_1 = arith.constant 0 : i32
    return %c0_i32, %c0_i32_0 : i32, i32
  }
  func.func @transform_4(%arg0: i32) -> (i32, i32) {
    %c0_i32 = arith.constant 0 : i32
    %c0_i32_0 = arith.constant 0 : i32
    %c0_i32_1 = arith.constant 0 : i32
    return %c0_i32, %c0_i32_0 : i32, i32
  }
  func.func @transform_5(%arg0: i32) -> (i32, i32) {
    %c0_i32 = arith.constant 0 : i32
    %c0_i32_0 = arith.constant 0 : i32
    return %arg0, %c0_i32 : i32, i32
  }
}

module attributes {stable_mosaic.version = 14 : i64} {
  func.func @_k23_body(%arg0: i32, %arg1: memref<2x512x128xf32, #tpu.memory_space<vmem>>, %arg2: memref<512x128xf32, #tpu.memory_space<vmem>>, %arg3: memref<2x512x16xf32, #tpu.memory_space<vmem>>, %arg4: memref<128x128xf32, #tpu.memory_space<vmem>>, %arg5: memref<1x128xf32, #tpu.memory_space<vmem>>, %arg6: memref<512x128xf32, #tpu.memory_space<vmem>>) attributes {dimension_semantics = [#tpu.dimension_semantics<arbitrary>], iteration_bounds = array<i64: 20>, scalar_prefetch = 0 : i64, scratch_operands = 0 : i64, tpu.core_type = #tpu.core_type<tc>, window_params = [{transform_indices = @transform_0, window_bounds = array<i64: 2, 512, 128>}, {transform_indices = @transform_1, window_bounds = array<i64: 512, 128>}, {transform_indices = @transform_2, window_bounds = array<i64: 2, 512, 16>}, {pipeline_mode = #tpu.pipeline_mode<synchronous>, transform_indices = @transform_3, window_bounds = array<i64: 128, 128>}, {pipeline_mode = #tpu.pipeline_mode<synchronous>, transform_indices = @transform_4, window_bounds = array<i64: 1, 128>}, {transform_indices = @transform_5, window_bounds = array<i64: 512, 128>}]} {
    %get3A = arith.constant 0 : index
    %get3A_0 = arith.constant 0 : index
    %get3A_1 = arith.constant 0 : index
    %get3A_2 = vector.load %arg3[%get3A, %get3A_0, %get3A_1] : memref<2x512x16xf32, #tpu.memory_space<vmem>>, vector<1x512x1xf32>
    %get3A_3 = vector.shape_cast %get3A_2 : vector<1x512x1xf32> to vector<512x1xf32>
    %get3A_4 = arith.constant 1 : index
    %get3A_5 = arith.constant 0 : index
    %get3A_6 = arith.constant 0 : index
    %get3A_7 = vector.load %arg3[%get3A_4, %get3A_5, %get3A_6] : memref<2x512x16xf32, #tpu.memory_space<vmem>>, vector<1x512x1xf32>
    %get3A_8 = vector.shape_cast %get3A_7 : vector<1x512x1xf32> to vector<512x1xf32>
    %add3A = arith.addf %get3A_3, %get3A_8 : vector<512x1xf32>
    %add3A_9 = arith.constant 1.000000e+00 : f32
    %add3A_10 = vector.broadcast %add3A_9 : f32 to vector<512x1xf32>
    %add3A_11 = arith.addf %add3A, %add3A_10 : vector<512x1xf32>
    %rsqrt3A = math.rsqrt %add3A_11 : vector<512x1xf32>
    %get3A_12 = arith.constant 0 : index
    %get3A_13 = arith.constant 0 : index
    %get3A_14 = arith.constant 0 : index
    %get3A_15 = vector.load %arg1[%get3A_12, %get3A_13, %get3A_14] : memref<2x512x128xf32, #tpu.memory_space<vmem>>, vector<1x512x128xf32>
    %get3A_16 = vector.shape_cast %get3A_15 : vector<1x512x128xf32> to vector<512x128xf32>
    %get3A_17 = arith.constant 1 : index
    %get3A_18 = arith.constant 0 : index
    %get3A_19 = arith.constant 0 : index
    %get3A_20 = vector.load %arg1[%get3A_17, %get3A_18, %get3A_19] : memref<2x512x128xf32, #tpu.memory_space<vmem>>, vector<1x512x128xf32>
    %get3A_21 = vector.shape_cast %get3A_20 : vector<1x512x128xf32> to vector<512x128xf32>
    %add3A_22 = arith.addf %get3A_16, %get3A_21 : vector<512x128xf32>
    %mul3A = vector.broadcast %rsqrt3A : vector<512x1xf32> to vector<512x128xf32>
    %mul3A_23 = arith.mulf %mul3A, %add3A_22 : vector<512x128xf32>
    %get3A_24 = arith.constant 0 : index
    %get3A_25 = arith.constant 0 : index
    %get3A_26 = vector.load %arg2[%get3A_24, %get3A_25] : memref<512x128xf32, #tpu.memory_space<vmem>>, vector<512x128xf32>
    %mul3A_27 = vector.broadcast %rsqrt3A : vector<512x1xf32> to vector<512x128xf32>
    %mul3A_28 = arith.mulf %mul3A_27, %get3A_26 : vector<512x128xf32>
    %add3A_29 = arith.addf %mul3A_23, %mul3A_28 : vector<512x128xf32>
    %get3A_30 = arith.constant 0 : index
    %get3A_31 = arith.constant 0 : index
    %get3A_32 = vector.load %arg5[%get3A_30, %get3A_31] : memref<1x128xf32, #tpu.memory_space<vmem>>, vector<1x128xf32>
    %add3A_33 = vector.broadcast %get3A_32 : vector<1x128xf32> to vector<512x128xf32>
    %add3A_34 = arith.addf %add3A_29, %add3A_33 : vector<512x128xf32>
    %max3A = arith.constant 0.000000e+00 : f32
    %max3A_35 = vector.broadcast %max3A : f32 to vector<512x128xf32>
    %max3A_36 = arith.maximumf %add3A_34, %max3A_35 : vector<512x128xf32>
    %mul3A_37 = vector.broadcast %rsqrt3A : vector<512x1xf32> to vector<512x128xf32>
    %mul3A_38 = arith.mulf %mul3A_37, %max3A_36 : vector<512x128xf32>
    %swap3A = arith.constant 0 : index
    %swap3A_39 = arith.constant 0 : index
    %swap3A_40 = vector.load %arg6[%swap3A, %swap3A_39] : memref<512x128xf32, #tpu.memory_space<vmem>>, vector<512x128xf32>
    tpu.vector_store %arg6[%swap3A, %swap3A_39], %mul3A_38 {strides = array<i32>} : memref<512x128xf32, #tpu.memory_space<vmem>>, vector<512x128xf32>,
    return
  }
  func.func @transform_0(%arg0: i32) -> (i32, i32, i32) {
    %c0_i32 = arith.constant 0 : i32
    %c0_i32_0 = arith.constant 0 : i32
    %c0_i32_1 = arith.constant 0 : i32
    return %c0_i32, %arg0, %c0_i32_0 : i32, i32, i32
  }
  func.func @transform_1(%arg0: i32) -> (i32, i32) {
    %c0_i32 = arith.constant 0 : i32
    %c0_i32_0 = arith.constant 0 : i32
    return %arg0, %c0_i32 : i32, i32
  }
  func.func @transform_2(%arg0: i32) -> (i32, i32, i32) {
    %c0_i32 = arith.constant 0 : i32
    %c0_i32_0 = arith.constant 0 : i32
    %c0_i32_1 = arith.constant 0 : i32
    return %c0_i32, %arg0, %c0_i32_0 : i32, i32, i32
  }
  func.func @transform_3(%arg0: i32) -> (i32, i32) {
    %c0_i32 = arith.constant 0 : i32
    %c0_i32_0 = arith.constant 0 : i32
    %c0_i32_1 = arith.constant 0 : i32
    return %c0_i32, %c0_i32_0 : i32, i32
  }
  func.func @transform_4(%arg0: i32) -> (i32, i32) {
    %c0_i32 = arith.constant 0 : i32
    %c0_i32_0 = arith.constant 0 : i32
    %c0_i32_1 = arith.constant 0 : i32
    return %c0_i32, %c0_i32_0 : i32, i32
  }
  func.func @transform_5(%arg0: i32) -> (i32, i32) {
    %c0_i32 = arith.constant 0 : i32
    %c0_i32_0 = arith.constant 0 : i32
    return %arg0, %c0_i32 : i32, i32
  }
}

module attributes {stable_mosaic.version = 14 : i64} {
  func.func @_k4_body(%arg0: i32, %arg1: memref<2x512x128xf32, #tpu.memory_space<vmem>>, %arg2: memref<512x128xf32, #tpu.memory_space<vmem>>, %arg3: memref<2x512x16xf32, #tpu.memory_space<vmem>>, %arg4: memref<128x64xf32, #tpu.memory_space<vmem>>, %arg5: memref<1x64xf32, #tpu.memory_space<vmem>>, %arg6: memref<128x64xf32, #tpu.memory_space<vmem>>, %arg7: memref<1x64xf32, #tpu.memory_space<vmem>>, %arg8: memref<512x64xf32, #tpu.memory_space<vmem>>, %arg9: memref<512x64xf32, #tpu.memory_space<vmem>>) attributes {dimension_semantics = [#tpu.dimension_semantics<arbitrary>], iteration_bounds = array<i64: 20>, scalar_prefetch = 0 : i64, scratch_operands = 0 : i64, tpu.core_type = #tpu.core_type<tc>, window_params = [{transform_indices = @transform_0, window_bounds = array<i64: 2, 512, 128>}, {transform_indices = @transform_1, window_bounds = array<i64: 512, 128>}, {transform_indices = @transform_2, window_bounds = array<i64: 2, 512, 16>}, {pipeline_mode = #tpu.pipeline_mode<synchronous>, transform_indices = @transform_3, window_bounds = array<i64: 128, 64>}, {pipeline_mode = #tpu.pipeline_mode<synchronous>, transform_indices = @transform_4, window_bounds = array<i64: 1, 64>}, {pipeline_mode = #tpu.pipeline_mode<synchronous>, transform_indices = @transform_5, window_bounds = array<i64: 128, 64>}, {pipeline_mode = #tpu.pipeline_mode<synchronous>, transform_indices = @transform_6, window_bounds = array<i64: 1, 64>}, {transform_indices = @transform_7, window_bounds = array<i64: 512, 64>}, {transform_indices = @transform_8, window_bounds = array<i64: 512, 64>}]} {
    %get3A = arith.constant 0 : index
    %get3A_0 = arith.constant 0 : index
    %get3A_1 = arith.constant 0 : index
    %get3A_2 = vector.load %arg3[%get3A, %get3A_0, %get3A_1] : memref<2x512x16xf32, #tpu.memory_space<vmem>>, vector<1x512x1xf32>
    %get3A_3 = vector.shape_cast %get3A_2 : vector<1x512x1xf32> to vector<512x1xf32>
    %get3A_4 = arith.constant 1 : index
    %get3A_5 = arith.constant 0 : index
    %get3A_6 = arith.constant 0 : index
    %get3A_7 = vector.load %arg3[%get3A_4, %get3A_5, %get3A_6] : memref<2x512x16xf32, #tpu.memory_space<vmem>>, vector<1x512x1xf32>
    %get3A_8 = vector.shape_cast %get3A_7 : vector<1x512x1xf32> to vector<512x1xf32>
    %add3A = arith.addf %get3A_3, %get3A_8 : vector<512x1xf32>
    %add3A_9 = arith.constant 1.000000e+00 : f32
    %add3A_10 = vector.broadcast %add3A_9 : f32 to vector<512x1xf32>
    %add3A_11 = arith.addf %add3A, %add3A_10 : vector<512x1xf32>
    %rsqrt3A = math.rsqrt %add3A_11 : vector<512x1xf32>
    %get3A_12 = arith.constant 0 : index
    %get3A_13 = arith.constant 0 : index
    %get3A_14 = arith.constant 0 : index
    %get3A_15 = vector.load %arg1[%get3A_12, %get3A_13, %get3A_14] : memref<2x512x128xf32, #tpu.memory_space<vmem>>, vector<1x512x128xf32>
    %get3A_16 = vector.shape_cast %get3A_15 : vector<1x512x128xf32> to vector<512x128xf32>
    %get3A_17 = arith.constant 1 : index
    %get3A_18 = arith.constant 0 : index
    %get3A_19 = arith.constant 0 : index
    %get3A_20 = vector.load %arg1[%get3A_17, %get3A_18, %get3A_19] : memref<2x512x128xf32, #tpu.memory_space<vmem>>, vector<1x512x128xf32>
    %get3A_21 = vector.shape_cast %get3A_20 : vector<1x512x128xf32> to vector<512x128xf32>
    %add3A_22 = arith.addf %get3A_16, %get3A_21 : vector<512x128xf32>
    %mul3A = vector.broadcast %rsqrt3A : vector<512x1xf32> to vector<512x128xf32>
    %mul3A_23 = arith.mulf %mul3A, %add3A_22 : vector<512x128xf32>
    %get3A_24 = arith.constant 0 : index
    %get3A_25 = arith.constant 0 : index
    %get3A_26 = vector.load %arg2[%get3A_24, %get3A_25] : memref<512x128xf32, #tpu.memory_space<vmem>>, vector<512x128xf32>
    %mul3A_27 = vector.broadcast %rsqrt3A : vector<512x1xf32> to vector<512x128xf32>
    %mul3A_28 = arith.mulf %mul3A_27, %get3A_26 : vector<512x128xf32>
    %add3A_29 = arith.addf %mul3A_23, %mul3A_28 : vector<512x128xf32>
    %get3A_30 = arith.constant 0 : index
    %get3A_31 = arith.constant 0 : index
    %get3A_32 = vector.load %arg4[%get3A_30, %get3A_31] : memref<128x64xf32, #tpu.memory_space<vmem>>, vector<128x64xf32>
    %dot_general3A = arith.constant dense<0.000000e+00> : vector<512x64xf32>
    %dot_general3A_33 = tpu.matmul %add3A_29, %get3A_32, %dot_general3A {dimension_numbers = #tpu.dot_dimension_numbers<[1], [0], [0], [1], [0, 0, 1, 1], [], []>, transpose_lhs_hint = false} : vector<512x128xf32>, vector<128x64xf32>, vector<512x64xf32> -> vector<512x64xf32>
    %get3A_34 = arith.constant 0 : index
    %get3A_35 = arith.constant 0 : index
    %get3A_36 = vector.load %arg5[%get3A_34, %get3A_35] : memref<1x64xf32, #tpu.memory_space<vmem>>, vector<1x64xf32>
    %add3A_37 = vector.broadcast %get3A_36 : vector<1x64xf32> to vector<512x64xf32>
    %add3A_38 = arith.addf %dot_general3A_33, %add3A_37 : vector<512x64xf32>
    %swap3A = arith.constant 0 : index
    %swap3A_39 = arith.constant 0 : index
    %swap3A_40 = vector.load %arg8[%swap3A, %swap3A_39] : memref<512x64xf32, #tpu.memory_space<vmem>>, vector<512x64xf32>
    tpu.vector_store %arg8[%swap3A, %swap3A_39], %add3A_38 {strides = array<i32>} : memref<512x64xf32, #tpu.memory_space<vmem>>, vector<512x64xf32>,
    %get3A_41 = arith.constant 0 : index
    %get3A_42 = arith.constant 0 : index
    %get3A_43 = vector.load %arg6[%get3A_41, %get3A_42] : memref<128x64xf32, #tpu.memory_space<vmem>>, vector<128x64xf32>
    %dot_general3A_44 = arith.constant dense<0.000000e+00> : vector<512x64xf32>
    %dot_general3A_45 = tpu.matmul %add3A_29, %get3A_43, %dot_general3A_44 {dimension_numbers = #tpu.dot_dimension_numbers<[1], [0], [0], [1], [0, 0, 1, 1], [], []>, transpose_lhs_hint = false} : vector<512x128xf32>, vector<128x64xf32>, vector<512x64xf32> -> vector<512x64xf32>
    %get3A_46 = arith.constant 0 : index
    %get3A_47 = arith.constant 0 : index
    %get3A_48 = vector.load %arg7[%get3A_46, %get3A_47] : memref<1x64xf32, #tpu.memory_space<vmem>>, vector<1x64xf32>
    %add3A_49 = vector.broadcast %get3A_48 : vector<1x64xf32> to vector<512x64xf32>
    %add3A_50 = arith.addf %dot_general3A_45, %add3A_49 : vector<512x64xf32>
    %swap3A_51 = arith.constant 0 : index
    %swap3A_52 = arith.constant 0 : index
    %swap3A_53 = vector.load %arg9[%swap3A_51, %swap3A_52] : memref<512x64xf32, #tpu.memory_space<vmem>>, vector<512x64xf32>
    tpu.vector_store %arg9[%swap3A_51, %swap3A_52], %add3A_50 {strides = array<i32>} : memref<512x64xf32, #tpu.memory_space<vmem>>, vector<512x64xf32>,
    return
  }
  func.func @transform_0(%arg0: i32) -> (i32, i32, i32) {
    %c0_i32 = arith.constant 0 : i32
    %c0_i32_0 = arith.constant 0 : i32
    %c0_i32_1 = arith.constant 0 : i32
    return %c0_i32, %arg0, %c0_i32_0 : i32, i32, i32
  }
  func.func @transform_1(%arg0: i32) -> (i32, i32) {
    %c0_i32 = arith.constant 0 : i32
    %c0_i32_0 = arith.constant 0 : i32
    return %arg0, %c0_i32 : i32, i32
  }
  func.func @transform_2(%arg0: i32) -> (i32, i32, i32) {
    %c0_i32 = arith.constant 0 : i32
    %c0_i32_0 = arith.constant 0 : i32
    %c0_i32_1 = arith.constant 0 : i32
    return %c0_i32, %arg0, %c0_i32_0 : i32, i32, i32
  }
  func.func @transform_3(%arg0: i32) -> (i32, i32) {
    %c0_i32 = arith.constant 0 : i32
    %c0_i32_0 = arith.constant 0 : i32
    %c0_i32_1 = arith.constant 0 : i32
    return %c0_i32, %c0_i32_0 : i32, i32
  }
  func.func @transform_4(%arg0: i32) -> (i32, i32) {
    %c0_i32 = arith.constant 0 : i32
    %c0_i32_0 = arith.constant 0 : i32
    %c0_i32_1 = arith.constant 0 : i32
    return %c0_i32, %c0_i32_0 : i32, i32
  }
  func.func @transform_5(%arg0: i32) -> (i32, i32) {
    %c0_i32 = arith.constant 0 : i32
    %c0_i32_0 = arith.constant 0 : i32
    %c0_i32_1 = arith.constant 0 : i32
    return %c0_i32, %c0_i32_0 : i32, i32
  }
  func.func @transform_6(%arg0: i32) -> (i32, i32) {
    %c0_i32 = arith.constant 0 : i32
    %c0_i32_0 = arith.constant 0 : i32
    %c0_i32_1 = arith.constant 0 : i32
    return %c0_i32, %c0_i32_0 : i32, i32
  }
  func.func @transform_7(%arg0: i32) -> (i32, i32) {
    %c0_i32 = arith.constant 0 : i32
    %c0_i32_0 = arith.constant 0 : i32
    return %arg0, %c0_i32 : i32, i32
  }
  func.func @transform_8(%arg0: i32) -> (i32, i32) {
    %c0_i32 = arith.constant 0 : i32
    %c0_i32_0 = arith.constant 0 : i32
    return %arg0, %c0_i32 : i32, i32
  }
}

</mosaic_0001>

<sc_bundles>
// kernel: kernel.10.cloned.1.call-start
scs
__scs_entry_jumppad:
0x0: {  	(pc) =	sbr.rel $0x88, $3  }
0x1: {  	(tag) =	ssettag $0x0;
	lr =	simm.s32 $0x1  }
0x2: {  	[smem:$0x3F97] =	sst lr;
	_ =	strace $0xD0000000  }
0x3: {  	_ = 	snop  }
0x4: {  	_ = 	snop  }
0x5: {  	_ = 	snop  }
0x6: {  	_ = 	snop  }
0x7: {  	_ = 	snop  }
__scs_overlays_trampoline_lowered:
0x8: {  	[smem:$0x3FA6] =	sst s0  }
0x9: {  	[smem:$0x3FA7] =	sst s1  }
0xa: {  	[smem:$0x3FA8] =	sst s2  }
0xb: {  	[smem:$0x3FA9] =	sst s3  }
0xc: {  	[smem:$0x3FAA] =	sst s4  }
0xd: {  	[smem:$0x3FAB] =	sst s5  }
0xe: {  	[smem:$0x3FAC] =	sst s6  }
0xf: {  	[smem:$0x3FAD] =	sst s7  }
0x10: {  	[smem:$0x3FAE] =	sst s8  }
0x11: {  	[smem:$0x3FAF] =	sst s9;
	s0 =	simm.s32 @!p0 $0x0  }
0x12: {  	s1 =	sld [smem:$0x3F95];
	s0 =	simm.s32 @p0 $0x1  }
0x13: {  	[smem:$0x3FB0] =	sst s0;
	s0 =	simm.s32 @!p1 $0x0  }
0x14: {  	s2 =	sld [smem:$0x3F94];
	s0 =	simm.s32 @p1 $0x1  }
0x15: {  	[smem:$0x3FB1] =	sst s0;
	s0 =	simm.s32 @!p2 $0x0  }
0x16: {  	s3 =	sld [smem:$0x3FDB];
	s0 =	simm.s32 @p2 $0x1  }
0x17: {  	s4 =	simm.s32 $0x1BF5;
	[smem:$0x3FB3] =	sst s0  }
0x18: {  	s0 =	sld [smem:$0x3F96];
	_ =	swait.ge [sflag:s4], $0x0  }
0x19: {  	s7 =	sld [smem:$0x3F97]  }
0x1a: {  	s8 =	sadd.s32 $0xFFFFE003, lr  }
0x1b: {  	s9 =	sadd.s32 $0xFFFFFEF7, lr;
	s5 =	simm.s32 $0xFFFFFFFF;
	p2 =	slt.u32 s8, $0xFFFFF086  }
0x1c: {  	p1 =	slt.u32 s9, $0xF7A;
	s5 =	simm.s32 @!p2 $0x0  }
0x1d: {  	s5 =	simm.s32 @p1 $0x1;
	p0 =	seq.s32 s7, s2  }
0x1e: {  	s7 =	smul.u32 @!p0 $0xF7A, s2;
	p2 =	seq.s32 @!p0 s5, $0x0  }
0x1f: {  	s9 =	smul.u32 $0xF7A, s1;
	s8 =	simm.s32 @!p0 $0x1BF5;
	p2 =	por !p2, p0  }
0x20: {  	[sflag:s8] =	ssyncset.s32 @!p0 $0xFFFFF086;
	s6 =	sadd.s32 @!p0 s3, s7;
	s7 =	simm.s32 @!p0 $0x108  }
0x21: {  	s3 =	sadd.s32 s3, s9;
	s6 =	sadd.s32 @!p0 $0x88, s6;
	s7 =	simm.s32 @p2 $0x1082  }
0x22: {  	[simem:s7], [sflag:s8] =	dma.local @!p0 [hbm:s6], $0xF7A  }
0x23: {  	s9 =	sor.u32 $0xD0000000, s2;
	s6 =	simm.s32 $0x108;
	_ =	swait.ge @!p0 [sflag:s8], $0x0  }
0x24: {  	s3 =	sadd.s32 $0x88, s3;
	s6 =	simm.s32 @!p1 $0x1082;
	[sflag:s4] =	ssyncset.s32 $0xFFFFF086  }
0x25: {  	[simem:s6], [sflag:s4] =	dma.local [hbm:s3], $0xF7A  }
0x26: {  	[smem:$0x3F97] =	sst s1;
	(tag) =	ssettag s2;
	_ =	strace s9  }
0x27: {  	s1 =	sld [smem:$0x3FA7]  }
0x28: {  	s2 =	sld [smem:$0x3FA8]  }
0x29: {  	s4 =	sld [smem:$0x3FAA]  }
0x2a: {  	p0 =	seq.s32 s5, $0x0;
	s5 =	sld [smem:$0x3FAB]  }
0x2b: {  	s6 =	sld [smem:$0x3FAC]  }
0x2c: {  	s7 =	sld [smem:$0x3FAD]  }
0x2d: {  	s3 =	simm.s32 $0x108;
	s8 =	sld [smem:$0x3FAE]  }
0x2e: {  	s3 =	simm.s32 @!p0 $0x1082;
	s9 =	sld [smem:$0x3FAF]  }
0x2f: {  	lr =	sadd.s32 s0, s3;
	s0 =	sld [smem:$0x3FA6]  }
0x30: {  	s3 =	sld [smem:$0x3FA9]  }
0x31: {  	[smem:$0x3FB2] =	sst s10  }
0x32: {  	s10 =	sld [smem:$0x3FB0];
	_ =	sdelay $0x3  }
0x33: {  	p0 =	seq.s32 s10, $0x1;
	s10 =	sld [smem:$0x3FB2];
	_ =	sdelay $0x3  }
0x34: {  	[smem:$0x3FB2] =	sst s10  }
0x35: {  	s10 =	sld [smem:$0x3FB1];
	_ =	sdelay $0x3  }
0x36: {  	p1 =	seq.s32 s10, $0x1;
	s10 =	sld [smem:$0x3FB2];
	_ =	sdelay $0x3  }
0x37: {  	[smem:$0x3FB2] =	sst s10  }
0x38: {  	s10 =	sld [smem:$0x3FB3]  }
0x39: {  	_ = 	snop;
	(pc) =	sbr.ind lr, $3  }
0x3a: {  	_ = 	snop  }
0x3b: {  	_ = 	snop  }
0x3c: {  	p2 =	seq.s32 s10, $0x1;
	s10 =	sld [smem:$0x3FB2]  }
0x3d: {  	_ =	shalt  }
0x3e: {  	_ =	shalt  }
0x3f: {  	_ =	shalt  }
0x40: {  	_ =	shalt  }
0x41: {  	_ =	shalt  }
0x42: {  	_ =	shalt  }
0x43: {  	_ =	shalt  }
0x44: {  	_ =	shalt  }
0x45: {  	_ =	shalt  }
0x46: {  	_ =	shalt  }
0x47: {  	_ =	shalt  }
0x48: {  	_ =	shalt  }
0x49: {  	_ =	shalt  }
0x4a: {  	_ =	shalt  }
0x4b: {  	_ =	shalt  }
0x4c: {  	_ =	shalt  }
0x4d: {  	_ =	shalt  }
0x4e: {  	_ =	shalt  }
0x4f: {  	_ =	shalt  }
0x50: {  	_ =	shalt  }
0x51: {  	_ =	shalt  }
0x52: {  	_ =	shalt  }
0x53: {  	_ =	shalt  }
0x54: {  	_ =	shalt  }
0x55: {  	_ =	shalt  }
0x56: {  	_ =	shalt  }
0x57: {  	_ =	shalt  }
0x58: {  	_ =	shalt  }
0x59: {  	_ =	shalt  }
0x5a: {  	_ =	shalt  }
0x5b: {  	_ =	shalt  }
0x5c: {  	_ =	shalt  }
0x5d: {  	_ =	shalt  }
0x5e: {  	_ =	shalt  }
0x5f: {  	_ =	shalt  }
0x60: {  	_ =	shalt  }
0x61: {  	_ =	shalt  }
0x62: {  	_ =	shalt  }
0x63: {  	_ =	shalt  }
0x64: {  	_ =	shalt  }
0x65: {  	_ =	shalt  }
0x66: {  	_ =	shalt  }
0x67: {  	_ =	shalt  }
0x68: {  	_ =	shalt  }
0x69: {  	_ =	shalt  }
0x6a: {  	_ =	shalt  }
0x6b: {  	_ =	shalt  }
0x6c: {  	_ =	shalt  }
0x6d: {  	_ =	shalt  }
0x6e: {  	_ =	shalt  }
0x6f: {  	_ =	shalt  }
0x70: {  	_ =	shalt  }
0x71: {  	_ =	shalt  }
0x72: {  	_ =	shalt  }
0x73: {  	_ =	shalt  }
0x74: {  	_ =	shalt  }
0x75: {  	_ =	shalt  }
0x76: {  	_ =	shalt  }
0x77: {  	_ =	shalt  }
0x78: {  	_ =	shalt  }
0x79: {  	_ =	shalt  }
0x7a: {  	_ =	shalt  }
0x7b: {  	_ =	shalt  }
0x7c: {  	_ =	shalt  }
0x7d: {  	_ =	shalt  }
0x7e: {  	_ =	shalt  }
0x7f: {  	_ =	shalt  }
0x80: {  	_ =	shalt  }
0x81: {  	_ =	shalt  }
0x82: {  	_ =	shalt  }
0x83: {  	_ =	shalt  }
0x84: {  	_ =	shalt  }
0x85: {  	_ =	shalt  }
0x86: {  	_ =	shalt  }
0x87: {  	_ =	shalt  }
.Lfunc_end0:
.L_simem_size_0:
called_computation_lowered:
.L_overlay_start_0:
0x88: {  	s2 =	sld [smem:$0x3FD9]  }
0x89: {  	s3 =	sld [smem:$0x3FFE];
	_ =	sdelay $0x1  }
0x8a: {  	s1 =	srdreg.scid  }
0x8b: {  	s0 =	sand.u32 $0x1, s1  }
0x8c: {  	s14 =	sshll.u32 s0, $0xA;
	s2 =	sadd.s32 s3, s2  }
0x8d: {  	s2 =	sadd.s32 s2, s14  }
0x8e: {  	[smem:$0x3FBE] =	sst s2  }
0x8f: {  	_ = 	snop  }
0x90: {  	s2 =	sld [smem:$0x3FD0];
	_ =	sdelay $0x2  }
0x91: {  	s15 =	simm.s32 $0xA;
	s4 =	simm.s32 $0x10  }
0x92: {  	[smem:s4], [sflag:s15] =	dma.local [hbm:s2], $0x1  }
0x93: {  	_ =	swait.eq [sflag:s15], $0x1  }
0x94: {  	[sflag:s15] =	ssyncset.done $0x0  }
0x95: {  	[sflag:s15] =	ssyncadd.s32 $0xFFFFFFFF  }
0x96: {  	s16 =	sld [smem:$0x10];
	(tm) =	ssettm $0x1  }
0x97: {  	s17 =	sld [smem:$0x3FFB];
	_ =	sdelay $0x3  }
0x98: {  	_ =	strace s17  }
0x99: {  	s3 =	sld [smem:$0x3FFC];
	_ =	sdelay $0x3  }
0x9a: {  	_ =	strace s3  }
0x9b: {  	s3 =	sld [smem:$0x3FFD];
	_ =	sdelay $0x3  }
0x9c: {  	_ =	strace s3  }
0x9d: {  	_ =	strace $0x8FFFFFFF  }
0x9e: {  	s18 =	sld [smem:$0x3FDB];
	_ =	sdelay $0x1  }
0x9f: {  	s19 =	simm.s32 $_scs_section_size  }
0xa0: {  	s5 =	simm.s32 $_size__tile_overlayer_lowered;
	s6 =	simm.s32 $_tile_overlayer_lowered  }
0xa1: {  	s22 =	simm.s32 $0x1BFF;
	s21 =	sshll.u32 s6, $0x1;
	s3 =	sadd.s32 s19, s18  }
0xa2: {  	s7 =	simm.s32 $0x0;
	s20 =	sshll.u32 s5, $0x1;
	s5 =	sadd.s32 s21, s3  }
0xa3: {  	[timem:s7], [sflag:s22] =	dma.local [hbm:s5], s20  }
0xa4: {  	_ =	swait.ge [sflag:s22], s20  }
0xa5: {  	s4 =	ssub.s32 $0x0, s20;
	[sflag:s22] =	ssyncset.done $0x0  }
0xa6: {  	[sflag:s22] =	ssyncadd.s32 s4;
	_ =	sdelay $0x1  }
0xa7: {  	s23 =	simm.s32 $0x1B8B  }
0xa8: {  	_ =	swait.ge [sflag:s23], $0x1  }
0xa9: {  	[sflag:s23] =	ssyncset.done $0x0  }
0xaa: {  	s25 =	simm.s32 $0x1B8E;
	s24 =	sld [smem:$0x3FFE];
	[sflag:s23] =	ssyncadd.s32 $0xFFFFFFFF  }
0xab: {  	s26 =	simm.s32 $execute0_lowered;
	[smem:$0x3FD2] =	sst s25  }
0xac: {  	s5 =	sshll.u32 s26, $0x1;
	_ =	strace $0x80000046;
	[dreg:$0x1] =	wrdreg $0xFFFFFFFF  }
0xad: {  	s28 =	simm.s32 $_size_execute0_lowered;
	s3 =	sadd.s32 s3, s5;
	[dreg:$0x0] =	wrdreg $0x0  }
0xae: {  	s5 =	sshll.u32 s28, $0x1;
	[dreg:$0x2] =	wrdreg s3  }
0xaf: {  	[dreg:$0x3] =	wrdreg s5  }
0xb0: {  	[dreg:$0x4] =	wrdreg $0xC0  }
0xb1: {  	_ =	task [dreg:s7], $0x5FFFF  }
0xb2: {  	[dreg:$0x1] =	wrdreg $0xFFFFFFFF  }
0xb3: {  	[dreg:$0x0] =	wrdreg $0x60  }
0xb4: {  	[dreg:$0x2] =	wrdreg s16  }
0xb5: {  	[dreg:$0x3] =	wrdreg s24  }
0xb6: {  	[dreg:$0x4] =	wrdreg $0x0  }
0xb7: {  	[dreg:$0x5] =	wrdreg $0x9  }
0xb8: {  	_ =	task.clear_ibuf [dreg:s7], $0x6FFFF;
	_ =	strace $0x90000046  }
0xb9: {  	s29 =	simm.s32 $0x9;
	_ =	strace $0x80000048  }
0xba: {  	_ =	swait.ge [sflag:s29], $0x1  }
0xbb: {  	[sflag:s29] =	ssyncadd.s32 $0xFFFFFFFF  }
0xbc: {  	_ =	strace $0x90000048  }
0xbd: {  	_ =	sfence  }
0xbe: {  	s30 =	sld [smem:$0x0];
	_ =	sdelay $0x2  }
0xbf: {  	s31 =	sshll.u32 s1, $0xD;
	s1 =	sshrl.u32 s1, $0x2  }
0xc0: {  	s3 =	sand.u32 $0x4000, s31;
	s1 =	sadd.s32 s1, s30  }
0xc1: {  	s0 =	sor.u32 s3, s0;
	s1 =	sshll.u32 s1, $0x11  }
0xc2: {  	s0 =	sor.u32 s1, s0  }
0xc3: {  	s0 =	sadd.s32 $0x8F2B, s0  }
0xc4: {  	[sflag:s0] =	ssyncadd.remote.s32 $0x1  }
0xc5: {  	_ =	sfence.sel $0xFFFF  }
0xc6: {  	[dreg:$0x0] =	wrdreg $0xFFFFFFFF;
	(pc) =	sbr.abs _section_cstart, $3  }
0xc7: {  	[dreg:$0x1] =	wrdreg $0xFFFFFFFF  }
0xc8: {  	_ =	task.clear_ibuf [dreg:s7], $0x2FFFF;
	_ =	strace $0x9FFFFFFF  }
0xc9: {  	(tm) =	ssettm $0x7FFFFFFF  }
tec
execute0_lowered:
.L_overlay_start_1:
0x0: {  	(tag) =	ssettag $0x1  }
0x1: {  	s5 =	rddreg [dreg:$0x0]  }
0x2: {  	s4 =	rddreg [dreg:$0x1]  }
0x3: {  	s1 =	rddreg [dreg:$0x2]  }
0x4: {  	s0 =	rddreg [dreg:$0x3];
	s2 =	simm.s32 $0x0;
	s3 =	srdreg.scid  }
0x5: {  	[smem:$0x7FF] =	sst s2;
	s6 =	sand.u32 $0x1, s3  }
0x6: {  	s3 =	stileid.u32;
	s15 =	sadd.s32 $0x3C00, s4;
	s14 =	smul.u32 $0x140000, s6  }
0x7: {  	_ =	strace $0x80000047;
	s24 =	sshll.u32 s6, $0x4;
	s13 =	smul.u32 $0x14000, s3  }
0x8: {  	s6 =	ssub.s32 $0x2, s6;
	s7 =	smul.u32 $0x50000, s3;
	s4 =	sor.u32 s3, s24  }
0x9: {  	s8 =	sshrl.u32 s6, $0x1;
	s9 =	smul.u32 $0x500, s4;
	s25 =	sadd.s32 s14, s13  }
0xa: {  	s8 =	ssub.s32 s6, s8;
	s26 =	sshrl.u32 s7, $0x2;
	s16 =	sadd.s32 $0x4000, s13  }
0xb: {  	s17 =	sadd.s32 $0x8000, s13;
	s18 =	sadd.s32 $0xC000, s13;
	s19 =	sadd.s32 $0x10000, s13  }
0xc: {  	s28 =	sshrl.u32 s25, $0x3;
	s4 =	sadd.s32 s26, s1;
	s7 =	smax.u32 s8, $0x1  }
0xd: {  	s12 =	sadd.s32 s14, s16;
	s20 =	sadd.s32 s16, s1;
	s29 =	sadd.s32 s14, s17  }
0xe: {  	s30 =	sadd.s32 s14, s18;
	s14 =	sadd.s32 s14, s19;
	s21 =	sadd.s32 s17, s1  }
0xf: {  	s22 =	sadd.s32 s18, s1;
	s23 =	sadd.s32 s19, s1;
	s17 =	simm.s32 $0x1  }
0x10: {  	s18 =	simm.s32 $0x2800;
	s19 =	simm.s32 $0x80;
	s5 =	sadd.s32 s5, s9  }
0x11: {  	s6 =	sadd.s32 s15, s28;
	s8 =	sadd.s32 $0x4000, s4;
	s9 =	sadd.s32 $0x8000, s4  }
0x12: {  	s10 =	sadd.s32 $0xC000, s4;
	s11 =	sadd.s32 $0x10000, s4;
	s12 =	sshrl.u32 s12, $0x3  }
0x13: {  	s16 =	sshrl.u32 s29, $0x3;
	s31 =	sshrl.u32 s14, $0x3;
	s20 =	sshrl.u32 s20, $0x3  }
0x14: {  	s21 =	sshrl.u32 s21, $0x3;
	s22 =	sshrl.u32 s22, $0x3;
	s23 =	sshrl.u32 s23, $0x3  }
0x15: {  	s12 =	sadd.s32 s15, s12;
	s13 =	sadd.s32 s15, s16;
	s16 =	sshrl.u32 s30, $0x3  }
0x16: {  	v0 =	vimm.f32 $0.0e+00;
	v1 =	vimm.f32 $1.000000000e+00;
	s14 =	sadd.s32 s15, s16;
	s15 =	sadd.s32 s15, s31;
	s16 =	simm.s32 $0x5000  }
.LBB2_1:
0x17: {  	s24 =	simm.s32 $0x200;
	s25 =	simm.s32 $0x0  }
.LBB2_2:
0x18: {  	p0 =	sne.s32 s24, $0xFE00;
	[tilespmem:s25+$0x5000] =	vst v0;
	s25 =	smov.u32 s24;
	s24 =	sadd.s32 $0x200, s24  }
.Ltmp0:
0x19: {  	(pc) =	sbr.rel @p0 .LBB2_2-.Ltmp0, $2  }
0x1a: {  	_ =	sdelay $0x2  }
0x1b: {  	s25 =	sshra.s32 s25, $0x2  }
0x1c: {  	[tilespmem:s25+$0x5000] =	vst v0  }
0x1d: {  	[spmem:s4] =	stream.linear.scatter [tilespmem:s16], [sflag:$0x1], $0x4000, $0x38;
	[tilespmem:$0x9000] =	vst v63  }
0x1e: {  	_ =	swait.ge [sflag:s17], $0x4000  }
0x1f: {  	[sflag:s17] =	ssyncset.done $0x0  }
0x20: {  	[sflag:s17] =	ssyncadd.s32 $0xFFFFC000  }
0x21: {  	[spmem:s8] =	stream.linear.scatter [tilespmem:s16], [sflag:$0x1], $0x4000, $0x38;
	[tilespmem:$0x9000] =	vst v63  }
0x22: {  	_ =	swait.ge [sflag:s17], $0x4000  }
0x23: {  	[sflag:s17] =	ssyncset.done $0x0  }
0x24: {  	[sflag:s17] =	ssyncadd.s32 $0xFFFFC000  }
0x25: {  	[spmem:s9] =	stream.linear.scatter [tilespmem:s16], [sflag:$0x1], $0x4000, $0x38;
	[tilespmem:$0x9000] =	vst v63  }
0x26: {  	_ =	swait.ge [sflag:s17], $0x4000  }
0x27: {  	[sflag:s17] =	ssyncset.done $0x0  }
0x28: {  	[sflag:s17] =	ssyncadd.s32 $0xFFFFC000  }
0x29: {  	[spmem:s10] =	stream.linear.scatter [tilespmem:s16], [sflag:$0x1], $0x4000, $0x38;
	[tilespmem:$0x9000] =	vst v63  }
0x2a: {  	_ =	swait.ge [sflag:s17], $0x4000  }
0x2b: {  	[sflag:s17] =	ssyncset.done $0x0  }
0x2c: {  	[sflag:s17] =	ssyncadd.s32 $0xFFFFC000  }
0x2d: {  	[spmem:s11] =	stream.linear.scatter [tilespmem:s16], [sflag:$0x1], $0x4000, $0x38;
	[tilespmem:$0x9000] =	vst v63  }
0x2e: {  	_ =	swait.ge [sflag:s17], $0x4000  }
0x2f: {  	[sflag:s17] =	ssyncset.done $0x0  }
0x30: {  	s24 =	simm.s32 $0x200;
	s25 =	simm.s32 $0x0;
	[sflag:s17] =	ssyncadd.s32 $0xFFFFC000  }
.LBB2_4:
0x31: {  	p0 =	sne.s32 s24, $0xFE00;
	[tilespmem:s25+$0x5000] =	vst v1;
	s25 =	smov.u32 s24;
	s24 =	sadd.s32 $0x200, s24  }
.Ltmp1:
0x32: {  	(pc) =	sbr.rel @p0 .LBB2_4-.Ltmp1, $2  }
0x33: {  	_ =	sdelay $0x2  }
0x34: {  	s25 =	sshra.s32 s25, $0x2  }
0x35: {  	[tilespmem:s25+$0x5000] =	vst v1;
	s24 =	simm.s32 $0x0  }
0x36: {  	[tilespmem:s18], [sflag:$0x1] =	stream.linear.gather [hbm4b:s5+s24], $0x2800, $0x38;
	[tilespmem:$0x9000] =	vst v63  }
0x37: {  	_ =	swait.ge [sflag:s17], $0x2800  }
0x38: {  	[sflag:s17] =	ssyncset.done $0x0  }
0x39: {  	[sflag:s17] =	ssyncadd.s32 $0xFFFFD800  }
0x3a: {  	s31 =	simm.s32 $0x2800;
	[bflag:$0x0] =	sbarrier.arrive $0xFFFF  }
0x3b: {  	[spmem:s1] =	stream.indirect.scatter.add.f32 [tilespmem:s16], [sflag:$0x1], $0x10, s31, s19, $0xb8;
	[tilespmem:$0x9000] =	vst v63  }
0x3c: {  	s24 =	simm.s32 $0x200;
	_ =	swait.ge [sflag:s17], $0x800  }
.LBB2_6:
0x3d: {  	s25 =	sshra.s32 s24, $0x2;
	[sflag:s17] =	ssyncset.done $0x0;
	p0 =	sne.s32 s24, $0x9E00  }
.Ltmp2:
0x3e: {  	s25 =	sadd.s32 $0x2800, s25;
	[sflag:s17] =	ssyncadd.s32 $0xFFFFF800;
	(pc) =	sbr.rel @p0 .LBB2_6-.Ltmp2, $3  }
0x3f: {  	[spmem:s1] =	stream.indirect.scatter.add.f32 [tilespmem:s16], [sflag:$0x1], $0x10, s25, s19, $0xb8;
	[tilespmem:$0x9000] =	vst v63  }
0x40: {  	s24 =	sadd.s32 $0x200, s24;
	_ =	sdelay $0x1  }
0x41: {  	_ =	swait.ge [sflag:s17], $0x800  }
0x42: {  	[sflag:s17] =	ssyncset.done $0x0  }
0x43: {  	s24 =	sshll.u32 s3, $0x6;
	[sflag:s17] =	ssyncadd.s32 $0xFFFFF800  }
0x44: {  	s25 =	sshrl.u32 s4, $0x3;
	s24 =	sor.u32 $0x1C01, s24;
	[bflag:$0x0] =	sbarrier.arrive $0xFFFF  }
0x45: {  	[hbm:s6], [sflag:s24] =	dma.local [spmem:s25], $0x800  }
0x46: {  	_ =	swait.ge [sflag:s17], $0x800  }
0x47: {  	[sflag:s17] =	ssyncset.done $0x0  }
0x48: {  	[sflag:s17] =	ssyncadd.s32 $0xFFFFF800  }
0x49: {  	[hbm:s12], [sflag:s24] =	dma.local [spmem:s20], $0x800  }
0x4a: {  	_ =	swait.ge [sflag:s17], $0x800  }
0x4b: {  	[sflag:s17] =	ssyncset.done $0x0  }
0x4c: {  	[sflag:s17] =	ssyncadd.s32 $0xFFFFF800  }
0x4d: {  	[hbm:s13], [sflag:s24] =	dma.local [spmem:s21], $0x800  }
0x4e: {  	_ =	swait.ge [sflag:s17], $0x800  }
0x4f: {  	[sflag:s17] =	ssyncset.done $0x0  }
0x50: {  	[sflag:s17] =	ssyncadd.s32 $0xFFFFF800  }
0x51: {  	[hbm:s14], [sflag:s24] =	dma.local [spmem:s22], $0x800  }
0x52: {  	s2 =	sadd.s32 $0x1, s2;
	_ =	swait.ge [sflag:s17], $0x800  }
0x53: {  	p0 =	sne.s32 s2, s7;
	[sflag:s17] =	ssyncset.done $0x0  }
.Ltmp3:
0x54: {  	[sflag:s17] =	ssyncadd.s32 $0xFFFFF800;
	(pc) =	sbr.rel @p0 .LBB2_1-.Ltmp3, $4  }
0x55: {  	[hbm:s15], [sflag:s24] =	dma.local [spmem:s23], $0x800  }
0x56: {  	_ =	swait.ge [sflag:s17], $0x800  }
0x57: {  	[sflag:s17] =	ssyncset.done $0x0  }
0x58: {  	[sflag:s17] =	ssyncadd.s32 $0xFFFFF800  }
0x59: {  	_ =	sfence.sel $0x180000  }
0x5a: {  	[bflag:$0x0] =	sbarrier.arrive $0xFFFF  }
0x5b: {  	p0 =	sne.s32 s3, $0x0;
	_ =	strace $0x90000047  }
0x5c: {  	s0 =	sadd.s32 @!p0 $0x100000, s0;
	[bflag:$0x2] =	sbarrier.arrive $0xFFFF  }
0x5d: {  	[sflag:s0] =	ssyncadd.tile.s32 @!p0 $0x1;
	_ =	shalt  }
.Lfunc_end2:
_tile_overlayer_lowered:
.L_overlay_start_2:
0x5e: {  	(tag) =	ssettag $0x2  }
0x5f: {  	s0 =	rddreg [dreg:$0x0];
	s2 =	stileid.u32  }
0x60: {  	s1 =	rddreg [dreg:$0x1];
	p0 =	sne.s32 s2, $0x0  }
0x61: {  	s3 =	rddreg [dreg:$0x2];
	[bflag:$0x3] =	sbarrier.arrive $0xFFFF;
	s2 =	simm.s32 @!p0 $0x1C01  }
0x62: {  	[timem:s3], [sflag:s2] =	dma.local @!p0 [hbm:s0], s1  }
0x63: {  	s0 =	simm.s32 @!p0 $0x1  }
0x64: {  	_ =	swait.ge @!p0 [sflag:s0], s1  }
0x65: {  	s1 =	ssub.s32 @!p0 $0x0, s1;
	[sflag:s0] =	ssyncset.done @!p0 $0x0  }
0x66: {  	[sflag:s0] =	ssyncadd.s32 @!p0 s1  }
0x67: {  	[bflag:$0x3] =	sbarrier.arrive $0xFFFF  }
0x68: {  	_ =	shalt  }

// kernel: kernel.13.cloned.1.call-start
scs
__scs_entry_jumppad:
0x0: {  	(pc) =	sbr.rel $0x88, $3  }
0x1: {  	(tag) =	ssettag $0x0;
	lr =	simm.s32 $0x1  }
0x2: {  	[smem:$0x3F97] =	sst lr;
	_ =	strace $0xD0000000  }
0x3: {  	_ = 	snop  }
0x4: {  	_ = 	snop  }
0x5: {  	_ = 	snop  }
0x6: {  	_ = 	snop  }
0x7: {  	_ = 	snop  }
__scs_overlays_trampoline_lowered:
0x8: {  	[smem:$0x3FA6] =	sst s0  }
0x9: {  	[smem:$0x3FA7] =	sst s1  }
0xa: {  	[smem:$0x3FA8] =	sst s2  }
0xb: {  	[smem:$0x3FA9] =	sst s3  }
0xc: {  	[smem:$0x3FAA] =	sst s4  }
0xd: {  	[smem:$0x3FAB] =	sst s5  }
0xe: {  	[smem:$0x3FAC] =	sst s6  }
0xf: {  	[smem:$0x3FAD] =	sst s7  }
0x10: {  	[smem:$0x3FAE] =	sst s8  }
0x11: {  	[smem:$0x3FAF] =	sst s9;
	s0 =	simm.s32 @!p0 $0x0  }
0x12: {  	s1 =	sld [smem:$0x3F95];
	s0 =	simm.s32 @p0 $0x1  }
0x13: {  	[smem:$0x3FB0] =	sst s0;
	s0 =	simm.s32 @!p1 $0x0  }
0x14: {  	s2 =	sld [smem:$0x3F94];
	s0 =	simm.s32 @p1 $0x1  }
0x15: {  	[smem:$0x3FB1] =	sst s0;
	s0 =	simm.s32 @!p2 $0x0  }
0x16: {  	s3 =	sld [smem:$0x3FDB];
	s0 =	simm.s32 @p2 $0x1  }
0x17: {  	s4 =	simm.s32 $0x1BF5;
	[smem:$0x3FB3] =	sst s0  }
0x18: {  	s0 =	sld [smem:$0x3F96];
	_ =	swait.ge [sflag:s4], $0x0  }
0x19: {  	s7 =	sld [smem:$0x3F97]  }
0x1a: {  	s8 =	sadd.s32 $0xFFFFE003, lr  }
0x1b: {  	s9 =	sadd.s32 $0xFFFFFEF7, lr;
	s5 =	simm.s32 $0xFFFFFFFF;
	p2 =	slt.u32 s8, $0xFFFFF086  }
0x1c: {  	p1 =	slt.u32 s9, $0xF7A;
	s5 =	simm.s32 @!p2 $0x0  }
0x1d: {  	s5 =	simm.s32 @p1 $0x1;
	p0 =	seq.s32 s7, s2  }
0x1e: {  	s7 =	smul.u32 @!p0 $0xF7A, s2;
	p2 =	seq.s32 @!p0 s5, $0x0  }
0x1f: {  	s9 =	smul.u32 $0xF7A, s1;
	s8 =	simm.s32 @!p0 $0x1BF5;
	p2 =	por !p2, p0  }
0x20: {  	[sflag:s8] =	ssyncset.s32 @!p0 $0xFFFFF086;
	s6 =	sadd.s32 @!p0 s3, s7;
	s7 =	simm.s32 @!p0 $0x108  }
0x21: {  	s3 =	sadd.s32 s3, s9;
	s6 =	sadd.s32 @!p0 $0x88, s6;
	s7 =	simm.s32 @p2 $0x1082  }
0x22: {  	[simem:s7], [sflag:s8] =	dma.local @!p0 [hbm:s6], $0xF7A  }
0x23: {  	s9 =	sor.u32 $0xD0000000, s2;
	s6 =	simm.s32 $0x108;
	_ =	swait.ge @!p0 [sflag:s8], $0x0  }
0x24: {  	s3 =	sadd.s32 $0x88, s3;
	s6 =	simm.s32 @!p1 $0x1082;
	[sflag:s4] =	ssyncset.s32 $0xFFFFF086  }
0x25: {  	[simem:s6], [sflag:s4] =	dma.local [hbm:s3], $0xF7A  }
0x26: {  	[smem:$0x3F97] =	sst s1;
	(tag) =	ssettag s2;
	_ =	strace s9  }
0x27: {  	s1 =	sld [smem:$0x3FA7]  }
0x28: {  	s2 =	sld [smem:$0x3FA8]  }
0x29: {  	s4 =	sld [smem:$0x3FAA]  }
0x2a: {  	p0 =	seq.s32 s5, $0x0;
	s5 =	sld [smem:$0x3FAB]  }
0x2b: {  	s6 =	sld [smem:$0x3FAC]  }
0x2c: {  	s7 =	sld [smem:$0x3FAD]  }
0x2d: {  	s3 =	simm.s32 $0x108;
	s8 =	sld [smem:$0x3FAE]  }
0x2e: {  	s3 =	simm.s32 @!p0 $0x1082;
	s9 =	sld [smem:$0x3FAF]  }
0x2f: {  	lr =	sadd.s32 s0, s3;
	s0 =	sld [smem:$0x3FA6]  }
0x30: {  	s3 =	sld [smem:$0x3FA9]  }
0x31: {  	[smem:$0x3FB2] =	sst s10  }
0x32: {  	s10 =	sld [smem:$0x3FB0];
	_ =	sdelay $0x3  }
0x33: {  	p0 =	seq.s32 s10, $0x1;
	s10 =	sld [smem:$0x3FB2];
	_ =	sdelay $0x3  }
0x34: {  	[smem:$0x3FB2] =	sst s10  }
0x35: {  	s10 =	sld [smem:$0x3FB1];
	_ =	sdelay $0x3  }
0x36: {  	p1 =	seq.s32 s10, $0x1;
	s10 =	sld [smem:$0x3FB2];
	_ =	sdelay $0x3  }
0x37: {  	[smem:$0x3FB2] =	sst s10  }
0x38: {  	s10 =	sld [smem:$0x3FB3]  }
0x39: {  	_ = 	snop;
	(pc) =	sbr.ind lr, $3  }
0x3a: {  	_ = 	snop  }
0x3b: {  	_ = 	snop  }
0x3c: {  	p2 =	seq.s32 s10, $0x1;
	s10 =	sld [smem:$0x3FB2]  }
0x3d: {  	_ =	shalt  }
0x3e: {  	_ =	shalt  }
0x3f: {  	_ =	shalt  }
0x40: {  	_ =	shalt  }
0x41: {  	_ =	shalt  }
0x42: {  	_ =	shalt  }
0x43: {  	_ =	shalt  }
0x44: {  	_ =	shalt  }
0x45: {  	_ =	shalt  }
0x46: {  	_ =	shalt  }
0x47: {  	_ =	shalt  }
0x48: {  	_ =	shalt  }
0x49: {  	_ =	shalt  }
0x4a: {  	_ =	shalt  }
0x4b: {  	_ =	shalt  }
0x4c: {  	_ =	shalt  }
0x4d: {  	_ =	shalt  }
0x4e: {  	_ =	shalt  }
0x4f: {  	_ =	shalt  }
0x50: {  	_ =	shalt  }
0x51: {  	_ =	shalt  }
0x52: {  	_ =	shalt  }
0x53: {  	_ =	shalt  }
0x54: {  	_ =	shalt  }
0x55: {  	_ =	shalt  }
0x56: {  	_ =	shalt  }
0x57: {  	_ =	shalt  }
0x58: {  	_ =	shalt  }
0x59: {  	_ =	shalt  }
0x5a: {  	_ =	shalt  }
0x5b: {  	_ =	shalt  }
0x5c: {  	_ =	shalt  }
0x5d: {  	_ =	shalt  }
0x5e: {  	_ =	shalt  }
0x5f: {  	_ =	shalt  }
0x60: {  	_ =	shalt  }
0x61: {  	_ =	shalt  }
0x62: {  	_ =	shalt  }
0x63: {  	_ =	shalt  }
0x64: {  	_ =	shalt  }
0x65: {  	_ =	shalt  }
0x66: {  	_ =	shalt  }
0x67: {  	_ =	shalt  }
0x68: {  	_ =	shalt  }
0x69: {  	_ =	shalt  }
0x6a: {  	_ =	shalt  }
0x6b: {  	_ =	shalt  }
0x6c: {  	_ =	shalt  }
0x6d: {  	_ =	shalt  }
0x6e: {  	_ =	shalt  }
0x6f: {  	_ =	shalt  }
0x70: {  	_ =	shalt  }
0x71: {  	_ =	shalt  }
0x72: {  	_ =	shalt  }
0x73: {  	_ =	shalt  }
0x74: {  	_ =	shalt  }
0x75: {  	_ =	shalt  }
0x76: {  	_ =	shalt  }
0x77: {  	_ =	shalt  }
0x78: {  	_ =	shalt  }
0x79: {  	_ =	shalt  }
0x7a: {  	_ =	shalt  }
0x7b: {  	_ =	shalt  }
0x7c: {  	_ =	shalt  }
0x7d: {  	_ =	shalt  }
0x7e: {  	_ =	shalt  }
0x7f: {  	_ =	shalt  }
0x80: {  	_ =	shalt  }
0x81: {  	_ =	shalt  }
0x82: {  	_ =	shalt  }
0x83: {  	_ =	shalt  }
0x84: {  	_ =	shalt  }
0x85: {  	_ =	shalt  }
0x86: {  	_ =	shalt  }
0x87: {  	_ =	shalt  }
.Lfunc_end0:
.L_simem_size_0:
called_computation.1_lowered:
.L_overlay_start_0:
0x88: {  	s2 =	sld [smem:$0x3FD9]  }
0x89: {  	s3 =	sld [smem:$0x3FFE];
	_ =	sdelay $0x1  }
0x8a: {  	s1 =	srdreg.scid  }
0x8b: {  	s0 =	sand.u32 $0x1, s1  }
0x8c: {  	s14 =	sshll.u32 s0, $0xA;
	s2 =	sadd.s32 s3, s2  }
0x8d: {  	s2 =	sadd.s32 s2, s14  }
0x8e: {  	[smem:$0x3FBE] =	sst s2  }
0x8f: {  	_ = 	snop  }
0x90: {  	s2 =	sld [smem:$0x3FD0];
	_ =	sdelay $0x2  }
0x91: {  	s15 =	simm.s32 $0xA;
	s4 =	simm.s32 $0x10  }
0x92: {  	[smem:s4], [sflag:s15] =	dma.local [hbm:s2], $0x1  }
0x93: {  	_ =	swait.eq [sflag:s15], $0x1  }
0x94: {  	[sflag:s15] =	ssyncset.done $0x0  }
0x95: {  	s16 =	sld [smem:$0x10];
	[sflag:s15] =	ssyncadd.s32 $0xFFFFFFFF  }
0x96: {  	s17 =	sld [smem:$0x11];
	(tm) =	ssettm $0x1  }
0x97: {  	s18 =	sld [smem:$0x3FFB];
	_ =	sdelay $0x3  }
0x98: {  	_ =	strace s18  }
0x99: {  	s4 =	sld [smem:$0x3FFC];
	_ =	sdelay $0x3  }
0x9a: {  	_ =	strace s4  }
0x9b: {  	s4 =	sld [smem:$0x3FFD];
	_ =	sdelay $0x3  }
0x9c: {  	_ =	strace s4  }
0x9d: {  	_ =	strace $0x8FFFFFFF  }
0x9e: {  	s19 =	sld [smem:$0x3FDB];
	_ =	sdelay $0x1  }
0x9f: {  	s5 =	simm.s32 $_scs_section_size  }
0xa0: {  	s6 =	simm.s32 $_size__tile_overlayer_lowered;
	s7 =	simm.s32 $_tile_overlayer_lowered  }
0xa1: {  	s22 =	simm.s32 $0x1BFF;
	s21 =	sshll.u32 s7, $0x1;
	s4 =	sadd.s32 s5, s19  }
0xa2: {  	s8 =	simm.s32 $0x0;
	s20 =	sshll.u32 s6, $0x1;
	s6 =	sadd.s32 s21, s4  }
0xa3: {  	[timem:s8], [sflag:s22] =	dma.local [hbm:s6], s20  }
0xa4: {  	_ =	swait.ge [sflag:s22], s20  }
0xa5: {  	s5 =	ssub.s32 $0x0, s20;
	[sflag:s22] =	ssyncset.done $0x0  }
0xa6: {  	[sflag:s22] =	ssyncadd.s32 s5;
	_ =	sdelay $0x1  }
0xa7: {  	s23 =	simm.s32 $0x1B8B  }
0xa8: {  	_ =	swait.ge [sflag:s23], $0x1  }
0xa9: {  	[sflag:s23] =	ssyncset.done $0x0  }
0xaa: {  	s25 =	simm.s32 $0x1B8E;
	s24 =	sld [smem:$0x3FFE];
	[sflag:s23] =	ssyncadd.s32 $0xFFFFFFFF  }
0xab: {  	s26 =	simm.s32 $execute0_lowered;
	[smem:$0x3FD2] =	sst s25  }
0xac: {  	s6 =	sshll.u32 s26, $0x1;
	_ =	strace $0x80000049;
	[dreg:$0x1] =	wrdreg $0xFFFFFFFF  }
0xad: {  	s28 =	simm.s32 $_size_execute0_lowered;
	s4 =	sadd.s32 s4, s6;
	[dreg:$0x0] =	wrdreg $0x0  }
0xae: {  	s6 =	sshll.u32 s28, $0x1;
	[dreg:$0x2] =	wrdreg s4  }
0xaf: {  	[dreg:$0x3] =	wrdreg s6  }
0xb0: {  	[dreg:$0x4] =	wrdreg $0xC0  }
0xb1: {  	_ =	task [dreg:s8], $0x5FFFF  }
0xb2: {  	[dreg:$0x1] =	wrdreg $0xFFFFFFFF  }
0xb3: {  	[dreg:$0x0] =	wrdreg $0x60  }
0xb4: {  	[dreg:$0x2] =	wrdreg s24  }
0xb5: {  	[dreg:$0x3] =	wrdreg s17  }
0xb6: {  	[dreg:$0x4] =	wrdreg s16  }
0xb7: {  	[dreg:$0x5] =	wrdreg $0x0  }
0xb8: {  	[dreg:$0x6] =	wrdreg $0x9  }
0xb9: {  	_ =	task.clear_ibuf [dreg:s8], $0x7FFFF;
	_ =	strace $0x90000049  }
0xba: {  	s29 =	simm.s32 $0x9;
	_ =	strace $0x8000004B  }
0xbb: {  	_ =	swait.ge [sflag:s29], $0x1  }
0xbc: {  	[sflag:s29] =	ssyncadd.s32 $0xFFFFFFFF  }
0xbd: {  	_ =	strace $0x9000004B  }
0xbe: {  	_ =	sfence  }
0xbf: {  	s30 =	sld [smem:$0x0];
	_ =	sdelay $0x2  }
0xc0: {  	s31 =	sshll.u32 s1, $0xD;
	s1 =	sshrl.u32 s1, $0x2  }
0xc1: {  	s3 =	sand.u32 $0x4000, s31;
	s1 =	sadd.s32 s1, s30  }
0xc2: {  	s0 =	sor.u32 s3, s0;
	s1 =	sshll.u32 s1, $0x11  }
0xc3: {  	s0 =	sor.u32 s1, s0  }
0xc4: {  	s0 =	sadd.s32 $0x8F2B, s0  }
0xc5: {  	[sflag:s0] =	ssyncadd.remote.s32 $0x1  }
0xc6: {  	_ =	sfence.sel $0xFFFF  }
0xc7: {  	[dreg:$0x0] =	wrdreg $0xFFFFFFFF;
	(pc) =	sbr.abs _section_cstart, $3  }
0xc8: {  	[dreg:$0x1] =	wrdreg $0xFFFFFFFF  }
0xc9: {  	_ =	task.clear_ibuf [dreg:s8], $0x2FFFF;
	_ =	strace $0x9FFFFFFF  }
0xca: {  	(tm) =	ssettm $0x7FFFFFFF  }
0xcb: {  	_ =	shalt  }
tec
execute0_lowered:
.L_overlay_start_1:
0x0: {  	(tag) =	ssettag $0x1  }
0x1: {  	s0 =	rddreg [dreg:$0x0]  }
0x2: {  	s1 =	rddreg [dreg:$0x1]  }
0x3: {  	s6 =	rddreg [dreg:$0x2]  }
0x4: {  	s2 =	rddreg [dreg:$0x3];
	s4 =	srdreg.scid  }
0x5: {  	s11 =	stileid.u32;
	s3 =	simm.s32 $0x0;
	s28 =	simm.s32 $0x15400  }
0x6: {  	s29 =	simm.s32 $0x80;
	s30 =	simm.s32 $0x14080;
	s31 =	simm.s32 $0x1A800  }
0x7: {  	s5 =	sand.u32 $0x1, s4;
	s7 =	smul.u32 $0x50000, s11;
	[smem:$0x7FF] =	sst s3  }
0x8: {  	s13 =	smul.u32 $0x14000, s11;
	s4 =	sadd.s32 $0x53C00, s0;
	s0 =	sadd.s32 $0x7BC00, s0  }
0x9: {  	s8 =	ssub.s32 $0x2, s5;
	s9 =	smul.u32 $0x140000, s5;
	_ =	strace $0x8000004A  }
0xa: {  	s5 =	sshll.u32 s5, $0x4;
	s10 =	sshrl.u32 s8, $0x1;
	s7 =	sshrl.u32 s7, $0x2  }
0xb: {  	s11 =	sor.u32 s11, s5;
	s18 =	sadd.s32 $0x4000, s13;
	s23 =	sadd.s32 $0x8000, s13  }
0xc: {  	s15 =	sadd.s32 $0xC000, s13;
	s8 =	ssub.s32 s8, s10;
	s16 =	sadd.s32 s9, s13  }
0xd: {  	s5 =	sadd.s32 s7, s2;
	s20 =	sadd.s32 s9, s18;
	s14 =	sadd.s32 s9, s23  }
0xe: {  	s17 =	sshrl.u32 s16, $0x3;
	s16 =	smul.u32 $0x2800, s11;
	s8 =	smax.u32 s8, $0x1  }
0xf: {  	s19 =	sadd.s32 $0x4000, s5;
	s21 =	sadd.s32 $0x8000, s5;
	[dreg:$0x6] =	wrdreg s8  }
0x10: {  	s22 =	sadd.s32 $0xC000, s5;
	s11 =	sadd.s32 $0x10000, s5;
	[dreg:$0x7] =	wrdreg s19  }
0x11: {  	s14 =	sshrl.u32 s14, $0x3;
	s7 =	sadd.s32 s0, s17;
	[dreg:$0x8] =	wrdreg s21  }
0x12: {  	[dreg:$0x9] =	wrdreg s22;
	s8 =	sshrl.u32 s20, $0x3;
	s17 =	sadd.s32 s9, s15  }
0x13: {  	s20 =	simm.s32 $0x16800;
	s21 =	simm.s32 $0x3;
	[dreg:$0x5] =	wrdreg s7  }
0x14: {  	s12 =	sadd.s32 s0, s8;
	s7 =	sadd.s32 s18, s2;
	s18 =	sadd.s32 $0x10000, s13  }
0x15: {  	s13 =	sadd.s32 s0, s14;
	s24 =	sshrl.u32 s17, $0x3;
	s8 =	sadd.s32 s23, s2  }
0x16: {  	s25 =	sshrl.u32 s16, $0x3;
	s9 =	sadd.s32 s9, s18;
	s14 =	sadd.s32 s0, s24  }
0x17: {  	s24 =	sadd.s32 s15, s2;
	s26 =	sadd.s32 s18, s2;
	s16 =	sadd.s32 s1, s25  }
0x18: {  	s19 =	sadd.s32 $0x280, s25;
	s17 =	sadd.s32 s6, s25;
	s22 =	sshrl.u32 s7, $0x3  }
0x19: {  	s23 =	sshrl.u32 s8, $0x3;
	s7 =	simm.s32 $0x16780;
	s9 =	sshrl.u32 s9, $0x3  }
0x1a: {  	s18 =	sadd.s32 s1, s19;
	s19 =	sadd.s32 s6, s19;
	s24 =	sshrl.u32 s24, $0x3  }
0x1b: {  	s25 =	sshrl.u32 s26, $0x3;
	s26 =	simm.s32 $0x14000;
	s1 =	simm.s32 $0x2  }
0x1c: {  	v0 =	vimm.f32 $0.0e+00;
	s6 =	simm.s32 $0x16700;
	s15 =	sadd.s32 s0, s9;
	s0 =	simm.s32 $0x1  }
.LBB2_1:
0x1d: {  	s8 =	simm.s32 $0x0;
	s9 =	simm.s32 $0x200  }
.LBB2_2:
0x1e: {  	p0 =	sne.s32 s9, $0xFE00;
	[tilespmem:s8+$0x16870] =	vst v0  }
0x1f: {  	[tilespmem:s8+$0x16800] =	vst v0  }
0x20: {  	[tilespmem:s8+$0x16810] =	vst v0  }
.Ltmp0:
0x21: {  	[tilespmem:s8+$0x16820] =	vst v0;
	(pc) =	sbr.rel @p0 .LBB2_2-.Ltmp0, $4  }
0x22: {  	[tilespmem:s8+$0x16830] =	vst v0  }
0x23: {  	[tilespmem:s8+$0x16840] =	vst v0  }
0x24: {  	[tilespmem:s8+$0x16850] =	vst v0  }
0x25: {  	[tilespmem:s8+$0x16860] =	vst v0;
	s8 =	sshra.s32 s9, $0x2;
	s9 =	sadd.s32 $0x200, s9  }
0x26: {  	[tilespmem:s8+$0x16870] =	vst v0  }
0x27: {  	[tilespmem:s8+$0x16800] =	vst v0  }
0x28: {  	[tilespmem:s8+$0x16810] =	vst v0  }
0x29: {  	[tilespmem:s8+$0x16820] =	vst v0  }
0x2a: {  	[tilespmem:s8+$0x16830] =	vst v0  }
0x2b: {  	[tilespmem:s8+$0x16840] =	vst v0  }
0x2c: {  	[tilespmem:s8+$0x16850] =	vst v0  }
0x2d: {  	[tilespmem:s8+$0x16860] =	vst v0  }
0x2e: {  	[spmem:s5] =	stream.linear.scatter [tilespmem:s20], [sflag:$0x3], $0x4000, $0x38;
	[tilespmem:$0x1E800] =	vst v63  }
0x2f: {  	_ =	swait.ge [sflag:s21], $0x4000  }
0x30: {  	[sflag:s21] =	ssyncset.done $0x0  }
0x31: {  	s10 =	rddreg [dreg:$0x7];
	[sflag:s21] =	ssyncadd.s32 $0xFFFFC000  }
0x32: {  	[spmem:s10] =	stream.linear.scatter [tilespmem:s20], [sflag:$0x3], $0x4000, $0x38;
	[tilespmem:$0x1E800] =	vst v63  }
0x33: {  	_ =	swait.ge [sflag:s21], $0x4000  }
0x34: {  	[sflag:s21] =	ssyncset.done $0x0  }
0x35: {  	s9 =	rddreg [dreg:$0x8];
	[sflag:s21] =	ssyncadd.s32 $0xFFFFC000  }
0x36: {  	[spmem:s9] =	stream.linear.scatter [tilespmem:s20], [sflag:$0x3], $0x4000, $0x38;
	[tilespmem:$0x1E800] =	vst v63  }
0x37: {  	_ =	swait.ge [sflag:s21], $0x4000  }
0x38: {  	[sflag:s21] =	ssyncset.done $0x0  }
0x39: {  	s10 =	rddreg [dreg:$0x9];
	[sflag:s21] =	ssyncadd.s32 $0xFFFFC000  }
0x3a: {  	[spmem:s10] =	stream.linear.scatter [tilespmem:s20], [sflag:$0x3], $0x4000, $0x38;
	[tilespmem:$0x1E800] =	vst v63  }
0x3b: {  	_ =	swait.ge [sflag:s21], $0x4000  }
0x3c: {  	[sflag:s21] =	ssyncset.done $0x0  }
0x3d: {  	[sflag:s21] =	ssyncadd.s32 $0xFFFFC000  }
0x3e: {  	[spmem:s11] =	stream.linear.scatter [tilespmem:s20], [sflag:$0x3], $0x4000, $0x38;
	[tilespmem:$0x1E800] =	vst v63  }
0x3f: {  	_ =	swait.ge [sflag:s21], $0x4000  }
0x40: {  	[sflag:s21] =	ssyncset.done $0x0  }
0x41: {  	[sflag:s21] =	ssyncadd.s32 $0xFFFFC000  }
0x42: {  	s9 =	simm.s32 $0x0;
	[bflag:$0x0] =	sbarrier.arrive $0xFFFF  }
0x43: {  	[tilespmem:s26], [sflag:$0x3] =	stream.linear.gather [hbm4b:s16+s9], $0x1400, $0x38;
	[tilespmem:$0x1E800] =	vst v63  }
0x44: {  	_ =	swait.ge [sflag:s21], $0x1400  }
0x45: {  	[sflag:s21] =	ssyncset.done $0x0  }
0x46: {  	[sflag:s21] =	ssyncadd.s32 $0xFFFFEC00  }
0x47: {  	[tilespmem:s28], [sflag:$0x3] =	stream.linear.gather [hbm4b:s17+s9], $0x1400, $0x38;
	[tilespmem:$0x1E800] =	vst v63  }
0x48: {  	_ =	swait.ge [sflag:s21], $0x1400  }
0x49: {  	[sflag:s21] =	ssyncset.done $0x0  }
0x4a: {  	[sflag:s21] =	ssyncadd.s32 $0xFFFFEC00  }
0x4b: {  	[tilespmem:s20], [sflag:$0x1] =	stream.indirect.gather [hbm4b:s4+s29], $0x80, s26, s29, $0xb8;
	[tilespmem:$0x1E800] =	vst v63  }
0x4c: {  	_ = 	snop  }
0x4d: {  	[tilespmem:s31], [sflag:$0x2] =	stream.indirect.gather [hbm4b:s4+s29], $0x80, s30, s29, $0xb8;
	[tilespmem:$0x1E800] =	vst v63  }
0x4e: {  	_ =	swait.ge [sflag:s0], $0x4000  }
0x4f: {  	[sflag:s0] =	ssyncset.done $0x0  }
0x50: {  	s10 =	simm.s32 $0x15400;
	[sflag:s0] =	ssyncadd.s32 $0xFFFFC000  }
0x51: {  	[spmem:s2] =	stream.indirect.scatter.add.f32 [tilespmem:s20], [sflag:$0x3], $0x80, s10, s29, $0xb8;
	[tilespmem:$0x1E800] =	vst v63  }
0x52: {  	_ =	swait.ge [sflag:s21], $0x4000  }
0x53: {  	[sflag:s21] =	ssyncset.done $0x0  }
0x54: {  	s9 =	simm.s32 $0x14100;
	[sflag:s21] =	ssyncadd.s32 $0xFFFFC000  }
0x55: {  	[tilespmem:s20], [sflag:$0x1] =	stream.indirect.gather [hbm4b:s4+s29], $0x80, s9, s29, $0xb8;
	[tilespmem:$0x1E800] =	vst v63  }
0x56: {  	_ =	swait.ge [sflag:s1], $0x4000  }
0x57: {  	[sflag:s1] =	ssyncset.done $0x0  }
0x58: {  	s10 =	simm.s32 $0x15480;
	[sflag:s1] =	ssyncadd.s32 $0xFFFFC000  }
0x59: {  	[spmem:s2] =	stream.indirect.scatter.add.f32 [tilespmem:s31], [sflag:$0x3], $0x80, s10, s29, $0xb8;
	[tilespmem:$0x1E800] =	vst v63  }
0x5a: {  	_ =	swait.ge [sflag:s21], $0x4000  }
0x5b: {  	[sflag:s21] =	ssyncset.done $0x0  }
0x5c: {  	s8 =	simm.s32 $0x400;
	s9 =	simm.s32 $0x14180;
	[sflag:s21] =	ssyncadd.s32 $0xFFFFC000  }
.LBB2_4:
0x5d: {  	[tilespmem:s31], [sflag:$0x2] =	stream.indirect.gather [hbm4b:s4+s29], $0x80, s9, s29, $0xb8;
	[tilespmem:$0x1E800] =	vst v63  }
0x5e: {  	s9 =	smov.u32 s8  }
0x5f: {  	p0 =	sne.s32 s8, $0x4800;
	s8 =	sadd.s32 $0x400, s8;
	_ =	swait.ge [sflag:s0], $0x4000  }
0x60: {  	s9 =	sshra.s32 s9, $0x2;
	[sflag:s0] =	ssyncset.done $0x0  }
0x61: {  	s10 =	sadd.s32 $0x15400, s9;
	[sflag:s0] =	ssyncadd.s32 $0xFFFFC000  }
0x62: {  	[spmem:s2] =	stream.indirect.scatter.add.f32 [tilespmem:s20], [sflag:$0x3], $0x80, s10, s29, $0xb8;
	[tilespmem:$0x1E800] =	vst v63  }
0x63: {  	_ =	swait.ge [sflag:s21], $0x4000  }
0x64: {  	[sflag:s21] =	ssyncset.done $0x0  }
0x65: {  	s10 =	sadd.s32 $0x14100, s9;
	[sflag:s21] =	ssyncadd.s32 $0xFFFFC000  }
0x66: {  	[tilespmem:s20], [sflag:$0x1] =	stream.indirect.gather [hbm4b:s4+s29], $0x80, s10, s29, $0xb8;
	[tilespmem:$0x1E800] =	vst v63  }
0x67: {  	_ =	swait.ge [sflag:s1], $0x4000  }
0x68: {  	[sflag:s1] =	ssyncset.done $0x0  }
.Ltmp1:
0x69: {  	s10 =	sadd.s32 $0x15480, s9;
	[sflag:s1] =	ssyncadd.s32 $0xFFFFC000;
	(pc) =	sbr.rel @p0 .LBB2_4-.Ltmp1, $4  }
0x6a: {  	[spmem:s2] =	stream.indirect.scatter.add.f32 [tilespmem:s31], [sflag:$0x3], $0x80, s10, s29, $0xb8;
	[tilespmem:$0x1E800] =	vst v63  }
0x6b: {  	_ =	swait.ge [sflag:s21], $0x4000  }
0x6c: {  	[sflag:s21] =	ssyncset.done $0x0  }
0x6d: {  	s9 =	sadd.s32 $0x14180, s9;
	[sflag:s21] =	ssyncadd.s32 $0xFFFFC000  }
0x6e: {  	[tilespmem:s31], [sflag:$0x2] =	stream.indirect.gather [hbm4b:s4+s29], $0x80, s9, s29, $0xb8;
	[tilespmem:$0x1E800] =	vst v63  }
0x6f: {  	_ =	swait.ge [sflag:s0], $0x4000  }
0x70: {  	[sflag:s0] =	ssyncset.done $0x0  }
0x71: {  	[sflag:s0] =	ssyncadd.s32 $0xFFFFC000  }
0x72: {  	[spmem:s2] =	stream.indirect.scatter.add.f32 [tilespmem:s20], [sflag:$0x3], $0x80, s6, s29, $0xb8;
	[tilespmem:$0x1E800] =	vst v63  }
0x73: {  	_ =	swait.ge [sflag:s21], $0x4000  }
0x74: {  	[sflag:s21] =	ssyncset.done $0x0  }
0x75: {  	[sflag:s21] =	ssyncadd.s32 $0xFFFFC000  }
0x76: {  	_ =	swait.ge [sflag:s1], $0x4000  }
0x77: {  	[sflag:s1] =	ssyncset.done $0x0  }
0x78: {  	[sflag:s1] =	ssyncadd.s32 $0xFFFFC000  }
0x79: {  	[spmem:s2] =	stream.indirect.scatter.add.f32 [tilespmem:s31], [sflag:$0x3], $0x80, s7, s29, $0xb8;
	[tilespmem:$0x1E800] =	vst v63  }
0x7a: {  	_ =	swait.ge [sflag:s21], $0x4000  }
0x7b: {  	[sflag:s21] =	ssyncset.done $0x0  }
0x7c: {  	s8 =	simm.s32 $0x0;
	[sflag:s21] =	ssyncadd.s32 $0xFFFFC000  }
0x7d: {  	[tilespmem:s26], [sflag:$0x3] =	stream.linear.gather [hbm4b:s18+s8], $0x1400, $0x38;
	[tilespmem:$0x1E800] =	vst v63  }
0x7e: {  	_ =	swait.ge [sflag:s21], $0x1400  }
0x7f: {  	[sflag:s21] =	ssyncset.done $0x0  }
0x80: {  	[sflag:s21] =	ssyncadd.s32 $0xFFFFEC00  }
0x81: {  	[tilespmem:s28], [sflag:$0x3] =	stream.linear.gather [hbm4b:s19+s8], $0x1400, $0x38;
	[tilespmem:$0x1E800] =	vst v63  }
0x82: {  	_ =	swait.ge [sflag:s21], $0x1400  }
0x83: {  	[sflag:s21] =	ssyncset.done $0x0  }
0x84: {  	[sflag:s21] =	ssyncadd.s32 $0xFFFFEC00  }
0x85: {  	[tilespmem:s20], [sflag:$0x1] =	stream.indirect.gather [hbm4b:s4+s29], $0x80, s26, s29, $0xb8;
	[tilespmem:$0x1E800] =	vst v63  }
0x86: {  	_ = 	snop  }
0x87: {  	[tilespmem:s31], [sflag:$0x2] =	stream.indirect.gather [hbm4b:s4+s29], $0x80, s30, s29, $0xb8;
	[tilespmem:$0x1E800] =	vst v63  }
0x88: {  	_ =	swait.ge [sflag:s0], $0x4000  }
0x89: {  	[sflag:s0] =	ssyncset.done $0x0  }
0x8a: {  	s10 =	simm.s32 $0x15400;
	[sflag:s0] =	ssyncadd.s32 $0xFFFFC000  }
0x8b: {  	[spmem:s2] =	stream.indirect.scatter.add.f32 [tilespmem:s20], [sflag:$0x3], $0x80, s10, s29, $0xb8;
	[tilespmem:$0x1E800] =	vst v63  }
0x8c: {  	_ =	swait.ge [sflag:s21], $0x4000  }
0x8d: {  	[sflag:s21] =	ssyncset.done $0x0  }
0x8e: {  	s9 =	simm.s32 $0x14100;
	[sflag:s21] =	ssyncadd.s32 $0xFFFFC000  }
0x8f: {  	[tilespmem:s20], [sflag:$0x1] =	stream.indirect.gather [hbm4b:s4+s29], $0x80, s9, s29, $0xb8;
	[tilespmem:$0x1E800] =	vst v63  }
0x90: {  	_ =	swait.ge [sflag:s1], $0x4000  }
0x91: {  	[sflag:s1] =	ssyncset.done $0x0  }
0x92: {  	s10 =	simm.s32 $0x15480;
	[sflag:s1] =	ssyncadd.s32 $0xFFFFC000  }
0x93: {  	[spmem:s2] =	stream.indirect.scatter.add.f32 [tilespmem:s31], [sflag:$0x3], $0x80, s10, s29, $0xb8;
	[tilespmem:$0x1E800] =	vst v63  }
0x94: {  	_ =	swait.ge [sflag:s21], $0x4000  }
0x95: {  	[sflag:s21] =	ssyncset.done $0x0  }
0x96: {  	s8 =	simm.s32 $0x400;
	s9 =	simm.s32 $0x14180;
	[sflag:s21] =	ssyncadd.s32 $0xFFFFC000  }
.LBB2_6:
0x97: {  	[tilespmem:s31], [sflag:$0x2] =	stream.indirect.gather [hbm4b:s4+s29], $0x80, s9, s29, $0xb8;
	[tilespmem:$0x1E800] =	vst v63  }
0x98: {  	s9 =	smov.u32 s8  }
0x99: {  	p0 =	sne.s32 s8, $0x4800;
	s8 =	sadd.s32 $0x400, s8;
	_ =	swait.ge [sflag:s0], $0x4000  }
0x9a: {  	s9 =	sshra.s32 s9, $0x2;
	[sflag:s0] =	ssyncset.done $0x0  }
0x9b: {  	s10 =	sadd.s32 $0x15400, s9;
	[sflag:s0] =	ssyncadd.s32 $0xFFFFC000  }
0x9c: {  	[spmem:s2] =	stream.indirect.scatter.add.f32 [tilespmem:s20], [sflag:$0x3], $0x80, s10, s29, $0xb8;
	[tilespmem:$0x1E800] =	vst v63  }
0x9d: {  	_ =	swait.ge [sflag:s21], $0x4000  }
0x9e: {  	[sflag:s21] =	ssyncset.done $0x0  }
0x9f: {  	s10 =	sadd.s32 $0x14100, s9;
	[sflag:s21] =	ssyncadd.s32 $0xFFFFC000  }
0xa0: {  	[tilespmem:s20], [sflag:$0x1] =	stream.indirect.gather [hbm4b:s4+s29], $0x80, s10, s29, $0xb8;
	[tilespmem:$0x1E800] =	vst v63  }
0xa1: {  	_ =	swait.ge [sflag:s1], $0x4000  }
0xa2: {  	[sflag:s1] =	ssyncset.done $0x0  }
.Ltmp2:
0xa3: {  	s10 =	sadd.s32 $0x15480, s9;
	[sflag:s1] =	ssyncadd.s32 $0xFFFFC000;
	(pc) =	sbr.rel @p0 .LBB2_6-.Ltmp2, $4  }
0xa4: {  	[spmem:s2] =	stream.indirect.scatter.add.f32 [tilespmem:s31], [sflag:$0x3], $0x80, s10, s29, $0xb8;
	[tilespmem:$0x1E800] =	vst v63  }
0xa5: {  	_ =	swait.ge [sflag:s21], $0x4000  }
0xa6: {  	[sflag:s21] =	ssyncset.done $0x0  }
0xa7: {  	s9 =	sadd.s32 $0x14180, s9;
	[sflag:s21] =	ssyncadd.s32 $0xFFFFC000  }
0xa8: {  	[tilespmem:s31], [sflag:$0x2] =	stream.indirect.gather [hbm4b:s4+s29], $0x80, s9, s29, $0xb8;
	[tilespmem:$0x1E800] =	vst v63  }
0xa9: {  	_ =	swait.ge [sflag:s0], $0x4000  }
0xaa: {  	[sflag:s0] =	ssyncset.done $0x0  }
0xab: {  	[sflag:s0] =	ssyncadd.s32 $0xFFFFC000  }
0xac: {  	[spmem:s2] =	stream.indirect.scatter.add.f32 [tilespmem:s20], [sflag:$0x3], $0x80, s6, s29, $0xb8;
	[tilespmem:$0x1E800] =	vst v63  }
0xad: {  	_ =	swait.ge [sflag:s21], $0x4000  }
0xae: {  	[sflag:s21] =	ssyncset.done $0x0  }
0xaf: {  	[sflag:s21] =	ssyncadd.s32 $0xFFFFC000  }
0xb0: {  	_ =	swait.ge [sflag:s1], $0x4000  }
0xb1: {  	[sflag:s1] =	ssyncset.done $0x0  }
0xb2: {  	[sflag:s1] =	ssyncadd.s32 $0xFFFFC000  }
0xb3: {  	[spmem:s2] =	stream.indirect.scatter.add.f32 [tilespmem:s31], [sflag:$0x3], $0x80, s7, s29, $0xb8;
	[tilespmem:$0x1E800] =	vst v63  }
0xb4: {  	_ =	swait.ge [sflag:s21], $0x4000  }
0xb5: {  	[sflag:s21] =	ssyncset.done $0x0  }
0xb6: {  	s8 =	stileid.u32;
	[sflag:s21] =	ssyncadd.s32 $0xFFFFC000  }
0xb7: {  	s8 =	sshll.u32 s8, $0x6;
	[bflag:$0x0] =	sbarrier.arrive $0xFFFF  }
0xb8: {  	s9 =	sshrl.u32 s5, $0x3;
	s8 =	sor.u32 $0x1C03, s8;
	s10 =	rddreg [dreg:$0x5]  }
0xb9: {  	[hbm:s10], [sflag:s8] =	dma.local [spmem:s9], $0x800  }
0xba: {  	_ =	swait.ge [sflag:s21], $0x800  }
0xbb: {  	[sflag:s21] =	ssyncset.done $0x0  }
0xbc: {  	[sflag:s21] =	ssyncadd.s32 $0xFFFFF800  }
0xbd: {  	[hbm:s12], [sflag:s8] =	dma.local [spmem:s22], $0x800  }
0xbe: {  	_ =	swait.ge [sflag:s21], $0x800  }
0xbf: {  	[sflag:s21] =	ssyncset.done $0x0  }
0xc0: {  	[sflag:s21] =	ssyncadd.s32 $0xFFFFF800  }
0xc1: {  	[hbm:s13], [sflag:s8] =	dma.local [spmem:s23], $0x800  }
0xc2: {  	_ =	swait.ge [sflag:s21], $0x800  }
0xc3: {  	[sflag:s21] =	ssyncset.done $0x0  }
0xc4: {  	[sflag:s21] =	ssyncadd.s32 $0xFFFFF800  }
0xc5: {  	[hbm:s14], [sflag:s8] =	dma.local [spmem:s24], $0x800  }
0xc6: {  	_ =	swait.ge [sflag:s21], $0x800  }
0xc7: {  	[sflag:s21] =	ssyncset.done $0x0  }
0xc8: {  	[sflag:s21] =	ssyncadd.s32 $0xFFFFF800  }
0xc9: {  	[hbm:s15], [sflag:s8] =	dma.local [spmem:s25], $0x800  }
0xca: {  	_ =	swait.ge [sflag:s21], $0x800  }
0xcb: {  	s3 =	sadd.s32 $0x1, s3;
	s10 =	rddreg [dreg:$0x6]  }
0xcc: {  	p0 =	sne.s32 s3, s10  }
.Ltmp3:
0xcd: {  	_ = 	snop;
	(pc) =	sbr.rel @p0 .LBB2_1-.Ltmp3, $3  }
0xce: {  	_ =	sdelay $0x1  }
0xcf: {  	[sflag:s21] =	ssyncset.done $0x0  }
0xd0: {  	[sflag:s21] =	ssyncadd.s32 $0xFFFFF800  }
0xd1: {  	_ =	sfence.sel $0x180000  }
0xd2: {  	[bflag:$0x0] =	sbarrier.arrive $0xFFFF  }
0xd3: {  	_ =	strace $0x9000004A  }
0xd4: {  	s0 =	stileid.u32;
	[bflag:$0x2] =	sbarrier.arrive $0xFFFF  }
0xd5: {  	p0 =	sne.s32 s0, $0x0;
	s0 =	rddreg [dreg:$0x4]  }
0xd6: {  	s0 =	sadd.s32 @!p0 $0x100000, s0  }
0xd7: {  	[sflag:s0] =	ssyncadd.tile.s32 @!p0 $0x1;
	_ =	shalt  }
.Lfunc_end2:
_tile_overlayer_lowered:
.L_overlay_start_2:
0xd8: {  	(tag) =	ssettag $0x2  }
0xd9: {  	s0 =	rddreg [dreg:$0x0];
	s2 =	stileid.u32  }
0xda: {  	s1 =	rddreg [dreg:$0x1];
	p0 =	sne.s32 s2, $0x0  }
0xdb: {  	s3 =	rddreg [dreg:$0x2];
	[bflag:$0x3] =	sbarrier.arrive $0xFFFF;
	s2 =	simm.s32 @!p0 $0x1C03  }
0xdc: {  	[timem:s3], [sflag:s2] =	dma.local @!p0 [hbm:s0], s1  }
0xdd: {  	s0 =	simm.s32 @!p0 $0x3  }
0xde: {  	_ =	swait.ge @!p0 [sflag:s0], s1  }
0xdf: {  	s1 =	ssub.s32 @!p0 $0x0, s1;
	[sflag:s0] =	ssyncset.done @!p0 $0x0  }
0xe0: {  	[sflag:s0] =	ssyncadd.s32 @!p0 s1  }
0xe1: {  	[bflag:$0x3] =	sbarrier.arrive $0xFFFF  }
0xe2: {  	_ =	shalt  }

// kernel: kernel.16.cloned.1.call-start
scs
__scs_entry_jumppad:
0x0: {  	(pc) =	sbr.rel $0x88, $3  }
0x1: {  	(tag) =	ssettag $0x0;
	lr =	simm.s32 $0x1  }
0x2: {  	[smem:$0x3F97] =	sst lr;
	_ =	strace $0xD0000000  }
0x3: {  	_ = 	snop  }
0x4: {  	_ = 	snop  }
0x5: {  	_ = 	snop  }
0x6: {  	_ = 	snop  }
0x7: {  	_ = 	snop  }
__scs_overlays_trampoline_lowered:
0x8: {  	[smem:$0x3FA6] =	sst s0  }
0x9: {  	[smem:$0x3FA7] =	sst s1  }
0xa: {  	[smem:$0x3FA8] =	sst s2  }
0xb: {  	[smem:$0x3FA9] =	sst s3  }
0xc: {  	[smem:$0x3FAA] =	sst s4  }
0xd: {  	[smem:$0x3FAB] =	sst s5  }
0xe: {  	[smem:$0x3FAC] =	sst s6  }
0xf: {  	[smem:$0x3FAD] =	sst s7  }
0x10: {  	[smem:$0x3FAE] =	sst s8  }
0x11: {  	[smem:$0x3FAF] =	sst s9;
	s0 =	simm.s32 @!p0 $0x0  }
0x12: {  	s1 =	sld [smem:$0x3F95];
	s0 =	simm.s32 @p0 $0x1  }
0x13: {  	[smem:$0x3FB0] =	sst s0;
	s0 =	simm.s32 @!p1 $0x0  }
0x14: {  	s2 =	sld [smem:$0x3F94];
	s0 =	simm.s32 @p1 $0x1  }
0x15: {  	[smem:$0x3FB1] =	sst s0;
	s0 =	simm.s32 @!p2 $0x0  }
0x16: {  	s3 =	sld [smem:$0x3FDB];
	s0 =	simm.s32 @p2 $0x1  }
0x17: {  	s4 =	simm.s32 $0x1BF5;
	[smem:$0x3FB3] =	sst s0  }
0x18: {  	s0 =	sld [smem:$0x3F96];
	_ =	swait.ge [sflag:s4], $0x0  }
0x19: {  	s7 =	sld [smem:$0x3F97]  }
0x1a: {  	s8 =	sadd.s32 $0xFFFFE003, lr  }
0x1b: {  	s9 =	sadd.s32 $0xFFFFFEF7, lr;
	s5 =	simm.s32 $0xFFFFFFFF;
	p2 =	slt.u32 s8, $0xFFFFF086  }
0x1c: {  	p1 =	slt.u32 s9, $0xF7A;
	s5 =	simm.s32 @!p2 $0x0  }
0x1d: {  	s5 =	simm.s32 @p1 $0x1;
	p0 =	seq.s32 s7, s2  }
0x1e: {  	s7 =	smul.u32 @!p0 $0xF7A, s2;
	p2 =	seq.s32 @!p0 s5, $0x0  }
0x1f: {  	s9 =	smul.u32 $0xF7A, s1;
	s8 =	simm.s32 @!p0 $0x1BF5;
	p2 =	por !p2, p0  }
0x20: {  	[sflag:s8] =	ssyncset.s32 @!p0 $0xFFFFF086;
	s6 =	sadd.s32 @!p0 s3, s7;
	s7 =	simm.s32 @!p0 $0x108  }
0x21: {  	s3 =	sadd.s32 s3, s9;
	s6 =	sadd.s32 @!p0 $0x88, s6;
	s7 =	simm.s32 @p2 $0x1082  }
0x22: {  	[simem:s7], [sflag:s8] =	dma.local @!p0 [hbm:s6], $0xF7A  }
0x23: {  	s9 =	sor.u32 $0xD0000000, s2;
	s6 =	simm.s32 $0x108;
	_ =	swait.ge @!p0 [sflag:s8], $0x0  }
0x24: {  	s3 =	sadd.s32 $0x88, s3;
	s6 =	simm.s32 @!p1 $0x1082;
	[sflag:s4] =	ssyncset.s32 $0xFFFFF086  }
0x25: {  	[simem:s6], [sflag:s4] =	dma.local [hbm:s3], $0xF7A  }
0x26: {  	[smem:$0x3F97] =	sst s1;
	(tag) =	ssettag s2;
	_ =	strace s9  }
0x27: {  	s1 =	sld [smem:$0x3FA7]  }
0x28: {  	s2 =	sld [smem:$0x3FA8]  }
0x29: {  	s4 =	sld [smem:$0x3FAA]  }
0x2a: {  	p0 =	seq.s32 s5, $0x0;
	s5 =	sld [smem:$0x3FAB]  }
0x2b: {  	s6 =	sld [smem:$0x3FAC]  }
0x2c: {  	s7 =	sld [smem:$0x3FAD]  }
0x2d: {  	s3 =	simm.s32 $0x108;
	s8 =	sld [smem:$0x3FAE]  }
0x2e: {  	s3 =	simm.s32 @!p0 $0x1082;
	s9 =	sld [smem:$0x3FAF]  }
0x2f: {  	lr =	sadd.s32 s0, s3;
	s0 =	sld [smem:$0x3FA6]  }
0x30: {  	s3 =	sld [smem:$0x3FA9]  }
0x31: {  	[smem:$0x3FB2] =	sst s10  }
0x32: {  	s10 =	sld [smem:$0x3FB0];
	_ =	sdelay $0x3  }
0x33: {  	p0 =	seq.s32 s10, $0x1;
	s10 =	sld [smem:$0x3FB2];
	_ =	sdelay $0x3  }
0x34: {  	[smem:$0x3FB2] =	sst s10  }
0x35: {  	s10 =	sld [smem:$0x3FB1];
	_ =	sdelay $0x3  }
0x36: {  	p1 =	seq.s32 s10, $0x1;
	s10 =	sld [smem:$0x3FB2];
	_ =	sdelay $0x3  }
0x37: {  	[smem:$0x3FB2] =	sst s10  }
0x38: {  	s10 =	sld [smem:$0x3FB3]  }
0x39: {  	_ = 	snop;
	(pc) =	sbr.ind lr, $3  }
0x3a: {  	_ = 	snop  }
0x3b: {  	_ = 	snop  }
0x3c: {  	p2 =	seq.s32 s10, $0x1;
	s10 =	sld [smem:$0x3FB2]  }
0x3d: {  	_ =	shalt  }
0x3e: {  	_ =	shalt  }
0x3f: {  	_ =	shalt  }
0x40: {  	_ =	shalt  }
0x41: {  	_ =	shalt  }
0x42: {  	_ =	shalt  }
0x43: {  	_ =	shalt  }
0x44: {  	_ =	shalt  }
0x45: {  	_ =	shalt  }
0x46: {  	_ =	shalt  }
0x47: {  	_ =	shalt  }
0x48: {  	_ =	shalt  }
0x49: {  	_ =	shalt  }
0x4a: {  	_ =	shalt  }
0x4b: {  	_ =	shalt  }
0x4c: {  	_ =	shalt  }
0x4d: {  	_ =	shalt  }
0x4e: {  	_ =	shalt  }
0x4f: {  	_ =	shalt  }
0x50: {  	_ =	shalt  }
0x51: {  	_ =	shalt  }
0x52: {  	_ =	shalt  }
0x53: {  	_ =	shalt  }
0x54: {  	_ =	shalt  }
0x55: {  	_ =	shalt  }
0x56: {  	_ =	shalt  }
0x57: {  	_ =	shalt  }
0x58: {  	_ =	shalt  }
0x59: {  	_ =	shalt  }
0x5a: {  	_ =	shalt  }
0x5b: {  	_ =	shalt  }
0x5c: {  	_ =	shalt  }
0x5d: {  	_ =	shalt  }
0x5e: {  	_ =	shalt  }
0x5f: {  	_ =	shalt  }
0x60: {  	_ =	shalt  }
0x61: {  	_ =	shalt  }
0x62: {  	_ =	shalt  }
0x63: {  	_ =	shalt  }
0x64: {  	_ =	shalt  }
0x65: {  	_ =	shalt  }
0x66: {  	_ =	shalt  }
0x67: {  	_ =	shalt  }
0x68: {  	_ =	shalt  }
0x69: {  	_ =	shalt  }
0x6a: {  	_ =	shalt  }
0x6b: {  	_ =	shalt  }
0x6c: {  	_ =	shalt  }
0x6d: {  	_ =	shalt  }
0x6e: {  	_ =	shalt  }
0x6f: {  	_ =	shalt  }
0x70: {  	_ =	shalt  }
0x71: {  	_ =	shalt  }
0x72: {  	_ =	shalt  }
0x73: {  	_ =	shalt  }
0x74: {  	_ =	shalt  }
0x75: {  	_ =	shalt  }
0x76: {  	_ =	shalt  }
0x77: {  	_ =	shalt  }
0x78: {  	_ =	shalt  }
0x79: {  	_ =	shalt  }
0x7a: {  	_ =	shalt  }
0x7b: {  	_ =	shalt  }
0x7c: {  	_ =	shalt  }
0x7d: {  	_ =	shalt  }
0x7e: {  	_ =	shalt  }
0x7f: {  	_ =	shalt  }
0x80: {  	_ =	shalt  }
0x81: {  	_ =	shalt  }
0x82: {  	_ =	shalt  }
0x83: {  	_ =	shalt  }
0x84: {  	_ =	shalt  }
0x85: {  	_ =	shalt  }
0x86: {  	_ =	shalt  }
0x87: {  	_ =	shalt  }
.Lfunc_end0:
.L_simem_size_0:
called_computation.2_lowered:
.L_overlay_start_0:
0x88: {  	s2 =	sld [smem:$0x3FD9]  }
0x89: {  	s3 =	sld [smem:$0x3FFE];
	_ =	sdelay $0x1  }
0x8a: {  	s1 =	srdreg.scid  }
0x8b: {  	s0 =	sand.u32 $0x1, s1  }
0x8c: {  	s14 =	sshll.u32 s0, $0xA;
	s2 =	sadd.s32 s3, s2  }
0x8d: {  	s2 =	sadd.s32 s2, s14  }
0x8e: {  	[smem:$0x3FBE] =	sst s2  }
0x8f: {  	_ = 	snop  }
0x90: {  	s2 =	sld [smem:$0x3FD0];
	_ =	sdelay $0x2  }
0x91: {  	s15 =	simm.s32 $0xA;
	s4 =	simm.s32 $0x10  }
0x92: {  	[smem:s4], [sflag:s15] =	dma.local [hbm:s2], $0x1  }
0x93: {  	_ =	swait.eq [sflag:s15], $0x1  }
0x94: {  	[sflag:s15] =	ssyncset.done $0x0  }
0x95: {  	s16 =	sld [smem:$0x10];
	[sflag:s15] =	ssyncadd.s32 $0xFFFFFFFF  }
0x96: {  	s17 =	sld [smem:$0x11];
	(tm) =	ssettm $0x1  }
0x97: {  	s18 =	sld [smem:$0x3FFB];
	_ =	sdelay $0x3  }
0x98: {  	_ =	strace s18  }
0x99: {  	s4 =	sld [smem:$0x3FFC];
	_ =	sdelay $0x3  }
0x9a: {  	_ =	strace s4  }
0x9b: {  	s4 =	sld [smem:$0x3FFD];
	_ =	sdelay $0x3  }
0x9c: {  	_ =	strace s4  }
0x9d: {  	_ =	strace $0x8FFFFFFF  }
0x9e: {  	s19 =	sld [smem:$0x3FDB];
	_ =	sdelay $0x1  }
0x9f: {  	s5 =	simm.s32 $_scs_section_size  }
0xa0: {  	s6 =	simm.s32 $_size__tile_overlayer_lowered;
	s7 =	simm.s32 $_tile_overlayer_lowered  }
0xa1: {  	s22 =	simm.s32 $0x1BFF;
	s21 =	sshll.u32 s7, $0x1;
	s4 =	sadd.s32 s5, s19  }
0xa2: {  	s8 =	simm.s32 $0x0;
	s20 =	sshll.u32 s6, $0x1;
	s6 =	sadd.s32 s21, s4  }
0xa3: {  	[timem:s8], [sflag:s22] =	dma.local [hbm:s6], s20  }
0xa4: {  	_ =	swait.ge [sflag:s22], s20  }
0xa5: {  	s5 =	ssub.s32 $0x0, s20;
	[sflag:s22] =	ssyncset.done $0x0  }
0xa6: {  	[sflag:s22] =	ssyncadd.s32 s5;
	_ =	sdelay $0x1  }
0xa7: {  	s23 =	simm.s32 $0x1B8B  }
0xa8: {  	_ =	swait.ge [sflag:s23], $0x1  }
0xa9: {  	[sflag:s23] =	ssyncset.done $0x0  }
0xaa: {  	s25 =	simm.s32 $0x1B8E;
	s24 =	sld [smem:$0x3FFE];
	[sflag:s23] =	ssyncadd.s32 $0xFFFFFFFF  }
0xab: {  	s26 =	simm.s32 $execute0_lowered;
	[smem:$0x3FD2] =	sst s25  }
0xac: {  	s6 =	sshll.u32 s26, $0x1;
	_ =	strace $0x8000004C;
	[dreg:$0x1] =	wrdreg $0xFFFFFFFF  }
0xad: {  	s28 =	simm.s32 $_size_execute0_lowered;
	s4 =	sadd.s32 s4, s6;
	[dreg:$0x0] =	wrdreg $0x0  }
0xae: {  	s6 =	sshll.u32 s28, $0x1;
	[dreg:$0x2] =	wrdreg s4  }
0xaf: {  	[dreg:$0x3] =	wrdreg s6  }
0xb0: {  	[dreg:$0x4] =	wrdreg $0xC0  }
0xb1: {  	_ =	task [dreg:s8], $0x5FFFF  }
0xb2: {  	[dreg:$0x1] =	wrdreg $0xFFFFFFFF  }
0xb3: {  	[dreg:$0x0] =	wrdreg $0x60  }
0xb4: {  	[dreg:$0x2] =	wrdreg s24  }
0xb5: {  	[dreg:$0x3] =	wrdreg s17  }
0xb6: {  	[dreg:$0x4] =	wrdreg s16  }
0xb7: {  	[dreg:$0x5] =	wrdreg $0x0  }
0xb8: {  	[dreg:$0x6] =	wrdreg $0x9  }
0xb9: {  	_ =	task.clear_ibuf [dreg:s8], $0x7FFFF;
	_ =	strace $0x9000004C  }
0xba: {  	s29 =	simm.s32 $0x9;
	_ =	strace $0x8000004E  }
0xbb: {  	_ =	swait.ge [sflag:s29], $0x1  }
0xbc: {  	[sflag:s29] =	ssyncadd.s32 $0xFFFFFFFF  }
0xbd: {  	_ =	strace $0x9000004E  }
0xbe: {  	_ =	sfence  }
0xbf: {  	s30 =	sld [smem:$0x0];
	_ =	sdelay $0x2  }
0xc0: {  	s31 =	sshll.u32 s1, $0xD;
	s1 =	sshrl.u32 s1, $0x2  }
0xc1: {  	s3 =	sand.u32 $0x4000, s31;
	s1 =	sadd.s32 s1, s30  }
0xc2: {  	s0 =	sor.u32 s3, s0;
	s1 =	sshll.u32 s1, $0x11  }
0xc3: {  	s0 =	sor.u32 s1, s0  }
0xc4: {  	s0 =	sadd.s32 $0x8F2B, s0  }
0xc5: {  	[sflag:s0] =	ssyncadd.remote.s32 $0x1  }
0xc6: {  	_ =	sfence.sel $0xFFFF  }
0xc7: {  	[dreg:$0x0] =	wrdreg $0xFFFFFFFF;
	(pc) =	sbr.abs _section_cstart, $3  }
0xc8: {  	[dreg:$0x1] =	wrdreg $0xFFFFFFFF  }
0xc9: {  	_ =	task.clear_ibuf [dreg:s8], $0x2FFFF;
	_ =	strace $0x9FFFFFFF  }
0xca: {  	(tm) =	ssettm $0x7FFFFFFF  }
0xcb: {  	_ =	shalt  }
tec
execute0_lowered:
.L_overlay_start_1:
0x0: {  	(tag) =	ssettag $0x1  }
0x1: {  	s0 =	rddreg [dreg:$0x0]  }
0x2: {  	s1 =	rddreg [dreg:$0x1]  }
0x3: {  	s6 =	rddreg [dreg:$0x2]  }
0x4: {  	s2 =	rddreg [dreg:$0x3];
	s4 =	srdreg.scid  }
0x5: {  	s11 =	stileid.u32;
	s3 =	simm.s32 $0x0;
	s28 =	simm.s32 $0x15400  }
0x6: {  	s29 =	simm.s32 $0x80;
	s30 =	simm.s32 $0x14080;
	s31 =	simm.s32 $0x1A800  }
0x7: {  	s5 =	sand.u32 $0x1, s4;
	s7 =	smul.u32 $0x50000, s11;
	[smem:$0x7FF] =	sst s3  }
0x8: {  	s13 =	smul.u32 $0x14000, s11;
	s4 =	sadd.s32 $0x53C00, s0;
	s0 =	sadd.s32 $0x7BC00, s0  }
0x9: {  	s8 =	ssub.s32 $0x2, s5;
	s9 =	smul.u32 $0x140000, s5;
	_ =	strace $0x8000004D  }
0xa: {  	s5 =	sshll.u32 s5, $0x4;
	s10 =	sshrl.u32 s8, $0x1;
	s7 =	sshrl.u32 s7, $0x2  }
0xb: {  	s11 =	sor.u32 s11, s5;
	s18 =	sadd.s32 $0x4000, s13;
	s23 =	sadd.s32 $0x8000, s13  }
0xc: {  	s15 =	sadd.s32 $0xC000, s13;
	s8 =	ssub.s32 s8, s10;
	s16 =	sadd.s32 s9, s13  }
0xd: {  	s5 =	sadd.s32 s7, s2;
	s20 =	sadd.s32 s9, s18;
	s14 =	sadd.s32 s9, s23  }
0xe: {  	s17 =	sshrl.u32 s16, $0x3;
	s16 =	smul.u32 $0x2800, s11;
	s8 =	smax.u32 s8, $0x1  }
0xf: {  	s19 =	sadd.s32 $0x4000, s5;
	s21 =	sadd.s32 $0x8000, s5;
	[dreg:$0x6] =	wrdreg s8  }
0x10: {  	s22 =	sadd.s32 $0xC000, s5;
	s11 =	sadd.s32 $0x10000, s5;
	[dreg:$0x7] =	wrdreg s19  }
0x11: {  	s14 =	sshrl.u32 s14, $0x3;
	s7 =	sadd.s32 s0, s17;
	[dreg:$0x8] =	wrdreg s21  }
0x12: {  	[dreg:$0x9] =	wrdreg s22;
	s8 =	sshrl.u32 s20, $0x3;
	s17 =	sadd.s32 s9, s15  }
0x13: {  	s20 =	simm.s32 $0x16800;
	s21 =	simm.s32 $0x3;
	[dreg:$0x5] =	wrdreg s7  }
0x14: {  	s12 =	sadd.s32 s0, s8;
	s7 =	sadd.s32 s18, s2;
	s18 =	sadd.s32 $0x10000, s13  }
0x15: {  	s13 =	sadd.s32 s0, s14;
	s24 =	sshrl.u32 s17, $0x3;
	s8 =	sadd.s32 s23, s2  }
0x16: {  	s25 =	sshrl.u32 s16, $0x3;
	s9 =	sadd.s32 s9, s18;
	s14 =	sadd.s32 s0, s24  }
0x17: {  	s24 =	sadd.s32 s15, s2;
	s26 =	sadd.s32 s18, s2;
	s16 =	sadd.s32 s1, s25  }
0x18: {  	s19 =	sadd.s32 $0x280, s25;
	s17 =	sadd.s32 s6, s25;
	s22 =	sshrl.u32 s7, $0x3  }
0x19: {  	s23 =	sshrl.u32 s8, $0x3;
	s7 =	simm.s32 $0x16780;
	s9 =	sshrl.u32 s9, $0x3  }
0x1a: {  	s18 =	sadd.s32 s1, s19;
	s19 =	sadd.s32 s6, s19;
	s24 =	sshrl.u32 s24, $0x3  }
0x1b: {  	s25 =	sshrl.u32 s26, $0x3;
	s26 =	simm.s32 $0x14000;
	s1 =	simm.s32 $0x2  }
0x1c: {  	v0 =	vimm.f32 $0.0e+00;
	s6 =	simm.s32 $0x16700;
	s15 =	sadd.s32 s0, s9;
	s0 =	simm.s32 $0x1  }
.LBB2_1:
0x1d: {  	s8 =	simm.s32 $0x0;
	s9 =	simm.s32 $0x200  }
.LBB2_2:
0x1e: {  	p0 =	sne.s32 s9, $0xFE00;
	[tilespmem:s8+$0x16870] =	vst v0  }
0x1f: {  	[tilespmem:s8+$0x16800] =	vst v0  }
0x20: {  	[tilespmem:s8+$0x16810] =	vst v0  }
.Ltmp0:
0x21: {  	[tilespmem:s8+$0x16820] =	vst v0;
	(pc) =	sbr.rel @p0 .LBB2_2-.Ltmp0, $4  }
0x22: {  	[tilespmem:s8+$0x16830] =	vst v0  }
0x23: {  	[tilespmem:s8+$0x16840] =	vst v0  }
0x24: {  	[tilespmem:s8+$0x16850] =	vst v0  }
0x25: {  	[tilespmem:s8+$0x16860] =	vst v0;
	s8 =	sshra.s32 s9, $0x2;
	s9 =	sadd.s32 $0x200, s9  }
0x26: {  	[tilespmem:s8+$0x16870] =	vst v0  }
0x27: {  	[tilespmem:s8+$0x16800] =	vst v0  }
0x28: {  	[tilespmem:s8+$0x16810] =	vst v0  }
0x29: {  	[tilespmem:s8+$0x16820] =	vst v0  }
0x2a: {  	[tilespmem:s8+$0x16830] =	vst v0  }
0x2b: {  	[tilespmem:s8+$0x16840] =	vst v0  }
0x2c: {  	[tilespmem:s8+$0x16850] =	vst v0  }
0x2d: {  	[tilespmem:s8+$0x16860] =	vst v0  }
0x2e: {  	[spmem:s5] =	stream.linear.scatter [tilespmem:s20], [sflag:$0x3], $0x4000, $0x38;
	[tilespmem:$0x1E800] =	vst v63  }
0x2f: {  	_ =	swait.ge [sflag:s21], $0x4000  }
0x30: {  	[sflag:s21] =	ssyncset.done $0x0  }
0x31: {  	s10 =	rddreg [dreg:$0x7];
	[sflag:s21] =	ssyncadd.s32 $0xFFFFC000  }
0x32: {  	[spmem:s10] =	stream.linear.scatter [tilespmem:s20], [sflag:$0x3], $0x4000, $0x38;
	[tilespmem:$0x1E800] =	vst v63  }
0x33: {  	_ =	swait.ge [sflag:s21], $0x4000  }
0x34: {  	[sflag:s21] =	ssyncset.done $0x0  }
0x35: {  	s9 =	rddreg [dreg:$0x8];
	[sflag:s21] =	ssyncadd.s32 $0xFFFFC000  }
0x36: {  	[spmem:s9] =	stream.linear.scatter [tilespmem:s20], [sflag:$0x3], $0x4000, $0x38;
	[tilespmem:$0x1E800] =	vst v63  }
0x37: {  	_ =	swait.ge [sflag:s21], $0x4000  }
0x38: {  	[sflag:s21] =	ssyncset.done $0x0  }
0x39: {  	s10 =	rddreg [dreg:$0x9];
	[sflag:s21] =	ssyncadd.s32 $0xFFFFC000  }
0x3a: {  	[spmem:s10] =	stream.linear.scatter [tilespmem:s20], [sflag:$0x3], $0x4000, $0x38;
	[tilespmem:$0x1E800] =	vst v63  }
0x3b: {  	_ =	swait.ge [sflag:s21], $0x4000  }
0x3c: {  	[sflag:s21] =	ssyncset.done $0x0  }
0x3d: {  	[sflag:s21] =	ssyncadd.s32 $0xFFFFC000  }
0x3e: {  	[spmem:s11] =	stream.linear.scatter [tilespmem:s20], [sflag:$0x3], $0x4000, $0x38;
	[tilespmem:$0x1E800] =	vst v63  }
0x3f: {  	_ =	swait.ge [sflag:s21], $0x4000  }
0x40: {  	[sflag:s21] =	ssyncset.done $0x0  }
0x41: {  	[sflag:s21] =	ssyncadd.s32 $0xFFFFC000  }
0x42: {  	s9 =	simm.s32 $0x0;
	[bflag:$0x0] =	sbarrier.arrive $0xFFFF  }
0x43: {  	[tilespmem:s26], [sflag:$0x3] =	stream.linear.gather [hbm4b:s16+s9], $0x1400, $0x38;
	[tilespmem:$0x1E800] =	vst v63  }
0x44: {  	_ =	swait.ge [sflag:s21], $0x1400  }
0x45: {  	[sflag:s21] =	ssyncset.done $0x0  }
0x46: {  	[sflag:s21] =	ssyncadd.s32 $0xFFFFEC00  }
0x47: {  	[tilespmem:s28], [sflag:$0x3] =	stream.linear.gather [hbm4b:s17+s9], $0x1400, $0x38;
	[tilespmem:$0x1E800] =	vst v63  }
0x48: {  	_ =	swait.ge [sflag:s21], $0x1400  }
0x49: {  	[sflag:s21] =	ssyncset.done $0x0  }
0x4a: {  	[sflag:s21] =	ssyncadd.s32 $0xFFFFEC00  }
0x4b: {  	[tilespmem:s20], [sflag:$0x1] =	stream.indirect.gather [hbm4b:s4+s29], $0x80, s26, s29, $0xb8;
	[tilespmem:$0x1E800] =	vst v63  }
0x4c: {  	_ = 	snop  }
0x4d: {  	[tilespmem:s31], [sflag:$0x2] =	stream.indirect.gather [hbm4b:s4+s29], $0x80, s30, s29, $0xb8;
	[tilespmem:$0x1E800] =	vst v63  }
0x4e: {  	_ =	swait.ge [sflag:s0], $0x4000  }
0x4f: {  	[sflag:s0] =	ssyncset.done $0x0  }
0x50: {  	s10 =	simm.s32 $0x15400;
	[sflag:s0] =	ssyncadd.s32 $0xFFFFC000  }
0x51: {  	[spmem:s2] =	stream.indirect.scatter.add.f32 [tilespmem:s20], [sflag:$0x3], $0x80, s10, s29, $0xb8;
	[tilespmem:$0x1E800] =	vst v63  }
0x52: {  	_ =	swait.ge [sflag:s21], $0x4000  }
0x53: {  	[sflag:s21] =	ssyncset.done $0x0  }
0x54: {  	s9 =	simm.s32 $0x14100;
	[sflag:s21] =	ssyncadd.s32 $0xFFFFC000  }
0x55: {  	[tilespmem:s20], [sflag:$0x1] =	stream.indirect.gather [hbm4b:s4+s29], $0x80, s9, s29, $0xb8;
	[tilespmem:$0x1E800] =	vst v63  }
0x56: {  	_ =	swait.ge [sflag:s1], $0x4000  }
0x57: {  	[sflag:s1] =	ssyncset.done $0x0  }
0x58: {  	s10 =	simm.s32 $0x15480;
	[sflag:s1] =	ssyncadd.s32 $0xFFFFC000  }
0x59: {  	[spmem:s2] =	stream.indirect.scatter.add.f32 [tilespmem:s31], [sflag:$0x3], $0x80, s10, s29, $0xb8;
	[tilespmem:$0x1E800] =	vst v63  }
0x5a: {  	_ =	swait.ge [sflag:s21], $0x4000  }
0x5b: {  	[sflag:s21] =	ssyncset.done $0x0  }
0x5c: {  	s8 =	simm.s32 $0x400;
	s9 =	simm.s32 $0x14180;
	[sflag:s21] =	ssyncadd.s32 $0xFFFFC000  }
.LBB2_4:
0x5d: {  	[tilespmem:s31], [sflag:$0x2] =	stream.indirect.gather [hbm4b:s4+s29], $0x80, s9, s29, $0xb8;
	[tilespmem:$0x1E800] =	vst v63  }
0x5e: {  	s9 =	smov.u32 s8  }
0x5f: {  	p0 =	sne.s32 s8, $0x4800;
	s8 =	sadd.s32 $0x400, s8;
	_ =	swait.ge [sflag:s0], $0x4000  }
0x60: {  	s9 =	sshra.s32 s9, $0x2;
	[sflag:s0] =	ssyncset.done $0x0  }
0x61: {  	s10 =	sadd.s32 $0x15400, s9;
	[sflag:s0] =	ssyncadd.s32 $0xFFFFC000  }
0x62: {  	[spmem:s2] =	stream.indirect.scatter.add.f32 [tilespmem:s20], [sflag:$0x3], $0x80, s10, s29, $0xb8;
	[tilespmem:$0x1E800] =	vst v63  }
0x63: {  	_ =	swait.ge [sflag:s21], $0x4000  }
0x64: {  	[sflag:s21] =	ssyncset.done $0x0  }
0x65: {  	s10 =	sadd.s32 $0x14100, s9;
	[sflag:s21] =	ssyncadd.s32 $0xFFFFC000  }
0x66: {  	[tilespmem:s20], [sflag:$0x1] =	stream.indirect.gather [hbm4b:s4+s29], $0x80, s10, s29, $0xb8;
	[tilespmem:$0x1E800] =	vst v63  }
0x67: {  	_ =	swait.ge [sflag:s1], $0x4000  }
0x68: {  	[sflag:s1] =	ssyncset.done $0x0  }
.Ltmp1:
0x69: {  	s10 =	sadd.s32 $0x15480, s9;
	[sflag:s1] =	ssyncadd.s32 $0xFFFFC000;
	(pc) =	sbr.rel @p0 .LBB2_4-.Ltmp1, $4  }
0x6a: {  	[spmem:s2] =	stream.indirect.scatter.add.f32 [tilespmem:s31], [sflag:$0x3], $0x80, s10, s29, $0xb8;
	[tilespmem:$0x1E800] =	vst v63  }
0x6b: {  	_ =	swait.ge [sflag:s21], $0x4000  }
0x6c: {  	[sflag:s21] =	ssyncset.done $0x0  }
0x6d: {  	s9 =	sadd.s32 $0x14180, s9;
	[sflag:s21] =	ssyncadd.s32 $0xFFFFC000  }
0x6e: {  	[tilespmem:s31], [sflag:$0x2] =	stream.indirect.gather [hbm4b:s4+s29], $0x80, s9, s29, $0xb8;
	[tilespmem:$0x1E800] =	vst v63  }
0x6f: {  	_ =	swait.ge [sflag:s0], $0x4000  }
0x70: {  	[sflag:s0] =	ssyncset.done $0x0  }
0x71: {  	[sflag:s0] =	ssyncadd.s32 $0xFFFFC000  }
0x72: {  	[spmem:s2] =	stream.indirect.scatter.add.f32 [tilespmem:s20], [sflag:$0x3], $0x80, s6, s29, $0xb8;
	[tilespmem:$0x1E800] =	vst v63  }
0x73: {  	_ =	swait.ge [sflag:s21], $0x4000  }
0x74: {  	[sflag:s21] =	ssyncset.done $0x0  }
0x75: {  	[sflag:s21] =	ssyncadd.s32 $0xFFFFC000  }
0x76: {  	_ =	swait.ge [sflag:s1], $0x4000  }
0x77: {  	[sflag:s1] =	ssyncset.done $0x0  }
0x78: {  	[sflag:s1] =	ssyncadd.s32 $0xFFFFC000  }
0x79: {  	[spmem:s2] =	stream.indirect.scatter.add.f32 [tilespmem:s31], [sflag:$0x3], $0x80, s7, s29, $0xb8;
	[tilespmem:$0x1E800] =	vst v63  }
0x7a: {  	_ =	swait.ge [sflag:s21], $0x4000  }
0x7b: {  	[sflag:s21] =	ssyncset.done $0x0  }
0x7c: {  	s8 =	simm.s32 $0x0;
	[sflag:s21] =	ssyncadd.s32 $0xFFFFC000  }
0x7d: {  	[tilespmem:s26], [sflag:$0x3] =	stream.linear.gather [hbm4b:s18+s8], $0x1400, $0x38;
	[tilespmem:$0x1E800] =	vst v63  }
0x7e: {  	_ =	swait.ge [sflag:s21], $0x1400  }
0x7f: {  	[sflag:s21] =	ssyncset.done $0x0  }
0x80: {  	[sflag:s21] =	ssyncadd.s32 $0xFFFFEC00  }
0x81: {  	[tilespmem:s28], [sflag:$0x3] =	stream.linear.gather [hbm4b:s19+s8], $0x1400, $0x38;
	[tilespmem:$0x1E800] =	vst v63  }
0x82: {  	_ =	swait.ge [sflag:s21], $0x1400  }
0x83: {  	[sflag:s21] =	ssyncset.done $0x0  }
0x84: {  	[sflag:s21] =	ssyncadd.s32 $0xFFFFEC00  }
0x85: {  	[tilespmem:s20], [sflag:$0x1] =	stream.indirect.gather [hbm4b:s4+s29], $0x80, s26, s29, $0xb8;
	[tilespmem:$0x1E800] =	vst v63  }
0x86: {  	_ = 	snop  }
0x87: {  	[tilespmem:s31], [sflag:$0x2] =	stream.indirect.gather [hbm4b:s4+s29], $0x80, s30, s29, $0xb8;
	[tilespmem:$0x1E800] =	vst v63  }
0x88: {  	_ =	swait.ge [sflag:s0], $0x4000  }
0x89: {  	[sflag:s0] =	ssyncset.done $0x0  }
0x8a: {  	s10 =	simm.s32 $0x15400;
	[sflag:s0] =	ssyncadd.s32 $0xFFFFC000  }
0x8b: {  	[spmem:s2] =	stream.indirect.scatter.add.f32 [tilespmem:s20], [sflag:$0x3], $0x80, s10, s29, $0xb8;
	[tilespmem:$0x1E800] =	vst v63  }
0x8c: {  	_ =	swait.ge [sflag:s21], $0x4000  }
0x8d: {  	[sflag:s21] =	ssyncset.done $0x0  }
0x8e: {  	s9 =	simm.s32 $0x14100;
	[sflag:s21] =	ssyncadd.s32 $0xFFFFC000  }
0x8f: {  	[tilespmem:s20], [sflag:$0x1] =	stream.indirect.gather [hbm4b:s4+s29], $0x80, s9, s29, $0xb8;
	[tilespmem:$0x1E800] =	vst v63  }
0x90: {  	_ =	swait.ge [sflag:s1], $0x4000  }
0x91: {  	[sflag:s1] =	ssyncset.done $0x0  }
0x92: {  	s10 =	simm.s32 $0x15480;
	[sflag:s1] =	ssyncadd.s32 $0xFFFFC000  }
0x93: {  	[spmem:s2] =	stream.indirect.scatter.add.f32 [tilespmem:s31], [sflag:$0x3], $0x80, s10, s29, $0xb8;
	[tilespmem:$0x1E800] =	vst v63  }
0x94: {  	_ =	swait.ge [sflag:s21], $0x4000  }
0x95: {  	[sflag:s21] =	ssyncset.done $0x0  }
0x96: {  	s8 =	simm.s32 $0x400;
	s9 =	simm.s32 $0x14180;
	[sflag:s21] =	ssyncadd.s32 $0xFFFFC000  }
.LBB2_6:
0x97: {  	[tilespmem:s31], [sflag:$0x2] =	stream.indirect.gather [hbm4b:s4+s29], $0x80, s9, s29, $0xb8;
	[tilespmem:$0x1E800] =	vst v63  }
0x98: {  	s9 =	smov.u32 s8  }
0x99: {  	p0 =	sne.s32 s8, $0x4800;
	s8 =	sadd.s32 $0x400, s8;
	_ =	swait.ge [sflag:s0], $0x4000  }
0x9a: {  	s9 =	sshra.s32 s9, $0x2;
	[sflag:s0] =	ssyncset.done $0x0  }
0x9b: {  	s10 =	sadd.s32 $0x15400, s9;
	[sflag:s0] =	ssyncadd.s32 $0xFFFFC000  }
0x9c: {  	[spmem:s2] =	stream.indirect.scatter.add.f32 [tilespmem:s20], [sflag:$0x3], $0x80, s10, s29, $0xb8;
	[tilespmem:$0x1E800] =	vst v63  }
0x9d: {  	_ =	swait.ge [sflag:s21], $0x4000  }
0x9e: {  	[sflag:s21] =	ssyncset.done $0x0  }
0x9f: {  	s10 =	sadd.s32 $0x14100, s9;
	[sflag:s21] =	ssyncadd.s32 $0xFFFFC000  }
0xa0: {  	[tilespmem:s20], [sflag:$0x1] =	stream.indirect.gather [hbm4b:s4+s29], $0x80, s10, s29, $0xb8;
	[tilespmem:$0x1E800] =	vst v63  }
0xa1: {  	_ =	swait.ge [sflag:s1], $0x4000  }
0xa2: {  	[sflag:s1] =	ssyncset.done $0x0  }
.Ltmp2:
0xa3: {  	s10 =	sadd.s32 $0x15480, s9;
	[sflag:s1] =	ssyncadd.s32 $0xFFFFC000;
	(pc) =	sbr.rel @p0 .LBB2_6-.Ltmp2, $4  }
0xa4: {  	[spmem:s2] =	stream.indirect.scatter.add.f32 [tilespmem:s31], [sflag:$0x3], $0x80, s10, s29, $0xb8;
	[tilespmem:$0x1E800] =	vst v63  }
0xa5: {  	_ =	swait.ge [sflag:s21], $0x4000  }
0xa6: {  	[sflag:s21] =	ssyncset.done $0x0  }
0xa7: {  	s9 =	sadd.s32 $0x14180, s9;
	[sflag:s21] =	ssyncadd.s32 $0xFFFFC000  }
0xa8: {  	[tilespmem:s31], [sflag:$0x2] =	stream.indirect.gather [hbm4b:s4+s29], $0x80, s9, s29, $0xb8;
	[tilespmem:$0x1E800] =	vst v63  }
0xa9: {  	_ =	swait.ge [sflag:s0], $0x4000  }
0xaa: {  	[sflag:s0] =	ssyncset.done $0x0  }
0xab: {  	[sflag:s0] =	ssyncadd.s32 $0xFFFFC000  }
0xac: {  	[spmem:s2] =	stream.indirect.scatter.add.f32 [tilespmem:s20], [sflag:$0x3], $0x80, s6, s29, $0xb8;
	[tilespmem:$0x1E800] =	vst v63  }
0xad: {  	_ =	swait.ge [sflag:s21], $0x4000  }
0xae: {  	[sflag:s21] =	ssyncset.done $0x0  }
0xaf: {  	[sflag:s21] =	ssyncadd.s32 $0xFFFFC000  }
0xb0: {  	_ =	swait.ge [sflag:s1], $0x4000  }
0xb1: {  	[sflag:s1] =	ssyncset.done $0x0  }
0xb2: {  	[sflag:s1] =	ssyncadd.s32 $0xFFFFC000  }
0xb3: {  	[spmem:s2] =	stream.indirect.scatter.add.f32 [tilespmem:s31], [sflag:$0x3], $0x80, s7, s29, $0xb8;
	[tilespmem:$0x1E800] =	vst v63  }
0xb4: {  	_ =	swait.ge [sflag:s21], $0x4000  }
0xb5: {  	[sflag:s21] =	ssyncset.done $0x0  }
0xb6: {  	s8 =	stileid.u32;
	[sflag:s21] =	ssyncadd.s32 $0xFFFFC000  }
0xb7: {  	s8 =	sshll.u32 s8, $0x6;
	[bflag:$0x0] =	sbarrier.arrive $0xFFFF  }
0xb8: {  	s9 =	sshrl.u32 s5, $0x3;
	s8 =	sor.u32 $0x1C03, s8;
	s10 =	rddreg [dreg:$0x5]  }
0xb9: {  	[hbm:s10], [sflag:s8] =	dma.local [spmem:s9], $0x800  }
0xba: {  	_ =	swait.ge [sflag:s21], $0x800  }
0xbb: {  	[sflag:s21] =	ssyncset.done $0x0  }
0xbc: {  	[sflag:s21] =	ssyncadd.s32 $0xFFFFF800  }
0xbd: {  	[hbm:s12], [sflag:s8] =	dma.local [spmem:s22], $0x800  }
0xbe: {  	_ =	swait.ge [sflag:s21], $0x800  }
0xbf: {  	[sflag:s21] =	ssyncset.done $0x0  }
0xc0: {  	[sflag:s21] =	ssyncadd.s32 $0xFFFFF800  }
0xc1: {  	[hbm:s13], [sflag:s8] =	dma.local [spmem:s23], $0x800  }
0xc2: {  	_ =	swait.ge [sflag:s21], $0x800  }
0xc3: {  	[sflag:s21] =	ssyncset.done $0x0  }
0xc4: {  	[sflag:s21] =	ssyncadd.s32 $0xFFFFF800  }
0xc5: {  	[hbm:s14], [sflag:s8] =	dma.local [spmem:s24], $0x800  }
0xc6: {  	_ =	swait.ge [sflag:s21], $0x800  }
0xc7: {  	[sflag:s21] =	ssyncset.done $0x0  }
0xc8: {  	[sflag:s21] =	ssyncadd.s32 $0xFFFFF800  }
0xc9: {  	[hbm:s15], [sflag:s8] =	dma.local [spmem:s25], $0x800  }
0xca: {  	_ =	swait.ge [sflag:s21], $0x800  }
0xcb: {  	s3 =	sadd.s32 $0x1, s3;
	s10 =	rddreg [dreg:$0x6]  }
0xcc: {  	p0 =	sne.s32 s3, s10  }
.Ltmp3:
0xcd: {  	_ = 	snop;
	(pc) =	sbr.rel @p0 .LBB2_1-.Ltmp3, $3  }
0xce: {  	_ =	sdelay $0x1  }
0xcf: {  	[sflag:s21] =	ssyncset.done $0x0  }
0xd0: {  	[sflag:s21] =	ssyncadd.s32 $0xFFFFF800  }
0xd1: {  	_ =	sfence.sel $0x180000  }
0xd2: {  	[bflag:$0x0] =	sbarrier.arrive $0xFFFF  }
0xd3: {  	_ =	strace $0x9000004D  }
0xd4: {  	s0 =	stileid.u32;
	[bflag:$0x2] =	sbarrier.arrive $0xFFFF  }
0xd5: {  	p0 =	sne.s32 s0, $0x0;
	s0 =	rddreg [dreg:$0x4]  }
0xd6: {  	s0 =	sadd.s32 @!p0 $0x100000, s0  }
0xd7: {  	[sflag:s0] =	ssyncadd.tile.s32 @!p0 $0x1;
	_ =	shalt  }
.Lfunc_end2:
_tile_overlayer_lowered:
.L_overlay_start_2:
0xd8: {  	(tag) =	ssettag $0x2  }
0xd9: {  	s0 =	rddreg [dreg:$0x0];
	s2 =	stileid.u32  }
0xda: {  	s1 =	rddreg [dreg:$0x1];
	p0 =	sne.s32 s2, $0x0  }
0xdb: {  	s3 =	rddreg [dreg:$0x2];
	[bflag:$0x3] =	sbarrier.arrive $0xFFFF;
	s2 =	simm.s32 @!p0 $0x1C03  }
0xdc: {  	[timem:s3], [sflag:s2] =	dma.local @!p0 [hbm:s0], s1  }
0xdd: {  	s0 =	simm.s32 @!p0 $0x3  }
0xde: {  	_ =	swait.ge @!p0 [sflag:s0], s1  }
0xdf: {  	s1 =	ssub.s32 @!p0 $0x0, s1;
	[sflag:s0] =	ssyncset.done @!p0 $0x0  }
0xe0: {  	[sflag:s0] =	ssyncadd.s32 @!p0 s1  }
0xe1: {  	[bflag:$0x3] =	sbarrier.arrive $0xFFFF  }
0xe2: {  	_ =	shalt  }

// kernel: kernel.19.cloned.1.call-start
scs
__scs_entry_jumppad:
0x0: {  	(pc) =	sbr.rel $0x88, $3  }
0x1: {  	(tag) =	ssettag $0x0;
	lr =	simm.s32 $0x1  }
0x2: {  	[smem:$0x3F97] =	sst lr;
	_ =	strace $0xD0000000  }
0x3: {  	_ = 	snop  }
0x4: {  	_ = 	snop  }
0x5: {  	_ = 	snop  }
0x6: {  	_ = 	snop  }
0x7: {  	_ = 	snop  }
__scs_overlays_trampoline_lowered:
0x8: {  	[smem:$0x3FA6] =	sst s0  }
0x9: {  	[smem:$0x3FA7] =	sst s1  }
0xa: {  	[smem:$0x3FA8] =	sst s2  }
0xb: {  	[smem:$0x3FA9] =	sst s3  }
0xc: {  	[smem:$0x3FAA] =	sst s4  }
0xd: {  	[smem:$0x3FAB] =	sst s5  }
0xe: {  	[smem:$0x3FAC] =	sst s6  }
0xf: {  	[smem:$0x3FAD] =	sst s7  }
0x10: {  	[smem:$0x3FAE] =	sst s8  }
0x11: {  	[smem:$0x3FAF] =	sst s9;
	s0 =	simm.s32 @!p0 $0x0  }
0x12: {  	s1 =	sld [smem:$0x3F95];
	s0 =	simm.s32 @p0 $0x1  }
0x13: {  	[smem:$0x3FB0] =	sst s0;
	s0 =	simm.s32 @!p1 $0x0  }
0x14: {  	s2 =	sld [smem:$0x3F94];
	s0 =	simm.s32 @p1 $0x1  }
0x15: {  	[smem:$0x3FB1] =	sst s0;
	s0 =	simm.s32 @!p2 $0x0  }
0x16: {  	s3 =	sld [smem:$0x3FDB];
	s0 =	simm.s32 @p2 $0x1  }
0x17: {  	s4 =	simm.s32 $0x1BF5;
	[smem:$0x3FB3] =	sst s0  }
0x18: {  	s0 =	sld [smem:$0x3F96];
	_ =	swait.ge [sflag:s4], $0x0  }
0x19: {  	s7 =	sld [smem:$0x3F97]  }
0x1a: {  	s8 =	sadd.s32 $0xFFFFE003, lr  }
0x1b: {  	s9 =	sadd.s32 $0xFFFFFEF7, lr;
	s5 =	simm.s32 $0xFFFFFFFF;
	p2 =	slt.u32 s8, $0xFFFFF086  }
0x1c: {  	p1 =	slt.u32 s9, $0xF7A;
	s5 =	simm.s32 @!p2 $0x0  }
0x1d: {  	s5 =	simm.s32 @p1 $0x1;
	p0 =	seq.s32 s7, s2  }
0x1e: {  	s7 =	smul.u32 @!p0 $0xF7A, s2;
	p2 =	seq.s32 @!p0 s5, $0x0  }
0x1f: {  	s9 =	smul.u32 $0xF7A, s1;
	s8 =	simm.s32 @!p0 $0x1BF5;
	p2 =	por !p2, p0  }
0x20: {  	[sflag:s8] =	ssyncset.s32 @!p0 $0xFFFFF086;
	s6 =	sadd.s32 @!p0 s3, s7;
	s7 =	simm.s32 @!p0 $0x108  }
0x21: {  	s3 =	sadd.s32 s3, s9;
	s6 =	sadd.s32 @!p0 $0x88, s6;
	s7 =	simm.s32 @p2 $0x1082  }
0x22: {  	[simem:s7], [sflag:s8] =	dma.local @!p0 [hbm:s6], $0xF7A  }
0x23: {  	s9 =	sor.u32 $0xD0000000, s2;
	s6 =	simm.s32 $0x108;
	_ =	swait.ge @!p0 [sflag:s8], $0x0  }
0x24: {  	s3 =	sadd.s32 $0x88, s3;
	s6 =	simm.s32 @!p1 $0x1082;
	[sflag:s4] =	ssyncset.s32 $0xFFFFF086  }
0x25: {  	[simem:s6], [sflag:s4] =	dma.local [hbm:s3], $0xF7A  }
0x26: {  	[smem:$0x3F97] =	sst s1;
	(tag) =	ssettag s2;
	_ =	strace s9  }
0x27: {  	s1 =	sld [smem:$0x3FA7]  }
0x28: {  	s2 =	sld [smem:$0x3FA8]  }
0x29: {  	s4 =	sld [smem:$0x3FAA]  }
0x2a: {  	p0 =	seq.s32 s5, $0x0;
	s5 =	sld [smem:$0x3FAB]  }
0x2b: {  	s6 =	sld [smem:$0x3FAC]  }
0x2c: {  	s7 =	sld [smem:$0x3FAD]  }
0x2d: {  	s3 =	simm.s32 $0x108;
	s8 =	sld [smem:$0x3FAE]  }
0x2e: {  	s3 =	simm.s32 @!p0 $0x1082;
	s9 =	sld [smem:$0x3FAF]  }
0x2f: {  	lr =	sadd.s32 s0, s3;
	s0 =	sld [smem:$0x3FA6]  }
0x30: {  	s3 =	sld [smem:$0x3FA9]  }
0x31: {  	[smem:$0x3FB2] =	sst s10  }
0x32: {  	s10 =	sld [smem:$0x3FB0];
	_ =	sdelay $0x3  }
0x33: {  	p0 =	seq.s32 s10, $0x1;
	s10 =	sld [smem:$0x3FB2];
	_ =	sdelay $0x3  }
0x34: {  	[smem:$0x3FB2] =	sst s10  }
0x35: {  	s10 =	sld [smem:$0x3FB1];
	_ =	sdelay $0x3  }
0x36: {  	p1 =	seq.s32 s10, $0x1;
	s10 =	sld [smem:$0x3FB2];
	_ =	sdelay $0x3  }
0x37: {  	[smem:$0x3FB2] =	sst s10  }
0x38: {  	s10 =	sld [smem:$0x3FB3]  }
0x39: {  	_ = 	snop;
	(pc) =	sbr.ind lr, $3  }
0x3a: {  	_ = 	snop  }
0x3b: {  	_ = 	snop  }
0x3c: {  	p2 =	seq.s32 s10, $0x1;
	s10 =	sld [smem:$0x3FB2]  }
0x3d: {  	_ =	shalt  }
0x3e: {  	_ =	shalt  }
0x3f: {  	_ =	shalt  }
0x40: {  	_ =	shalt  }
0x41: {  	_ =	shalt  }
0x42: {  	_ =	shalt  }
0x43: {  	_ =	shalt  }
0x44: {  	_ =	shalt  }
0x45: {  	_ =	shalt  }
0x46: {  	_ =	shalt  }
0x47: {  	_ =	shalt  }
0x48: {  	_ =	shalt  }
0x49: {  	_ =	shalt  }
0x4a: {  	_ =	shalt  }
0x4b: {  	_ =	shalt  }
0x4c: {  	_ =	shalt  }
0x4d: {  	_ =	shalt  }
0x4e: {  	_ =	shalt  }
0x4f: {  	_ =	shalt  }
0x50: {  	_ =	shalt  }
0x51: {  	_ =	shalt  }
0x52: {  	_ =	shalt  }
0x53: {  	_ =	shalt  }
0x54: {  	_ =	shalt  }
0x55: {  	_ =	shalt  }
0x56: {  	_ =	shalt  }
0x57: {  	_ =	shalt  }
0x58: {  	_ =	shalt  }
0x59: {  	_ =	shalt  }
0x5a: {  	_ =	shalt  }
0x5b: {  	_ =	shalt  }
0x5c: {  	_ =	shalt  }
0x5d: {  	_ =	shalt  }
0x5e: {  	_ =	shalt  }
0x5f: {  	_ =	shalt  }
0x60: {  	_ =	shalt  }
0x61: {  	_ =	shalt  }
0x62: {  	_ =	shalt  }
0x63: {  	_ =	shalt  }
0x64: {  	_ =	shalt  }
0x65: {  	_ =	shalt  }
0x66: {  	_ =	shalt  }
0x67: {  	_ =	shalt  }
0x68: {  	_ =	shalt  }
0x69: {  	_ =	shalt  }
0x6a: {  	_ =	shalt  }
0x6b: {  	_ =	shalt  }
0x6c: {  	_ =	shalt  }
0x6d: {  	_ =	shalt  }
0x6e: {  	_ =	shalt  }
0x6f: {  	_ =	shalt  }
0x70: {  	_ =	shalt  }
0x71: {  	_ =	shalt  }
0x72: {  	_ =	shalt  }
0x73: {  	_ =	shalt  }
0x74: {  	_ =	shalt  }
0x75: {  	_ =	shalt  }
0x76: {  	_ =	shalt  }
0x77: {  	_ =	shalt  }
0x78: {  	_ =	shalt  }
0x79: {  	_ =	shalt  }
0x7a: {  	_ =	shalt  }
0x7b: {  	_ =	shalt  }
0x7c: {  	_ =	shalt  }
0x7d: {  	_ =	shalt  }
0x7e: {  	_ =	shalt  }
0x7f: {  	_ =	shalt  }
0x80: {  	_ =	shalt  }
0x81: {  	_ =	shalt  }
0x82: {  	_ =	shalt  }
0x83: {  	_ =	shalt  }
0x84: {  	_ =	shalt  }
0x85: {  	_ =	shalt  }
0x86: {  	_ =	shalt  }
0x87: {  	_ =	shalt  }
.Lfunc_end0:
.L_simem_size_0:
called_computation.3_lowered:
.L_overlay_start_0:
0x88: {  	s2 =	sld [smem:$0x3FD9]  }
0x89: {  	s3 =	sld [smem:$0x3FFE];
	_ =	sdelay $0x1  }
0x8a: {  	s1 =	srdreg.scid  }
0x8b: {  	s0 =	sand.u32 $0x1, s1  }
0x8c: {  	s14 =	sshll.u32 s0, $0xA;
	s2 =	sadd.s32 s3, s2  }
0x8d: {  	s2 =	sadd.s32 s2, s14  }
0x8e: {  	[smem:$0x3FBE] =	sst s2  }
0x8f: {  	_ = 	snop  }
0x90: {  	s2 =	sld [smem:$0x3FD0];
	_ =	sdelay $0x2  }
0x91: {  	s15 =	simm.s32 $0xA;
	s4 =	simm.s32 $0x10  }
0x92: {  	[smem:s4], [sflag:s15] =	dma.local [hbm:s2], $0x1  }
0x93: {  	_ =	swait.eq [sflag:s15], $0x1  }
0x94: {  	[sflag:s15] =	ssyncset.done $0x0  }
0x95: {  	s16 =	sld [smem:$0x10];
	[sflag:s15] =	ssyncadd.s32 $0xFFFFFFFF  }
0x96: {  	s17 =	sld [smem:$0x11];
	(tm) =	ssettm $0x1  }
0x97: {  	s18 =	sld [smem:$0x3FFB];
	_ =	sdelay $0x3  }
0x98: {  	_ =	strace s18  }
0x99: {  	s4 =	sld [smem:$0x3FFC];
	_ =	sdelay $0x3  }
0x9a: {  	_ =	strace s4  }
0x9b: {  	s4 =	sld [smem:$0x3FFD];
	_ =	sdelay $0x3  }
0x9c: {  	_ =	strace s4  }
0x9d: {  	_ =	strace $0x8FFFFFFF  }
0x9e: {  	s19 =	sld [smem:$0x3FDB];
	_ =	sdelay $0x1  }
0x9f: {  	s5 =	simm.s32 $_scs_section_size  }
0xa0: {  	s6 =	simm.s32 $_size__tile_overlayer_lowered;
	s7 =	simm.s32 $_tile_overlayer_lowered  }
0xa1: {  	s22 =	simm.s32 $0x1BFF;
	s21 =	sshll.u32 s7, $0x1;
	s4 =	sadd.s32 s5, s19  }
0xa2: {  	s8 =	simm.s32 $0x0;
	s20 =	sshll.u32 s6, $0x1;
	s6 =	sadd.s32 s21, s4  }
0xa3: {  	[timem:s8], [sflag:s22] =	dma.local [hbm:s6], s20  }
0xa4: {  	_ =	swait.ge [sflag:s22], s20  }
0xa5: {  	s5 =	ssub.s32 $0x0, s20;
	[sflag:s22] =	ssyncset.done $0x0  }
0xa6: {  	[sflag:s22] =	ssyncadd.s32 s5;
	_ =	sdelay $0x1  }
0xa7: {  	s23 =	simm.s32 $0x1B8B  }
0xa8: {  	_ =	swait.ge [sflag:s23], $0x1  }
0xa9: {  	[sflag:s23] =	ssyncset.done $0x0  }
0xaa: {  	s25 =	simm.s32 $0x1B8E;
	s24 =	sld [smem:$0x3FFE];
	[sflag:s23] =	ssyncadd.s32 $0xFFFFFFFF  }
0xab: {  	s26 =	simm.s32 $execute0_lowered;
	[smem:$0x3FD2] =	sst s25  }
0xac: {  	s6 =	sshll.u32 s26, $0x1;
	_ =	strace $0x8000004F;
	[dreg:$0x1] =	wrdreg $0xFFFFFFFF  }
0xad: {  	s28 =	simm.s32 $_size_execute0_lowered;
	s4 =	sadd.s32 s4, s6;
	[dreg:$0x0] =	wrdreg $0x0  }
0xae: {  	s6 =	sshll.u32 s28, $0x1;
	[dreg:$0x2] =	wrdreg s4  }
0xaf: {  	[dreg:$0x3] =	wrdreg s6  }
0xb0: {  	[dreg:$0x4] =	wrdreg $0xC0  }
0xb1: {  	_ =	task [dreg:s8], $0x5FFFF  }
0xb2: {  	[dreg:$0x1] =	wrdreg $0xFFFFFFFF  }
0xb3: {  	[dreg:$0x0] =	wrdreg $0x60  }
0xb4: {  	[dreg:$0x2] =	wrdreg s24  }
0xb5: {  	[dreg:$0x3] =	wrdreg s17  }
0xb6: {  	[dreg:$0x4] =	wrdreg s16  }
0xb7: {  	[dreg:$0x5] =	wrdreg $0x0  }
0xb8: {  	[dreg:$0x6] =	wrdreg $0x9  }
0xb9: {  	_ =	task.clear_ibuf [dreg:s8], $0x7FFFF;
	_ =	strace $0x9000004F  }
0xba: {  	s29 =	simm.s32 $0x9;
	_ =	strace $0x80000051  }
0xbb: {  	_ =	swait.ge [sflag:s29], $0x1  }
0xbc: {  	[sflag:s29] =	ssyncadd.s32 $0xFFFFFFFF  }
0xbd: {  	_ =	strace $0x90000051  }
0xbe: {  	_ =	sfence  }
0xbf: {  	s30 =	sld [smem:$0x0];
	_ =	sdelay $0x2  }
0xc0: {  	s31 =	sshll.u32 s1, $0xD;
	s1 =	sshrl.u32 s1, $0x2  }
0xc1: {  	s3 =	sand.u32 $0x4000, s31;
	s1 =	sadd.s32 s1, s30  }
0xc2: {  	s0 =	sor.u32 s3, s0;
	s1 =	sshll.u32 s1, $0x11  }
0xc3: {  	s0 =	sor.u32 s1, s0  }
0xc4: {  	s0 =	sadd.s32 $0x8F2B, s0  }
0xc5: {  	[sflag:s0] =	ssyncadd.remote.s32 $0x1  }
0xc6: {  	_ =	sfence.sel $0xFFFF  }
0xc7: {  	[dreg:$0x0] =	wrdreg $0xFFFFFFFF;
	(pc) =	sbr.abs _section_cstart, $3  }
0xc8: {  	[dreg:$0x1] =	wrdreg $0xFFFFFFFF  }
0xc9: {  	_ =	task.clear_ibuf [dreg:s8], $0x2FFFF;
	_ =	strace $0x9FFFFFFF  }
0xca: {  	(tm) =	ssettm $0x7FFFFFFF  }
0xcb: {  	_ =	shalt  }
tec
execute0_lowered:
.L_overlay_start_1:
0x0: {  	(tag) =	ssettag $0x1  }
0x1: {  	s0 =	rddreg [dreg:$0x0]  }
0x2: {  	s1 =	rddreg [dreg:$0x1]  }
0x3: {  	s6 =	rddreg [dreg:$0x2]  }
0x4: {  	s2 =	rddreg [dreg:$0x3];
	s4 =	srdreg.scid  }
0x5: {  	s11 =	stileid.u32;
	s3 =	simm.s32 $0x0;
	s28 =	simm.s32 $0x15400  }
0x6: {  	s29 =	simm.s32 $0x80;
	s30 =	simm.s32 $0x14080;
	s31 =	simm.s32 $0x1A800  }
0x7: {  	s5 =	sand.u32 $0x1, s4;
	s7 =	smul.u32 $0x50000, s11;
	[smem:$0x7FF] =	sst s3  }
0x8: {  	s13 =	smul.u32 $0x14000, s11;
	s4 =	sadd.s32 $0x53C00, s0;
	s0 =	sadd.s32 $0x7BC00, s0  }
0x9: {  	s8 =	ssub.s32 $0x2, s5;
	s9 =	smul.u32 $0x140000, s5;
	_ =	strace $0x80000050  }
0xa: {  	s5 =	sshll.u32 s5, $0x4;
	s10 =	sshrl.u32 s8, $0x1;
	s7 =	sshrl.u32 s7, $0x2  }
0xb: {  	s11 =	sor.u32 s11, s5;
	s18 =	sadd.s32 $0x4000, s13;
	s23 =	sadd.s32 $0x8000, s13  }
0xc: {  	s15 =	sadd.s32 $0xC000, s13;
	s8 =	ssub.s32 s8, s10;
	s16 =	sadd.s32 s9, s13  }
0xd: {  	s5 =	sadd.s32 s7, s2;
	s20 =	sadd.s32 s9, s18;
	s14 =	sadd.s32 s9, s23  }
0xe: {  	s17 =	sshrl.u32 s16, $0x3;
	s16 =	smul.u32 $0x2800, s11;
	s8 =	smax.u32 s8, $0x1  }
0xf: {  	s19 =	sadd.s32 $0x4000, s5;
	s21 =	sadd.s32 $0x8000, s5;
	[dreg:$0x6] =	wrdreg s8  }
0x10: {  	s22 =	sadd.s32 $0xC000, s5;
	s11 =	sadd.s32 $0x10000, s5;
	[dreg:$0x7] =	wrdreg s19  }
0x11: {  	s14 =	sshrl.u32 s14, $0x3;
	s7 =	sadd.s32 s0, s17;
	[dreg:$0x8] =	wrdreg s21  }
0x12: {  	[dreg:$0x9] =	wrdreg s22;
	s8 =	sshrl.u32 s20, $0x3;
	s17 =	sadd.s32 s9, s15  }
0x13: {  	s20 =	simm.s32 $0x16800;
	s21 =	simm.s32 $0x3;
	[dreg:$0x5] =	wrdreg s7  }
0x14: {  	s12 =	sadd.s32 s0, s8;
	s7 =	sadd.s32 s18, s2;
	s18 =	sadd.s32 $0x10000, s13  }
0x15: {  	s13 =	sadd.s32 s0, s14;
	s24 =	sshrl.u32 s17, $0x3;
	s8 =	sadd.s32 s23, s2  }
0x16: {  	s25 =	sshrl.u32 s16, $0x3;
	s9 =	sadd.s32 s9, s18;
	s14 =	sadd.s32 s0, s24  }
0x17: {  	s24 =	sadd.s32 s15, s2;
	s26 =	sadd.s32 s18, s2;
	s16 =	sadd.s32 s1, s25  }
0x18: {  	s19 =	sadd.s32 $0x280, s25;
	s17 =	sadd.s32 s6, s25;
	s22 =	sshrl.u32 s7, $0x3  }
0x19: {  	s23 =	sshrl.u32 s8, $0x3;
	s7 =	simm.s32 $0x16780;
	s9 =	sshrl.u32 s9, $0x3  }
0x1a: {  	s18 =	sadd.s32 s1, s19;
	s19 =	sadd.s32 s6, s19;
	s24 =	sshrl.u32 s24, $0x3  }
0x1b: {  	s25 =	sshrl.u32 s26, $0x3;
	s26 =	simm.s32 $0x14000;
	s1 =	simm.s32 $0x2  }
0x1c: {  	v0 =	vimm.f32 $0.0e+00;
	s6 =	simm.s32 $0x16700;
	s15 =	sadd.s32 s0, s9;
	s0 =	simm.s32 $0x1  }
.LBB2_1:
0x1d: {  	s8 =	simm.s32 $0x0;
	s9 =	simm.s32 $0x200  }
.LBB2_2:
0x1e: {  	p0 =	sne.s32 s9, $0xFE00;
	[tilespmem:s8+$0x16870] =	vst v0  }
0x1f: {  	[tilespmem:s8+$0x16800] =	vst v0  }
0x20: {  	[tilespmem:s8+$0x16810] =	vst v0  }
.Ltmp0:
0x21: {  	[tilespmem:s8+$0x16820] =	vst v0;
	(pc) =	sbr.rel @p0 .LBB2_2-.Ltmp0, $4  }
0x22: {  	[tilespmem:s8+$0x16830] =	vst v0  }
0x23: {  	[tilespmem:s8+$0x16840] =	vst v0  }
0x24: {  	[tilespmem:s8+$0x16850] =	vst v0  }
0x25: {  	[tilespmem:s8+$0x16860] =	vst v0;
	s8 =	sshra.s32 s9, $0x2;
	s9 =	sadd.s32 $0x200, s9  }
0x26: {  	[tilespmem:s8+$0x16870] =	vst v0  }
0x27: {  	[tilespmem:s8+$0x16800] =	vst v0  }
0x28: {  	[tilespmem:s8+$0x16810] =	vst v0  }
0x29: {  	[tilespmem:s8+$0x16820] =	vst v0  }
0x2a: {  	[tilespmem:s8+$0x16830] =	vst v0  }
0x2b: {  	[tilespmem:s8+$0x16840] =	vst v0  }
0x2c: {  	[tilespmem:s8+$0x16850] =	vst v0  }
0x2d: {  	[tilespmem:s8+$0x16860] =	vst v0  }
0x2e: {  	[spmem:s5] =	stream.linear.scatter [tilespmem:s20], [sflag:$0x3], $0x4000, $0x38;
	[tilespmem:$0x1E800] =	vst v63  }
0x2f: {  	_ =	swait.ge [sflag:s21], $0x4000  }
0x30: {  	[sflag:s21] =	ssyncset.done $0x0  }
0x31: {  	s10 =	rddreg [dreg:$0x7];
	[sflag:s21] =	ssyncadd.s32 $0xFFFFC000  }
0x32: {  	[spmem:s10] =	stream.linear.scatter [tilespmem:s20], [sflag:$0x3], $0x4000, $0x38;
	[tilespmem:$0x1E800] =	vst v63  }
0x33: {  	_ =	swait.ge [sflag:s21], $0x4000  }
0x34: {  	[sflag:s21] =	ssyncset.done $0x0  }
0x35: {  	s9 =	rddreg [dreg:$0x8];
	[sflag:s21] =	ssyncadd.s32 $0xFFFFC000  }
0x36: {  	[spmem:s9] =	stream.linear.scatter [tilespmem:s20], [sflag:$0x3], $0x4000, $0x38;
	[tilespmem:$0x1E800] =	vst v63  }
0x37: {  	_ =	swait.ge [sflag:s21], $0x4000  }
0x38: {  	[sflag:s21] =	ssyncset.done $0x0  }
0x39: {  	s10 =	rddreg [dreg:$0x9];
	[sflag:s21] =	ssyncadd.s32 $0xFFFFC000  }
0x3a: {  	[spmem:s10] =	stream.linear.scatter [tilespmem:s20], [sflag:$0x3], $0x4000, $0x38;
	[tilespmem:$0x1E800] =	vst v63  }
0x3b: {  	_ =	swait.ge [sflag:s21], $0x4000  }
0x3c: {  	[sflag:s21] =	ssyncset.done $0x0  }
0x3d: {  	[sflag:s21] =	ssyncadd.s32 $0xFFFFC000  }
0x3e: {  	[spmem:s11] =	stream.linear.scatter [tilespmem:s20], [sflag:$0x3], $0x4000, $0x38;
	[tilespmem:$0x1E800] =	vst v63  }
0x3f: {  	_ =	swait.ge [sflag:s21], $0x4000  }
0x40: {  	[sflag:s21] =	ssyncset.done $0x0  }
0x41: {  	[sflag:s21] =	ssyncadd.s32 $0xFFFFC000  }
0x42: {  	s9 =	simm.s32 $0x0;
	[bflag:$0x0] =	sbarrier.arrive $0xFFFF  }
0x43: {  	[tilespmem:s26], [sflag:$0x3] =	stream.linear.gather [hbm4b:s16+s9], $0x1400, $0x38;
	[tilespmem:$0x1E800] =	vst v63  }
0x44: {  	_ =	swait.ge [sflag:s21], $0x1400  }
0x45: {  	[sflag:s21] =	ssyncset.done $0x0  }
0x46: {  	[sflag:s21] =	ssyncadd.s32 $0xFFFFEC00  }
0x47: {  	[tilespmem:s28], [sflag:$0x3] =	stream.linear.gather [hbm4b:s17+s9], $0x1400, $0x38;
	[tilespmem:$0x1E800] =	vst v63  }
0x48: {  	_ =	swait.ge [sflag:s21], $0x1400  }
0x49: {  	[sflag:s21] =	ssyncset.done $0x0  }
0x4a: {  	[sflag:s21] =	ssyncadd.s32 $0xFFFFEC00  }
0x4b: {  	[tilespmem:s20], [sflag:$0x1] =	stream.indirect.gather [hbm4b:s4+s29], $0x80, s26, s29, $0xb8;
	[tilespmem:$0x1E800] =	vst v63  }
0x4c: {  	_ = 	snop  }
0x4d: {  	[tilespmem:s31], [sflag:$0x2] =	stream.indirect.gather [hbm4b:s4+s29], $0x80, s30, s29, $0xb8;
	[tilespmem:$0x1E800] =	vst v63  }
0x4e: {  	_ =	swait.ge [sflag:s0], $0x4000  }
0x4f: {  	[sflag:s0] =	ssyncset.done $0x0  }
0x50: {  	s10 =	simm.s32 $0x15400;
	[sflag:s0] =	ssyncadd.s32 $0xFFFFC000  }
0x51: {  	[spmem:s2] =	stream.indirect.scatter.add.f32 [tilespmem:s20], [sflag:$0x3], $0x80, s10, s29, $0xb8;
	[tilespmem:$0x1E800] =	vst v63  }
0x52: {  	_ =	swait.ge [sflag:s21], $0x4000  }
0x53: {  	[sflag:s21] =	ssyncset.done $0x0  }
0x54: {  	s9 =	simm.s32 $0x14100;
	[sflag:s21] =	ssyncadd.s32 $0xFFFFC000  }
0x55: {  	[tilespmem:s20], [sflag:$0x1] =	stream.indirect.gather [hbm4b:s4+s29], $0x80, s9, s29, $0xb8;
	[tilespmem:$0x1E800] =	vst v63  }
0x56: {  	_ =	swait.ge [sflag:s1], $0x4000  }
0x57: {  	[sflag:s1] =	ssyncset.done $0x0  }
0x58: {  	s10 =	simm.s32 $0x15480;
	[sflag:s1] =	ssyncadd.s32 $0xFFFFC000  }
0x59: {  	[spmem:s2] =	stream.indirect.scatter.add.f32 [tilespmem:s31], [sflag:$0x3], $0x80, s10, s29, $0xb8;
	[tilespmem:$0x1E800] =	vst v63  }
0x5a: {  	_ =	swait.ge [sflag:s21], $0x4000  }
0x5b: {  	[sflag:s21] =	ssyncset.done $0x0  }
0x5c: {  	s8 =	simm.s32 $0x400;
	s9 =	simm.s32 $0x14180;
	[sflag:s21] =	ssyncadd.s32 $0xFFFFC000  }
.LBB2_4:
0x5d: {  	[tilespmem:s31], [sflag:$0x2] =	stream.indirect.gather [hbm4b:s4+s29], $0x80, s9, s29, $0xb8;
	[tilespmem:$0x1E800] =	vst v63  }
0x5e: {  	s9 =	smov.u32 s8  }
0x5f: {  	p0 =	sne.s32 s8, $0x4800;
	s8 =	sadd.s32 $0x400, s8;
	_ =	swait.ge [sflag:s0], $0x4000  }
0x60: {  	s9 =	sshra.s32 s9, $0x2;
	[sflag:s0] =	ssyncset.done $0x0  }
0x61: {  	s10 =	sadd.s32 $0x15400, s9;
	[sflag:s0] =	ssyncadd.s32 $0xFFFFC000  }
0x62: {  	[spmem:s2] =	stream.indirect.scatter.add.f32 [tilespmem:s20], [sflag:$0x3], $0x80, s10, s29, $0xb8;
	[tilespmem:$0x1E800] =	vst v63  }
0x63: {  	_ =	swait.ge [sflag:s21], $0x4000  }
0x64: {  	[sflag:s21] =	ssyncset.done $0x0  }
0x65: {  	s10 =	sadd.s32 $0x14100, s9;
	[sflag:s21] =	ssyncadd.s32 $0xFFFFC000  }
0x66: {  	[tilespmem:s20], [sflag:$0x1] =	stream.indirect.gather [hbm4b:s4+s29], $0x80, s10, s29, $0xb8;
	[tilespmem:$0x1E800] =	vst v63  }
0x67: {  	_ =	swait.ge [sflag:s1], $0x4000  }
0x68: {  	[sflag:s1] =	ssyncset.done $0x0  }
.Ltmp1:
0x69: {  	s10 =	sadd.s32 $0x15480, s9;
	[sflag:s1] =	ssyncadd.s32 $0xFFFFC000;
	(pc) =	sbr.rel @p0 .LBB2_4-.Ltmp1, $4  }
0x6a: {  	[spmem:s2] =	stream.indirect.scatter.add.f32 [tilespmem:s31], [sflag:$0x3], $0x80, s10, s29, $0xb8;
	[tilespmem:$0x1E800] =	vst v63  }
0x6b: {  	_ =	swait.ge [sflag:s21], $0x4000  }
0x6c: {  	[sflag:s21] =	ssyncset.done $0x0  }
0x6d: {  	s9 =	sadd.s32 $0x14180, s9;
	[sflag:s21] =	ssyncadd.s32 $0xFFFFC000  }
0x6e: {  	[tilespmem:s31], [sflag:$0x2] =	stream.indirect.gather [hbm4b:s4+s29], $0x80, s9, s29, $0xb8;
	[tilespmem:$0x1E800] =	vst v63  }
0x6f: {  	_ =	swait.ge [sflag:s0], $0x4000  }
0x70: {  	[sflag:s0] =	ssyncset.done $0x0  }
0x71: {  	[sflag:s0] =	ssyncadd.s32 $0xFFFFC000  }
0x72: {  	[spmem:s2] =	stream.indirect.scatter.add.f32 [tilespmem:s20], [sflag:$0x3], $0x80, s6, s29, $0xb8;
	[tilespmem:$0x1E800] =	vst v63  }
0x73: {  	_ =	swait.ge [sflag:s21], $0x4000  }
0x74: {  	[sflag:s21] =	ssyncset.done $0x0  }
0x75: {  	[sflag:s21] =	ssyncadd.s32 $0xFFFFC000  }
0x76: {  	_ =	swait.ge [sflag:s1], $0x4000  }
0x77: {  	[sflag:s1] =	ssyncset.done $0x0  }
0x78: {  	[sflag:s1] =	ssyncadd.s32 $0xFFFFC000  }
0x79: {  	[spmem:s2] =	stream.indirect.scatter.add.f32 [tilespmem:s31], [sflag:$0x3], $0x80, s7, s29, $0xb8;
	[tilespmem:$0x1E800] =	vst v63  }
0x7a: {  	_ =	swait.ge [sflag:s21], $0x4000  }
0x7b: {  	[sflag:s21] =	ssyncset.done $0x0  }
0x7c: {  	s8 =	simm.s32 $0x0;
	[sflag:s21] =	ssyncadd.s32 $0xFFFFC000  }
0x7d: {  	[tilespmem:s26], [sflag:$0x3] =	stream.linear.gather [hbm4b:s18+s8], $0x1400, $0x38;
	[tilespmem:$0x1E800] =	vst v63  }
0x7e: {  	_ =	swait.ge [sflag:s21], $0x1400  }
0x7f: {  	[sflag:s21] =	ssyncset.done $0x0  }
0x80: {  	[sflag:s21] =	ssyncadd.s32 $0xFFFFEC00  }
0x81: {  	[tilespmem:s28], [sflag:$0x3] =	stream.linear.gather [hbm4b:s19+s8], $0x1400, $0x38;
	[tilespmem:$0x1E800] =	vst v63  }
0x82: {  	_ =	swait.ge [sflag:s21], $0x1400  }
0x83: {  	[sflag:s21] =	ssyncset.done $0x0  }
0x84: {  	[sflag:s21] =	ssyncadd.s32 $0xFFFFEC00  }
0x85: {  	[tilespmem:s20], [sflag:$0x1] =	stream.indirect.gather [hbm4b:s4+s29], $0x80, s26, s29, $0xb8;
	[tilespmem:$0x1E800] =	vst v63  }
0x86: {  	_ = 	snop  }
0x87: {  	[tilespmem:s31], [sflag:$0x2] =	stream.indirect.gather [hbm4b:s4+s29], $0x80, s30, s29, $0xb8;
	[tilespmem:$0x1E800] =	vst v63  }
0x88: {  	_ =	swait.ge [sflag:s0], $0x4000  }
0x89: {  	[sflag:s0] =	ssyncset.done $0x0  }
0x8a: {  	s10 =	simm.s32 $0x15400;
	[sflag:s0] =	ssyncadd.s32 $0xFFFFC000  }
0x8b: {  	[spmem:s2] =	stream.indirect.scatter.add.f32 [tilespmem:s20], [sflag:$0x3], $0x80, s10, s29, $0xb8;
	[tilespmem:$0x1E800] =	vst v63  }
0x8c: {  	_ =	swait.ge [sflag:s21], $0x4000  }
0x8d: {  	[sflag:s21] =	ssyncset.done $0x0  }
0x8e: {  	s9 =	simm.s32 $0x14100;
	[sflag:s21] =	ssyncadd.s32 $0xFFFFC000  }
0x8f: {  	[tilespmem:s20], [sflag:$0x1] =	stream.indirect.gather [hbm4b:s4+s29], $0x80, s9, s29, $0xb8;
	[tilespmem:$0x1E800] =	vst v63  }
0x90: {  	_ =	swait.ge [sflag:s1], $0x4000  }
0x91: {  	[sflag:s1] =	ssyncset.done $0x0  }
0x92: {  	s10 =	simm.s32 $0x15480;
	[sflag:s1] =	ssyncadd.s32 $0xFFFFC000  }
0x93: {  	[spmem:s2] =	stream.indirect.scatter.add.f32 [tilespmem:s31], [sflag:$0x3], $0x80, s10, s29, $0xb8;
	[tilespmem:$0x1E800] =	vst v63  }
0x94: {  	_ =	swait.ge [sflag:s21], $0x4000  }
0x95: {  	[sflag:s21] =	ssyncset.done $0x0  }
0x96: {  	s8 =	simm.s32 $0x400;
	s9 =	simm.s32 $0x14180;
	[sflag:s21] =	ssyncadd.s32 $0xFFFFC000  }
.LBB2_6:
0x97: {  	[tilespmem:s31], [sflag:$0x2] =	stream.indirect.gather [hbm4b:s4+s29], $0x80, s9, s29, $0xb8;
	[tilespmem:$0x1E800] =	vst v63  }
0x98: {  	s9 =	smov.u32 s8  }
0x99: {  	p0 =	sne.s32 s8, $0x4800;
	s8 =	sadd.s32 $0x400, s8;
	_ =	swait.ge [sflag:s0], $0x4000  }
0x9a: {  	s9 =	sshra.s32 s9, $0x2;
	[sflag:s0] =	ssyncset.done $0x0  }
0x9b: {  	s10 =	sadd.s32 $0x15400, s9;
	[sflag:s0] =	ssyncadd.s32 $0xFFFFC000  }
0x9c: {  	[spmem:s2] =	stream.indirect.scatter.add.f32 [tilespmem:s20], [sflag:$0x3], $0x80, s10, s29, $0xb8;
	[tilespmem:$0x1E800] =	vst v63  }
0x9d: {  	_ =	swait.ge [sflag:s21], $0x4000  }
0x9e: {  	[sflag:s21] =	ssyncset.done $0x0  }
0x9f: {  	s10 =	sadd.s32 $0x14100, s9;
	[sflag:s21] =	ssyncadd.s32 $0xFFFFC000  }
0xa0: {  	[tilespmem:s20], [sflag:$0x1] =	stream.indirect.gather [hbm4b:s4+s29], $0x80, s10, s29, $0xb8;
	[tilespmem:$0x1E800] =	vst v63  }
0xa1: {  	_ =	swait.ge [sflag:s1], $0x4000  }
0xa2: {  	[sflag:s1] =	ssyncset.done $0x0  }
.Ltmp2:
0xa3: {  	s10 =	sadd.s32 $0x15480, s9;
	[sflag:s1] =	ssyncadd.s32 $0xFFFFC000;
	(pc) =	sbr.rel @p0 .LBB2_6-.Ltmp2, $4  }
0xa4: {  	[spmem:s2] =	stream.indirect.scatter.add.f32 [tilespmem:s31], [sflag:$0x3], $0x80, s10, s29, $0xb8;
	[tilespmem:$0x1E800] =	vst v63  }
0xa5: {  	_ =	swait.ge [sflag:s21], $0x4000  }
0xa6: {  	[sflag:s21] =	ssyncset.done $0x0  }
0xa7: {  	s9 =	sadd.s32 $0x14180, s9;
	[sflag:s21] =	ssyncadd.s32 $0xFFFFC000  }
0xa8: {  	[tilespmem:s31], [sflag:$0x2] =	stream.indirect.gather [hbm4b:s4+s29], $0x80, s9, s29, $0xb8;
	[tilespmem:$0x1E800] =	vst v63  }
0xa9: {  	_ =	swait.ge [sflag:s0], $0x4000  }
0xaa: {  	[sflag:s0] =	ssyncset.done $0x0  }
0xab: {  	[sflag:s0] =	ssyncadd.s32 $0xFFFFC000  }
0xac: {  	[spmem:s2] =	stream.indirect.scatter.add.f32 [tilespmem:s20], [sflag:$0x3], $0x80, s6, s29, $0xb8;
	[tilespmem:$0x1E800] =	vst v63  }
0xad: {  	_ =	swait.ge [sflag:s21], $0x4000  }
0xae: {  	[sflag:s21] =	ssyncset.done $0x0  }
0xaf: {  	[sflag:s21] =	ssyncadd.s32 $0xFFFFC000  }
0xb0: {  	_ =	swait.ge [sflag:s1], $0x4000  }
0xb1: {  	[sflag:s1] =	ssyncset.done $0x0  }
0xb2: {  	[sflag:s1] =	ssyncadd.s32 $0xFFFFC000  }
0xb3: {  	[spmem:s2] =	stream.indirect.scatter.add.f32 [tilespmem:s31], [sflag:$0x3], $0x80, s7, s29, $0xb8;
	[tilespmem:$0x1E800] =	vst v63  }
0xb4: {  	_ =	swait.ge [sflag:s21], $0x4000  }
0xb5: {  	[sflag:s21] =	ssyncset.done $0x0  }
0xb6: {  	s8 =	stileid.u32;
	[sflag:s21] =	ssyncadd.s32 $0xFFFFC000  }
0xb7: {  	s8 =	sshll.u32 s8, $0x6;
	[bflag:$0x0] =	sbarrier.arrive $0xFFFF  }
0xb8: {  	s9 =	sshrl.u32 s5, $0x3;
	s8 =	sor.u32 $0x1C03, s8;
	s10 =	rddreg [dreg:$0x5]  }
0xb9: {  	[hbm:s10], [sflag:s8] =	dma.local [spmem:s9], $0x800  }
0xba: {  	_ =	swait.ge [sflag:s21], $0x800  }
0xbb: {  	[sflag:s21] =	ssyncset.done $0x0  }
0xbc: {  	[sflag:s21] =	ssyncadd.s32 $0xFFFFF800  }
0xbd: {  	[hbm:s12], [sflag:s8] =	dma.local [spmem:s22], $0x800  }
0xbe: {  	_ =	swait.ge [sflag:s21], $0x800  }
0xbf: {  	[sflag:s21] =	ssyncset.done $0x0  }
0xc0: {  	[sflag:s21] =	ssyncadd.s32 $0xFFFFF800  }
0xc1: {  	[hbm:s13], [sflag:s8] =	dma.local [spmem:s23], $0x800  }
0xc2: {  	_ =	swait.ge [sflag:s21], $0x800  }
0xc3: {  	[sflag:s21] =	ssyncset.done $0x0  }
0xc4: {  	[sflag:s21] =	ssyncadd.s32 $0xFFFFF800  }
0xc5: {  	[hbm:s14], [sflag:s8] =	dma.local [spmem:s24], $0x800  }
0xc6: {  	_ =	swait.ge [sflag:s21], $0x800  }
0xc7: {  	[sflag:s21] =	ssyncset.done $0x0  }
0xc8: {  	[sflag:s21] =	ssyncadd.s32 $0xFFFFF800  }
0xc9: {  	[hbm:s15], [sflag:s8] =	dma.local [spmem:s25], $0x800  }
0xca: {  	_ =	swait.ge [sflag:s21], $0x800  }
0xcb: {  	s3 =	sadd.s32 $0x1, s3;
	s10 =	rddreg [dreg:$0x6]  }
0xcc: {  	p0 =	sne.s32 s3, s10  }
.Ltmp3:
0xcd: {  	_ = 	snop;
	(pc) =	sbr.rel @p0 .LBB2_1-.Ltmp3, $3  }
0xce: {  	_ =	sdelay $0x1  }
0xcf: {  	[sflag:s21] =	ssyncset.done $0x0  }
0xd0: {  	[sflag:s21] =	ssyncadd.s32 $0xFFFFF800  }
0xd1: {  	_ =	sfence.sel $0x180000  }
0xd2: {  	[bflag:$0x0] =	sbarrier.arrive $0xFFFF  }
0xd3: {  	_ =	strace $0x90000050  }
0xd4: {  	s0 =	stileid.u32;
	[bflag:$0x2] =	sbarrier.arrive $0xFFFF  }
0xd5: {  	p0 =	sne.s32 s0, $0x0;
	s0 =	rddreg [dreg:$0x4]  }
0xd6: {  	s0 =	sadd.s32 @!p0 $0x100000, s0  }
0xd7: {  	[sflag:s0] =	ssyncadd.tile.s32 @!p0 $0x1;
	_ =	shalt  }
.Lfunc_end2:
_tile_overlayer_lowered:
.L_overlay_start_2:
0xd8: {  	(tag) =	ssettag $0x2  }
0xd9: {  	s0 =	rddreg [dreg:$0x0];
	s2 =	stileid.u32  }
0xda: {  	s1 =	rddreg [dreg:$0x1];
	p0 =	sne.s32 s2, $0x0  }
0xdb: {  	s3 =	rddreg [dreg:$0x2];
	[bflag:$0x3] =	sbarrier.arrive $0xFFFF;
	s2 =	simm.s32 @!p0 $0x1C03  }
0xdc: {  	[timem:s3], [sflag:s2] =	dma.local @!p0 [hbm:s0], s1  }
0xdd: {  	s0 =	simm.s32 @!p0 $0x3  }
0xde: {  	_ =	swait.ge @!p0 [sflag:s0], s1  }
0xdf: {  	s1 =	ssub.s32 @!p0 $0x0, s1;
	[sflag:s0] =	ssyncset.done @!p0 $0x0  }
0xe0: {  	[sflag:s0] =	ssyncadd.s32 @!p0 s1  }
0xe1: {  	[bflag:$0x3] =	sbarrier.arrive $0xFFFF  }
0xe2: {  	_ =	shalt  }

</sc_bundles>
